<compile_context>
chip_gen: v7x
topology: tpu7x:2x2x1
jax: 0.10.2.dev20260603
libtpu: 0.0.44.dev20260713+nightly
codegen_flags: <defaults>
</compile_context>

<pallas_src>
import jax
import jax.numpy as jnp
from jax import lax
from jax.experimental import pallas as pl
from jax.experimental.pallas import tpu as pltpu
from jax.experimental.pallas import tpu_sc as plsc

N = 10000
D_IN = 128
H1 = 64
H2 = 32

NC = 2
NS = 16
NW = NC * NS
SUB = 128
RPS = 632
N_ACC = NS * RPS

W1 = H1 + 8


NBUF = 6


def _make_sc_agg(n_total: int, n_core0: int, width: int):
    mesh = plsc.VectorSubcoreMesh(core_axis_name="c", subcore_axis_name="s")
    base0, rem0 = divmod(n_core0, NS)
    base1, rem1 = divmod(n_total - n_core0, NS)
    n_max = max(base0 + (rem0 > 0), base1 + (rem1 > 0))
    n_outer = -(-n_max // NBUF)

    def body(table, src_h, dst_h, zeros, out, src_v, dst_v, rows_v, acc_sh,
             sems):
        c = lax.axis_index("c")
        s = lax.axis_index("s")
        base = jnp.where(c == 0, base0, base1)
        rem = jnp.where(c == 0, rem0, rem1)
        off = jnp.where(c == 0, 0, n_core0)
        m = base + (s < rem)
        a = off + s * base + jnp.minimum(s, rem)
        st = jnp.minimum(a, n_total - n_max)
        d = a - st

        pltpu.sync_copy(zeros, acc_sh.at[pl.ds(s * RPS, RPS)])
        pltpu.sync_copy(src_h.at[pl.ds(st * SUB, n_max * SUB)], src_v)
        pltpu.sync_copy(dst_h.at[pl.ds(st * SUB, n_max * SUB)], dst_v)
        plsc.subcore_barrier()

        for b in range(NBUF):
            pltpu.async_copy(table.at[src_v.at[pl.ds((d + b) * SUB, SUB)]],
                             rows_v.at[b], sems.at[b])

        def step(o, carry):
            j0 = o * NBUF
            for b in range(NBUF):
                j = j0 + b

                @pl.when(j < m)
                def _():
                    pltpu.make_async_copy(
                        table.at[src_v.at[pl.ds((d + j) * SUB, SUB)]],
                        rows_v.at[b], sems.at[b]
                    ).wait()
                    pltpu.sync_copy(
                        rows_v.at[b],
                        acc_sh.at[dst_v.at[pl.ds((d + j) * SUB, SUB)]],
                        add=True)

                    @pl.when(j + NBUF < m)
                    def _():
                        pltpu.async_copy(
                            table.at[
                                src_v.at[pl.ds((d + j + NBUF) * SUB, SUB)]],
                            rows_v.at[b], sems.at[b])
            return carry

        lax.fori_loop(0, n_outer, step, 0)
        plsc.subcore_barrier()
        pltpu.sync_copy(acc_sh.at[pl.ds(s * RPS, RPS)],
                        out.at[c, pl.ds(s * RPS, RPS)])

    return pl.kernel(
        body,
        out_type=jax.ShapeDtypeStruct((NC, N_ACC, width), jnp.float32),
        mesh=mesh,
        scratch_types=[
            pltpu.VMEM((n_max * SUB,), jnp.int32),
            pltpu.VMEM((n_max * SUB,), jnp.int32),
            pltpu.VMEM((NBUF, SUB, width), jnp.float32),
            pltpu.VMEM_SHARED((N_ACC, width), jnp.float32),
            pltpu.SemaphoreType.DMA((NBUF,)),
        ],
        compiler_params=pltpu.CompilerParams(use_tc_tiling_on_sc=False),
    )


def _proj1_body(x_ref, wl_ref, wr_ref, bl_ref, p_ref, q_ref):
    xb = x_ref[...]
    p = jnp.dot(xb, wl_ref[...], preferred_element_type=jnp.float32)
    ones = jnp.ones((xb.shape[0], W1 - H1), jnp.float32)
    p_ref[...] = jnp.concatenate([p, ones], axis=1)
    q_ref[...] = (
        jnp.dot(xb, wr_ref[...], preferred_element_type=jnp.float32)
        + bl_ref[...]
    )


def _edge_split_body(ei_ref, src_ref, dst_ref):
    src_ref[...] = ei_ref[0]
    dst_ref[...] = ei_ref[1]


def _mid_body(a0_ref, a1_ref, q1_ref, wl_ref, wr_ref, bl_ref,
              p2_ref, q2_ref):
    sfull = a0_ref[0] + a1_ref[0]
    deg = jnp.maximum(sfull[:, H1:H1 + 1], 1.0)
    h1 = jax.nn.relu(sfull[:, :H1] / deg + q1_ref[...])
    p2_ref[...] = jnp.dot(h1, wl_ref[...], preferred_element_type=jnp.float32)
    q2 = (jnp.dot(h1, wr_ref[...], preferred_element_type=jnp.float32)
          + bl_ref[...])
    q2_ref[...] = jnp.concatenate(
        [q2, jnp.broadcast_to(deg, (q2.shape[0], 8))], axis=1)


def _head_body(b0_ref, b1_ref, q2_ref, wa_ref, ba_ref, ang_ref):
    sfull = b0_ref[0] + b1_ref[0]
    q2e = q2_ref[...]
    deg = q2e[:, H2:H2 + 1]
    h2 = jax.nn.relu(sfull / deg + q2e[:, :H2])
    ang = jnp.dot(h2, wa_ref[...], preferred_element_type=jnp.float32)
    ang_ref[...] = ang + ba_ref[...]


def _trig_body(ang_ref, out_ref):
    ang = ang_ref[...]
    c = jnp.cos(ang)
    s = jnp.sin(ang)
    out_ref[...] = jnp.concatenate([c, -s, s, c], axis=0)


_BLK = 2000


def _full(shape):
    return pl.BlockSpec(shape, lambda i: tuple(0 for _ in shape))


def _rows(width):
    return pl.BlockSpec((_BLK, width), lambda i: (i, 0))


_FRAC1 = 75 / 157
_FRAC2 = 78 / 157


def kernel(x, edge_index, Wl1, bl1, Wr1, Wl2, bl2, Wr2, Wa, ba):
    E = edge_index.shape[1]
    n_grid = N // _BLK
    grid = (n_grid,)
    edge_index = edge_index.astype(jnp.int32)

    ep = E
    if ep % SUB:
        pad = SUB - ep % SUB
        edge_index = jnp.concatenate(
            [edge_index,
             jnp.concatenate([jnp.zeros((1, pad), jnp.int32),
                              jnp.full((1, pad), N, jnp.int32)])], axis=1)
        ep += pad
    n_tot = ep // SUB
    n_a1 = max(NS, int(n_tot * _FRAC1))
    n_a2 = max(NS, int(n_tot * _FRAC2))

    src, dst = pl.pallas_call(
        _edge_split_body,
        grid=(1,),
        in_specs=[pl.BlockSpec((2, ep), lambda i: (0, 0))],
        out_specs=[pl.BlockSpec((ep,), lambda i: (0,)),
                   pl.BlockSpec((ep,), lambda i: (0,))],
        out_shape=[jax.ShapeDtypeStruct((ep,), jnp.int32),
                   jax.ShapeDtypeStruct((ep,), jnp.int32)],
    )(edge_index)

    p1ext, q1 = pl.pallas_call(
        _proj1_body,
        grid=grid,
        in_specs=[_rows(D_IN), _full((D_IN, H1)), _full((D_IN, H1)),
                  _full((1, H1))],
        out_specs=[_rows(W1), _rows(H1)],
        out_shape=[jax.ShapeDtypeStruct((N, W1), jnp.float32),
                   jax.ShapeDtypeStruct((N, H1), jnp.float32)],
    )(x, Wl1, Wr1, bl1.reshape(1, H1))

    zeros1 = jnp.zeros((RPS, W1), jnp.float32)
    agg1 = _make_sc_agg(n_tot, n_a1, W1)(p1ext, src, dst, zeros1)

    def _plane(width, c):
        return pl.BlockSpec((1, _BLK, width), lambda i, c=c: (c, i, 0))

    p2, q2e = pl.pallas_call(
        _mid_body,
        grid=grid,
        in_specs=[_plane(W1, 0), _plane(W1, 1), _rows(H1), _full((H1, H2)),
                  _full((H1, H2)), _full((1, H2))],
        out_specs=[_rows(H2), _rows(H2 + 8)],
        out_shape=[jax.ShapeDtypeStruct((N, H2), jnp.float32),
                   jax.ShapeDtypeStruct((N, H2 + 8), jnp.float32)],
    )(agg1, agg1, q1, Wl2, Wr2, bl2.reshape(1, H2))

    zeros2 = jnp.zeros((RPS, H2), jnp.float32)
    agg2 = _make_sc_agg(n_tot, n_a2, H2)(p2, src, dst, zeros2)

    ang = pl.pallas_call(
        _head_body,
        grid=grid,
        in_specs=[_plane(H2, 0), _plane(H2, 1), _rows(H2 + 8),
                  _full((H2, 1)), _full((1, 1))],
        out_specs=[_rows(1)],
        out_shape=[jax.ShapeDtypeStruct((N, 1), jnp.float32)],
    )(agg2, agg2, q2e, Wa, ba.reshape(1, 1))[0]

    maps4 = pl.pallas_call(
        _trig_body,
        grid=(1,),
        in_specs=[pl.BlockSpec((1, N), lambda i: (0, 0))],
        out_specs=pl.BlockSpec((4, N), lambda i: (0, 0)),
        out_shape=jax.ShapeDtypeStruct((4, N), jnp.float32),
    )(ang.reshape(1, N))

    return maps4.T.reshape(N, 2, 2)

# --- scband reference (transcript-rebuilt; emitter-appended) ---
"""Pipeline reference for scband-improved-bundle-map-learner-51049981280280 (READ-ONLY COPY).

The authoritative reference and input builder live on the scoring server;
editing this copy changes nothing except your own understanding.
"""

import jax, jax.numpy as jnp
import numpy as np

N = 10000
E = 320000
D_IN = 128
H1 = 64
H2 = 32


def _sage_conv(x, src, dst, Wl, bl, Wr, n_nodes):
    # PyG SAGEConv with mean aggregation:
    # out = lin_l(mean_{j in N(i)} x_j) + lin_r(x_i)
    msgs = x[src]
    agg = jax.ops.segment_sum(msgs, dst, num_segments=n_nodes)
    deg = jax.ops.segment_sum(jnp.ones((src.shape[0],), dtype=x.dtype), dst, num_segments=n_nodes)
    deg = jnp.clip(deg, 1.0, None)
    mean_agg = agg / deg[:, None]
    return mean_agg @ Wl + bl + x @ Wr


def setup_inputs(seed: int = 0) -> dict:
    key = jax.random.key(seed)
    ks = jax.random.split(key, 10)
    x = jax.random.normal(ks[0], (N, D_IN), dtype=jnp.float32)
    edge_index = jax.random.randint(ks[1], (2, E), 0, N, dtype=jnp.int64)
    # SAGEConv1: D_IN -> H1
    Wl1 = jax.random.normal(ks[2], (D_IN, H1), dtype=jnp.float32) * (1.0 / np.sqrt(D_IN))
    bl1 = jnp.zeros((H1,), dtype=jnp.float32)
    Wr1 = jax.random.normal(ks[3], (D_IN, H1), dtype=jnp.float32) * (1.0 / np.sqrt(D_IN))
    # SAGEConv2: H1 -> H2
    Wl2 = jax.random.normal(ks[4], (H1, H2), dtype=jnp.float32) * (1.0 / np.sqrt(H1))
    bl2 = jnp.zeros((H2,), dtype=jnp.float32)
    Wr2 = jax.random.normal(ks[5], (H1, H2), dtype=jnp.float32) * (1.0 / np.sqrt(H1))
    # angle head: H2 -> 1
    Wa = jax.random.normal(ks[6], (H2, 1), dtype=jnp.float32) * (1.0 / np.sqrt(H2))
    ba = jnp.zeros((1,), dtype=jnp.float32)
    return {"x": x, "edge_index": edge_index, "Wl1": Wl1, "bl1": bl1, "Wr1": Wr1,
            "Wl2": Wl2, "bl2": bl2, "Wr2": Wr2, "Wa": Wa, "ba": ba}


def reference(x, edge_index, Wl1, bl1, Wr1, Wl2, bl2, Wr2, Wa, ba):
    src = edge_index[0]
    dst = edge_index[1]
    n = x.shape[0]
    h = jax.nn.relu(_sage_conv(x, src, dst, Wl1, bl1, Wr1, n))
    h = jax.nn.relu(_sage_conv(h, src, dst, Wl2, bl2, Wr2, n))
    angles = (h @ Wa + ba)[:, 0]
    cos_t = jnp.cos(angles)
    sin_t = jnp.sin(angles)
    row0 = jnp.stack([cos_t, -sin_t], axis=-1)
    row1 = jnp.stack([sin_t, cos_t], axis=-1)
    O_maps = jnp.stack([row0, row1], axis=1)  # [n, 2, 2]
    return O_maps

if __name__ == "__main__":
    import jax
    _d = setup_inputs()
    print(jax.jit(kernel)(*tuple(_d.values())))

</pallas_src>

<mosaic_0001>
#map = affine_map<(d0, d1) -> (0, 0)>
#map1 = affine_map<(d0, d1) -> (0)>
#map2 = affine_map<(d0, d1) -> (0, 0, 0)>
module attributes {stable_mosaic.version = 14 : i64} {
  func.func @body(%arg0: i32, %arg1: i32, %arg2: memref<10000x32xf32, #tpu.memory_space<hbm>>, %arg3: memref<320000xi32, #tpu.memory_space<hbm>>, %arg4: memref<320000xi32, #tpu.memory_space<hbm>>, %arg5: memref<632x32xf32, #tpu.memory_space<hbm>>, %arg6: memref<2x10112x32xf32, #tpu.memory_space<hbm>>, %arg7: memref<10112xi32, #tpu.memory_space<vmem>>, %arg8: memref<10112xi32, #tpu.memory_space<vmem>>, %arg9: memref<6x128x32xf32, #tpu.memory_space<vmem>>, %arg10: memref<10112x32xf32, #tpu.memory_space<vmem_shared>>, %arg11: memref<6x!tpu.dma_semaphore, #tpu.memory_space<semaphore_mem>>) attributes {dimension_semantics = [#tpu.dimension_semantics<core_parallel>, #tpu.dimension_semantics<subcore_parallel>], iteration_bounds = array<i64: 2, 16>, scalar_prefetch = 0 : i64, scratch_operands = 5 : i64, tpu.core_type = #tpu.core_type<sc_vector_subcore>, window_params = [{transform_indices = #map}, {transform_indices = #map1}, {transform_indices = #map1}, {transform_indices = #map}, {transform_indices = #map2}]} {
    %eq3A = arith.constant 0 : i32
    %eq3A_0 = arith.cmpi eq, %arg0, %eq3A : i32
    %jit3A = arith.constant 77 : i32
    %jit3A_1 = arith.constant 78 : i32
    %select_n3A = arith.select %eq3A_0, %jit3A, %jit3A_1 : i32
    %eq3A_2 = arith.constant 0 : i32
    %eq3A_3 = arith.cmpi eq, %arg0, %eq3A_2 : i32
    %jit3A_4 = arith.constant 10 : i32
    %jit3A_5 = arith.constant 10 : i32
    %select_n3A_6 = arith.select %eq3A_3, %jit3A_4, %jit3A_5 : i32
    %eq3A_7 = arith.constant 0 : i32
    %eq3A_8 = arith.cmpi eq, %arg0, %eq3A_7 : i32
    %jit3A_9 = arith.constant 0 : i32
    %jit3A_10 = arith.constant 1242 : i32
    %select_n3A_11 = arith.select %eq3A_8, %jit3A_9, %jit3A_10 : i32
    %lt3A = arith.cmpi slt, %arg1, %select_n3A_6 : i32
    %convert_element_type3A = arith.extui %lt3A : i1 to i32
    %add3A = arith.addi %select_n3A, %convert_element_type3A : i32
    %mul3A = arith.muli %arg1, %select_n3A : i32
    %add3A_12 = arith.addi %select_n3A_11, %mul3A : i32
    %min3A = arith.minsi %arg1, %select_n3A_6 : i32
    %add3A_13 = arith.addi %add3A_12, %min3A : i32
    %min3A_14 = arith.constant 2421 : i32
    %min3A_15 = arith.minsi %add3A_13, %min3A_14 : i32
    %sub3A = arith.subi %add3A_13, %min3A_15 : i32
    %mul3A_16 = arith.constant 632 : i32
    %mul3A_17 = arith.muli %arg1, %mul3A_16 : i32
    "tpu.region"() ({
      %run_scoped3A = tpu.sem_alloc : memref<!tpu.dma_semaphore, #tpu.memory_space<semaphore_mem>>
      %dma_start3A_127 = arith.constant 0 : i32
      %dma_start3A_128 = tpu.memref_slice %arg10[%mul3A_17, %dma_start3A_127] : memref<10112x32xf32, #tpu.memory_space<vmem_shared>> -> memref<632x32xf32, #tpu.memory_space<vmem_shared>>
      tpu.enqueue_dma source(%arg5 : memref<632x32xf32, #tpu.memory_space<hbm>>) target(%dma_start3A_128 : memref<632x32xf32, #tpu.memory_space<vmem_shared>>) target_semaphore(%run_scoped3A : memref<!tpu.dma_semaphore, #tpu.memory_space<semaphore_mem>>)
      %dma_wait3A = arith.constant 0 : i32
      %dma_wait3A_129 = tpu.memref_slice %arg10[%mul3A_17, %dma_wait3A] : memref<10112x32xf32, #tpu.memory_space<vmem_shared>> -> memref<632x32xf32, #tpu.memory_space<vmem_shared>>
      tpu.wait_dma2 semaphore(%run_scoped3A : memref<!tpu.dma_semaphore, #tpu.memory_space<semaphore_mem>>) src(%arg5 : memref<632x32xf32, #tpu.memory_space<hbm>>) dst(%dma_wait3A_129 : memref<632x32xf32, #tpu.memory_space<vmem_shared>>)
      tpu.yield
    }) : () -> ()
    %mul3A_18 = arith.constant 128 : i32
    %mul3A_19 = arith.muli %min3A_15, %mul3A_18 : i32
    "tpu.region"() ({
      %run_scoped3A = tpu.sem_alloc : memref<!tpu.dma_semaphore, #tpu.memory_space<semaphore_mem>>
      %dma_start3A_127 = tpu.memref_slice %arg3[%mul3A_19] : memref<320000xi32, #tpu.memory_space<hbm>> -> memref<10112xi32, #tpu.memory_space<hbm>>
      %dma_start3A_128 = tpu.memref_slice %arg3[%mul3A_19] : memref<320000xi32, #tpu.memory_space<hbm>> -> memref<10112xi32, #tpu.memory_space<hbm>>
      tpu.enqueue_dma source(%dma_start3A_128 : memref<10112xi32, #tpu.memory_space<hbm>>) target(%arg7 : memref<10112xi32, #tpu.memory_space<vmem>>) target_semaphore(%run_scoped3A : memref<!tpu.dma_semaphore, #tpu.memory_space<semaphore_mem>>)
      %dma_wait3A = tpu.memref_slice %arg3[%mul3A_19] : memref<320000xi32, #tpu.memory_space<hbm>> -> memref<10112xi32, #tpu.memory_space<hbm>>
      %dma_wait3A_129 = tpu.memref_slice %arg3[%mul3A_19] : memref<320000xi32, #tpu.memory_space<hbm>> -> memref<10112xi32, #tpu.memory_space<hbm>>
      tpu.wait_dma2 semaphore(%run_scoped3A : memref<!tpu.dma_semaphore, #tpu.memory_space<semaphore_mem>>) src(%dma_wait3A_129 : memref<10112xi32, #tpu.memory_space<hbm>>) dst(%arg7 : memref<10112xi32, #tpu.memory_space<vmem>>)
      tpu.yield
    }) : () -> ()
    %mul3A_20 = arith.constant 128 : i32
    %mul3A_21 = arith.muli %min3A_15, %mul3A_20 : i32
    "tpu.region"() ({
      %run_scoped3A = tpu.sem_alloc : memref<!tpu.dma_semaphore, #tpu.memory_space<semaphore_mem>>
      %dma_start3A_127 = tpu.memref_slice %arg4[%mul3A_21] : memref<320000xi32, #tpu.memory_space<hbm>> -> memref<10112xi32, #tpu.memory_space<hbm>>
      %dma_start3A_128 = tpu.memref_slice %arg4[%mul3A_21] : memref<320000xi32, #tpu.memory_space<hbm>> -> memref<10112xi32, #tpu.memory_space<hbm>>
      tpu.enqueue_dma source(%dma_start3A_128 : memref<10112xi32, #tpu.memory_space<hbm>>) target(%arg8 : memref<10112xi32, #tpu.memory_space<vmem>>) target_semaphore(%run_scoped3A : memref<!tpu.dma_semaphore, #tpu.memory_space<semaphore_mem>>)
      %dma_wait3A = tpu.memref_slice %arg4[%mul3A_21] : memref<320000xi32, #tpu.memory_space<hbm>> -> memref<10112xi32, #tpu.memory_space<hbm>>
      %dma_wait3A_129 = tpu.memref_slice %arg4[%mul3A_21] : memref<320000xi32, #tpu.memory_space<hbm>> -> memref<10112xi32, #tpu.memory_space<hbm>>
      tpu.wait_dma2 semaphore(%run_scoped3A : memref<!tpu.dma_semaphore, #tpu.memory_space<semaphore_mem>>) src(%dma_wait3A_129 : memref<10112xi32, #tpu.memory_space<hbm>>) dst(%arg8 : memref<10112xi32, #tpu.memory_space<vmem>>)
      tpu.yield
    }) : () -> ()
    %barrier3A = arith.constant 0 : index
    tpu.barrier barrier_id(%barrier3A)
    %add3A_22 = arith.constant 0 : i32
    %add3A_23 = arith.addi %sub3A, %add3A_22 : i32
    %mul3A_24 = arith.constant 128 : i32
    %mul3A_25 = arith.muli %add3A_23, %mul3A_24 : i32
    %dma_start3A = arith.constant 0 : i32
    %dma_start3A_26 = arith.constant 0 : i32
    %dma_start3A_27 = arith.constant 0 : i32
    %dma_start3A_28 = arith.constant 0 : i32
    %dma_start3A_29 = tpu.memref_slice %arg9[%dma_start3A, %dma_start3A_27, %dma_start3A_28] : memref<6x128x32xf32, #tpu.memory_space<vmem>> -> memref<1x128x32xf32, #tpu.memory_space<vmem>>
    %dma_start3A_30 = tpu.memref_squeeze %dma_start3A_29 : memref<1x128x32xf32, #tpu.memory_space<vmem>> -> memref<128x32xf32, #tpu.memory_space<vmem>>
    %dma_start3A_31 = tpu.memref_slice %arg7[%mul3A_25] : memref<10112xi32, #tpu.memory_space<vmem>> -> memref<128xi32, #tpu.memory_space<vmem>>
    %dma_start3A_32 = arith.constant 0 : i32
    %dma_start3A_33 = arith.constant 0 : i32
    %dma_start3A_34 = tpu.memref_slice %arg2[%dma_start3A_32, %dma_start3A_33] : memref<10000x32xf32, #tpu.memory_space<hbm>> -> memref<10000x32xf32, #tpu.memory_space<hbm>>
    %dma_start3A_35 = tpu.memref_slice %arg11[%dma_start3A_26] : memref<6x!tpu.dma_semaphore, #tpu.memory_space<semaphore_mem>> -> memref<1x!tpu.dma_semaphore, #tpu.memory_space<semaphore_mem>>
    %dma_start3A_36 = tpu.memref_squeeze %dma_start3A_35 : memref<1x!tpu.dma_semaphore, #tpu.memory_space<semaphore_mem>> -> memref<!tpu.dma_semaphore, #tpu.memory_space<semaphore_mem>>
    tpu.enqueue_indirect_dma source(%dma_start3A_34 : memref<10000x32xf32, #tpu.memory_space<hbm>>) target(%dma_start3A_30 : memref<128x32xf32, #tpu.memory_space<vmem>>) offsets(%dma_start3A_31 : memref<128xi32, #tpu.memory_space<vmem>>) semaphore(%dma_start3A_36 : memref<!tpu.dma_semaphore, #tpu.memory_space<semaphore_mem>>)
    %add3A_37 = arith.constant 1 : i32
    %add3A_38 = arith.addi %sub3A, %add3A_37 : i32
    %mul3A_39 = arith.constant 128 : i32
    %mul3A_40 = arith.muli %add3A_38, %mul3A_39 : i32
    %dma_start3A_41 = arith.constant 1 : i32
    %dma_start3A_42 = arith.constant 1 : i32
    %dma_start3A_43 = arith.constant 0 : i32
    %dma_start3A_44 = arith.constant 0 : i32
    %dma_start3A_45 = tpu.memref_slice %arg9[%dma_start3A_41, %dma_start3A_43, %dma_start3A_44] : memref<6x128x32xf32, #tpu.memory_space<vmem>> -> memref<1x128x32xf32, #tpu.memory_space<vmem>>
    %dma_start3A_46 = tpu.memref_squeeze %dma_start3A_45 : memref<1x128x32xf32, #tpu.memory_space<vmem>> -> memref<128x32xf32, #tpu.memory_space<vmem>>
    %dma_start3A_47 = tpu.memref_slice %arg7[%mul3A_40] : memref<10112xi32, #tpu.memory_space<vmem>> -> memref<128xi32, #tpu.memory_space<vmem>>
    %dma_start3A_48 = arith.constant 0 : i32
    %dma_start3A_49 = arith.constant 0 : i32
    %dma_start3A_50 = tpu.memref_slice %arg2[%dma_start3A_48, %dma_start3A_49] : memref<10000x32xf32, #tpu.memory_space<hbm>> -> memref<10000x32xf32, #tpu.memory_space<hbm>>
    %dma_start3A_51 = tpu.memref_slice %arg11[%dma_start3A_42] : memref<6x!tpu.dma_semaphore, #tpu.memory_space<semaphore_mem>> -> memref<1x!tpu.dma_semaphore, #tpu.memory_space<semaphore_mem>>
    %dma_start3A_52 = tpu.memref_squeeze %dma_start3A_51 : memref<1x!tpu.dma_semaphore, #tpu.memory_space<semaphore_mem>> -> memref<!tpu.dma_semaphore, #tpu.memory_space<semaphore_mem>>
    tpu.enqueue_indirect_dma source(%dma_start3A_50 : memref<10000x32xf32, #tpu.memory_space<hbm>>) target(%dma_start3A_46 : memref<128x32xf32, #tpu.memory_space<vmem>>) offsets(%dma_start3A_47 : memref<128xi32, #tpu.memory_space<vmem>>) semaphore(%dma_start3A_52 : memref<!tpu.dma_semaphore, #tpu.memory_space<semaphore_mem>>)
    %add3A_53 = arith.constant 2 : i32
    %add3A_54 = arith.addi %sub3A, %add3A_53 : i32
    %mul3A_55 = arith.constant 128 : i32
    %mul3A_56 = arith.muli %add3A_54, %mul3A_55 : i32
    %dma_start3A_57 = arith.constant 2 : i32
    %dma_start3A_58 = arith.constant 2 : i32
    %dma_start3A_59 = arith.constant 0 : i32
    %dma_start3A_60 = arith.constant 0 : i32
    %dma_start3A_61 = tpu.memref_slice %arg9[%dma_start3A_57, %dma_start3A_59, %dma_start3A_60] : memref<6x128x32xf32, #tpu.memory_space<vmem>> -> memref<1x128x32xf32, #tpu.memory_space<vmem>>
    %dma_start3A_62 = tpu.memref_squeeze %dma_start3A_61 : memref<1x128x32xf32, #tpu.memory_space<vmem>> -> memref<128x32xf32, #tpu.memory_space<vmem>>
    %dma_start3A_63 = tpu.memref_slice %arg7[%mul3A_56] : memref<10112xi32, #tpu.memory_space<vmem>> -> memref<128xi32, #tpu.memory_space<vmem>>
    %dma_start3A_64 = arith.constant 0 : i32
    %dma_start3A_65 = arith.constant 0 : i32
    %dma_start3A_66 = tpu.memref_slice %arg2[%dma_start3A_64, %dma_start3A_65] : memref<10000x32xf32, #tpu.memory_space<hbm>> -> memref<10000x32xf32, #tpu.memory_space<hbm>>
    %dma_start3A_67 = tpu.memref_slice %arg11[%dma_start3A_58] : memref<6x!tpu.dma_semaphore, #tpu.memory_space<semaphore_mem>> -> memref<1x!tpu.dma_semaphore, #tpu.memory_space<semaphore_mem>>
    %dma_start3A_68 = tpu.memref_squeeze %dma_start3A_67 : memref<1x!tpu.dma_semaphore, #tpu.memory_space<semaphore_mem>> -> memref<!tpu.dma_semaphore, #tpu.memory_space<semaphore_mem>>
    tpu.enqueue_indirect_dma source(%dma_start3A_66 : memref<10000x32xf32, #tpu.memory_space<hbm>>) target(%dma_start3A_62 : memref<128x32xf32, #tpu.memory_space<vmem>>) offsets(%dma_start3A_63 : memref<128xi32, #tpu.memory_space<vmem>>) semaphore(%dma_start3A_68 : memref<!tpu.dma_semaphore, #tpu.memory_space<semaphore_mem>>)
    %add3A_69 = arith.constant 3 : i32
    %add3A_70 = arith.addi %sub3A, %add3A_69 : i32
    %mul3A_71 = arith.constant 128 : i32
    %mul3A_72 = arith.muli %add3A_70, %mul3A_71 : i32
    %dma_start3A_73 = arith.constant 3 : i32
    %dma_start3A_74 = arith.constant 3 : i32
    %dma_start3A_75 = arith.constant 0 : i32
    %dma_start3A_76 = arith.constant 0 : i32
    %dma_start3A_77 = tpu.memref_slice %arg9[%dma_start3A_73, %dma_start3A_75, %dma_start3A_76] : memref<6x128x32xf32, #tpu.memory_space<vmem>> -> memref<1x128x32xf32, #tpu.memory_space<vmem>>
    %dma_start3A_78 = tpu.memref_squeeze %dma_start3A_77 : memref<1x128x32xf32, #tpu.memory_space<vmem>> -> memref<128x32xf32, #tpu.memory_space<vmem>>
    %dma_start3A_79 = tpu.memref_slice %arg7[%mul3A_72] : memref<10112xi32, #tpu.memory_space<vmem>> -> memref<128xi32, #tpu.memory_space<vmem>>
    %dma_start3A_80 = arith.constant 0 : i32
    %dma_start3A_81 = arith.constant 0 : i32
    %dma_start3A_82 = tpu.memref_slice %arg2[%dma_start3A_80, %dma_start3A_81] : memref<10000x32xf32, #tpu.memory_space<hbm>> -> memref<10000x32xf32, #tpu.memory_space<hbm>>
    %dma_start3A_83 = tpu.memref_slice %arg11[%dma_start3A_74] : memref<6x!tpu.dma_semaphore, #tpu.memory_space<semaphore_mem>> -> memref<1x!tpu.dma_semaphore, #tpu.memory_space<semaphore_mem>>
    %dma_start3A_84 = tpu.memref_squeeze %dma_start3A_83 : memref<1x!tpu.dma_semaphore, #tpu.memory_space<semaphore_mem>> -> memref<!tpu.dma_semaphore, #tpu.memory_space<semaphore_mem>>
    tpu.enqueue_indirect_dma source(%dma_start3A_82 : memref<10000x32xf32, #tpu.memory_space<hbm>>) target(%dma_start3A_78 : memref<128x32xf32, #tpu.memory_space<vmem>>) offsets(%dma_start3A_79 : memref<128xi32, #tpu.memory_space<vmem>>) semaphore(%dma_start3A_84 : memref<!tpu.dma_semaphore, #tpu.memory_space<semaphore_mem>>)
    %add3A_85 = arith.constant 4 : i32
    %add3A_86 = arith.addi %sub3A, %add3A_85 : i32
    %mul3A_87 = arith.constant 128 : i32
    %mul3A_88 = arith.muli %add3A_86, %mul3A_87 : i32
    %dma_start3A_89 = arith.constant 4 : i32
    %dma_start3A_90 = arith.constant 4 : i32
    %dma_start3A_91 = arith.constant 0 : i32
    %dma_start3A_92 = arith.constant 0 : i32
    %dma_start3A_93 = tpu.memref_slice %arg9[%dma_start3A_89, %dma_start3A_91, %dma_start3A_92] : memref<6x128x32xf32, #tpu.memory_space<vmem>> -> memref<1x128x32xf32, #tpu.memory_space<vmem>>
    %dma_start3A_94 = tpu.memref_squeeze %dma_start3A_93 : memref<1x128x32xf32, #tpu.memory_space<vmem>> -> memref<128x32xf32, #tpu.memory_space<vmem>>
    %dma_start3A_95 = tpu.memref_slice %arg7[%mul3A_88] : memref<10112xi32, #tpu.memory_space<vmem>> -> memref<128xi32, #tpu.memory_space<vmem>>
    %dma_start3A_96 = arith.constant 0 : i32
    %dma_start3A_97 = arith.constant 0 : i32
    %dma_start3A_98 = tpu.memref_slice %arg2[%dma_start3A_96, %dma_start3A_97] : memref<10000x32xf32, #tpu.memory_space<hbm>> -> memref<10000x32xf32, #tpu.memory_space<hbm>>
    %dma_start3A_99 = tpu.memref_slice %arg11[%dma_start3A_90] : memref<6x!tpu.dma_semaphore, #tpu.memory_space<semaphore_mem>> -> memref<1x!tpu.dma_semaphore, #tpu.memory_space<semaphore_mem>>
    %dma_start3A_100 = tpu.memref_squeeze %dma_start3A_99 : memref<1x!tpu.dma_semaphore, #tpu.memory_space<semaphore_mem>> -> memref<!tpu.dma_semaphore, #tpu.memory_space<semaphore_mem>>
    tpu.enqueue_indirect_dma source(%dma_start3A_98 : memref<10000x32xf32, #tpu.memory_space<hbm>>) target(%dma_start3A_94 : memref<128x32xf32, #tpu.memory_space<vmem>>) offsets(%dma_start3A_95 : memref<128xi32, #tpu.memory_space<vmem>>) semaphore(%dma_start3A_100 : memref<!tpu.dma_semaphore, #tpu.memory_space<semaphore_mem>>)
    %add3A_101 = arith.constant 5 : i32
    %add3A_102 = arith.addi %sub3A, %add3A_101 : i32
    %mul3A_103 = arith.constant 128 : i32
    %mul3A_104 = arith.muli %add3A_102, %mul3A_103 : i32
    %dma_start3A_105 = arith.constant 5 : i32
    %dma_start3A_106 = arith.constant 5 : i32
    %dma_start3A_107 = arith.constant 0 : i32
    %dma_start3A_108 = arith.constant 0 : i32
    %dma_start3A_109 = tpu.memref_slice %arg9[%dma_start3A_105, %dma_start3A_107, %dma_start3A_108] : memref<6x128x32xf32, #tpu.memory_space<vmem>> -> memref<1x128x32xf32, #tpu.memory_space<vmem>>
    %dma_start3A_110 = tpu.memref_squeeze %dma_start3A_109 : memref<1x128x32xf32, #tpu.memory_space<vmem>> -> memref<128x32xf32, #tpu.memory_space<vmem>>
    %dma_start3A_111 = tpu.memref_slice %arg7[%mul3A_104] : memref<10112xi32, #tpu.memory_space<vmem>> -> memref<128xi32, #tpu.memory_space<vmem>>
    %dma_start3A_112 = arith.constant 0 : i32
    %dma_start3A_113 = arith.constant 0 : i32
    %dma_start3A_114 = tpu.memref_slice %arg2[%dma_start3A_112, %dma_start3A_113] : memref<10000x32xf32, #tpu.memory_space<hbm>> -> memref<10000x32xf32, #tpu.memory_space<hbm>>
    %dma_start3A_115 = tpu.memref_slice %arg11[%dma_start3A_106] : memref<6x!tpu.dma_semaphore, #tpu.memory_space<semaphore_mem>> -> memref<1x!tpu.dma_semaphore, #tpu.memory_space<semaphore_mem>>
    %dma_start3A_116 = tpu.memref_squeeze %dma_start3A_115 : memref<1x!tpu.dma_semaphore, #tpu.memory_space<semaphore_mem>> -> memref<!tpu.dma_semaphore, #tpu.memory_space<semaphore_mem>>
    tpu.enqueue_indirect_dma source(%dma_start3A_114 : memref<10000x32xf32, #tpu.memory_space<hbm>>) target(%dma_start3A_110 : memref<128x32xf32, #tpu.memory_space<vmem>>) offsets(%dma_start3A_111 : memref<128xi32, #tpu.memory_space<vmem>>) semaphore(%dma_start3A_116 : memref<!tpu.dma_semaphore, #tpu.memory_space<semaphore_mem>>)
    %scan3A = arith.constant 0 : i32
    %scan3A_117 = arith.constant 0 : i32
    %scan3A_118 = arith.constant 14 : i32
    %scan3A_119 = arith.addi %scan3A_117, %scan3A_118 : i32
    %scan3A_120 = arith.constant 1 : i32
    scf.for %scan3A_127 = %scan3A_117 to %scan3A_119 step %scan3A_120  : i32 {
      %mul3A_128 = arith.constant 6 : i32
      %mul3A_129 = arith.muli %scan3A_127, %mul3A_128 : i32
      %add3A_130 = arith.constant 0 : i32
      %add3A_131 = arith.addi %mul3A_129, %add3A_130 : i32
      %lt3A_132 = arith.cmpi slt, %add3A_131, %add3A : i32
      %convert_element_type3A_133 = arith.extui %lt3A_132 : i1 to i32
      %cond3A = arith.constant 0 : i32
      %cond3A_134 = arith.cmpi ne, %convert_element_type3A_133, %cond3A : i32
      scf.if %cond3A_134 {
        %add3A_165 = arith.addi %sub3A, %add3A_131 : i32
        %mul3A_166 = arith.constant 128 : i32
        %mul3A_167 = arith.muli %add3A_165, %mul3A_166 : i32
        %dma_wait3A = arith.constant 0 : i32
        %dma_wait3A_168 = arith.constant 0 : i32
        %dma_wait3A_169 = arith.constant 0 : i32
        %dma_wait3A_170 = arith.constant 0 : i32
        %dma_wait3A_171 = tpu.memref_slice %arg9[%dma_wait3A, %dma_wait3A_169, %dma_wait3A_170] : memref<6x128x32xf32, #tpu.memory_space<vmem>> -> memref<1x128x32xf32, #tpu.memory_space<vmem>>
        %dma_wait3A_172 = tpu.memref_squeeze %dma_wait3A_171 : memref<1x128x32xf32, #tpu.memory_space<vmem>> -> memref<128x32xf32, #tpu.memory_space<vmem>>
        %dma_wait3A_173 = tpu.memref_slice %arg7[%mul3A_167] : memref<10112xi32, #tpu.memory_space<vmem>> -> memref<128xi32, #tpu.memory_space<vmem>>
        %dma_wait3A_174 = arith.constant 0 : i32
        %dma_wait3A_175 = arith.constant 0 : i32
        %dma_wait3A_176 = tpu.memref_slice %arg2[%dma_wait3A_174, %dma_wait3A_175] : memref<10000x32xf32, #tpu.memory_space<hbm>> -> memref<10000x32xf32, #tpu.memory_space<hbm>>
        %dma_wait3A_177 = tpu.memref_slice %arg11[%dma_wait3A_168] : memref<6x!tpu.dma_semaphore, #tpu.memory_space<semaphore_mem>> -> memref<1x!tpu.dma_semaphore, #tpu.memory_space<semaphore_mem>>
        %dma_wait3A_178 = tpu.memref_squeeze %dma_wait3A_177 : memref<1x!tpu.dma_semaphore, #tpu.memory_space<semaphore_mem>> -> memref<!tpu.dma_semaphore, #tpu.memory_space<semaphore_mem>>
        tpu.wait_indirect_dma semaphore(%dma_wait3A_178 : memref<!tpu.dma_semaphore, #tpu.memory_space<semaphore_mem>>) src(%dma_wait3A_176 : memref<10000x32xf32, #tpu.memory_space<hbm>>) dst(%dma_wait3A_172 : memref<128x32xf32, #tpu.memory_space<vmem>>)
        %add3A_179 = arith.addi %sub3A, %add3A_131 : i32
        %mul3A_180 = arith.constant 128 : i32
        %mul3A_181 = arith.muli %add3A_179, %mul3A_180 : i32
        %run_scoped3A = arith.constant 0 : i32
        "tpu.region"() ({
          %run_scoped3A_188 = tpu.sem_alloc : memref<!tpu.dma_semaphore, #tpu.memory_space<semaphore_mem>>
          %dma_start3A_189 = arith.constant 0 : i32
          %dma_start3A_190 = arith.constant 0 : i32
          %dma_start3A_191 = tpu.memref_slice %arg9[%run_scoped3A, %dma_start3A_189, %dma_start3A_190] : memref<6x128x32xf32, #tpu.memory_space<vmem>> -> memref<1x128x32xf32, #tpu.memory_space<vmem>>
          %dma_start3A_192 = tpu.memref_squeeze %dma_start3A_191 : memref<1x128x32xf32, #tpu.memory_space<vmem>> -> memref<128x32xf32, #tpu.memory_space<vmem>>
          %dma_start3A_193 = tpu.memref_slice %arg8[%mul3A_181] : memref<10112xi32, #tpu.memory_space<vmem>> -> memref<128xi32, #tpu.memory_space<vmem>>
          %dma_start3A_194 = arith.constant 0 : i32
          %dma_start3A_195 = arith.constant 0 : i32
          %dma_start3A_196 = tpu.memref_slice %arg10[%dma_start3A_194, %dma_start3A_195] : memref<10112x32xf32, #tpu.memory_space<vmem_shared>> -> memref<10112x32xf32, #tpu.memory_space<vmem_shared>>
          tpu.enqueue_indirect_dma source(%dma_start3A_192 : memref<128x32xf32, #tpu.memory_space<vmem>>) target(%dma_start3A_196 : memref<10112x32xf32, #tpu.memory_space<vmem_shared>>) offsets(%dma_start3A_193 : memref<128xi32, #tpu.memory_space<vmem>>) semaphore(%run_scoped3A_188 : memref<!tpu.dma_semaphore, #tpu.memory_space<semaphore_mem>>) {add = true}
          %dma_wait3A_197 = arith.constant 0 : i32
          %dma_wait3A_198 = arith.constant 0 : i32
          %dma_wait3A_199 = tpu.memref_slice %arg9[%run_scoped3A, %dma_wait3A_197, %dma_wait3A_198] : memref<6x128x32xf32, #tpu.memory_space<vmem>> -> memref<1x128x32xf32, #tpu.memory_space<vmem>>
          %dma_wait3A_200 = tpu.memref_squeeze %dma_wait3A_199 : memref<1x128x32xf32, #tpu.memory_space<vmem>> -> memref<128x32xf32, #tpu.memory_space<vmem>>
          %dma_wait3A_201 = tpu.memref_slice %arg8[%mul3A_181] : memref<10112xi32, #tpu.memory_space<vmem>> -> memref<128xi32, #tpu.memory_space<vmem>>
          %dma_wait3A_202 = arith.constant 0 : i32
          %dma_wait3A_203 = arith.constant 0 : i32
          %dma_wait3A_204 = tpu.memref_slice %arg10[%dma_wait3A_202, %dma_wait3A_203] : memref<10112x32xf32, #tpu.memory_space<vmem_shared>> -> memref<10112x32xf32, #tpu.memory_space<vmem_shared>>
          tpu.wait_indirect_dma semaphore(%run_scoped3A_188 : memref<!tpu.dma_semaphore, #tpu.memory_space<semaphore_mem>>) src(%dma_wait3A_200 : memref<128x32xf32, #tpu.memory_space<vmem>>) dst(%dma_wait3A_204 : memref<10112x32xf32, #tpu.memory_space<vmem_shared>>)
          tpu.yield
        }) : () -> ()
        %add3A_182 = arith.constant 6 : i32
        %add3A_183 = arith.addi %add3A_131, %add3A_182 : i32
        %lt3A_184 = arith.cmpi slt, %add3A_183, %add3A : i32
        %convert_element_type3A_185 = arith.extui %lt3A_184 : i1 to i32
        %cond3A_186 = arith.constant 0 : i32
        %cond3A_187 = arith.cmpi ne, %convert_element_type3A_185, %cond3A_186 : i32
        scf.if %cond3A_187 {
          %add3A_188 = arith.addi %sub3A, %add3A_131 : i32
          %add3A_189 = arith.constant 6 : i32
          %add3A_190 = arith.addi %add3A_188, %add3A_189 : i32
          %mul3A_191 = arith.constant 128 : i32
          %mul3A_192 = arith.muli %add3A_190, %mul3A_191 : i32
          %dma_start3A_193 = arith.constant 0 : i32
          %dma_start3A_194 = arith.constant 0 : i32
          %dma_start3A_195 = arith.constant 0 : i32
          %dma_start3A_196 = arith.constant 0 : i32
          %dma_start3A_197 = tpu.memref_slice %arg9[%dma_start3A_193, %dma_start3A_195, %dma_start3A_196] : memref<6x128x32xf32, #tpu.memory_space<vmem>> -> memref<1x128x32xf32, #tpu.memory_space<vmem>>
          %dma_start3A_198 = tpu.memref_squeeze %dma_start3A_197 : memref<1x128x32xf32, #tpu.memory_space<vmem>> -> memref<128x32xf32, #tpu.memory_space<vmem>>
          %dma_start3A_199 = tpu.memref_slice %arg7[%mul3A_192] : memref<10112xi32, #tpu.memory_space<vmem>> -> memref<128xi32, #tpu.memory_space<vmem>>
          %dma_start3A_200 = arith.constant 0 : i32
          %dma_start3A_201 = arith.constant 0 : i32
          %dma_start3A_202 = tpu.memref_slice %arg2[%dma_start3A_200, %dma_start3A_201] : memref<10000x32xf32, #tpu.memory_space<hbm>> -> memref<10000x32xf32, #tpu.memory_space<hbm>>
          %dma_start3A_203 = tpu.memref_slice %arg11[%dma_start3A_194] : memref<6x!tpu.dma_semaphore, #tpu.memory_space<semaphore_mem>> -> memref<1x!tpu.dma_semaphore, #tpu.memory_space<semaphore_mem>>
          %dma_start3A_204 = tpu.memref_squeeze %dma_start3A_203 : memref<1x!tpu.dma_semaphore, #tpu.memory_space<semaphore_mem>> -> memref<!tpu.dma_semaphore, #tpu.memory_space<semaphore_mem>>
          tpu.enqueue_indirect_dma source(%dma_start3A_202 : memref<10000x32xf32, #tpu.memory_space<hbm>>) target(%dma_start3A_198 : memref<128x32xf32, #tpu.memory_space<vmem>>) offsets(%dma_start3A_199 : memref<128xi32, #tpu.memory_space<vmem>>) semaphore(%dma_start3A_204 : memref<!tpu.dma_semaphore, #tpu.memory_space<semaphore_mem>>)
        } else {
        }
      } else {
      }
      %add3A_135 = arith.constant 1 : i32
      %add3A_136 = arith.addi %mul3A_129, %add3A_135 : i32
      %lt3A_137 = arith.cmpi slt, %add3A_136, %add3A : i32
      %convert_element_type3A_138 = arith.extui %lt3A_137 : i1 to i32
      %cond3A_139 = arith.constant 0 : i32
      %cond3A_140 = arith.cmpi ne, %convert_element_type3A_138, %cond3A_139 : i32
      scf.if %cond3A_140 {
        %add3A_165 = arith.addi %sub3A, %add3A_136 : i32
        %mul3A_166 = arith.constant 128 : i32
        %mul3A_167 = arith.muli %add3A_165, %mul3A_166 : i32
        %dma_wait3A = arith.constant 1 : i32
        %dma_wait3A_168 = arith.constant 1 : i32
        %dma_wait3A_169 = arith.constant 0 : i32
        %dma_wait3A_170 = arith.constant 0 : i32
        %dma_wait3A_171 = tpu.memref_slice %arg9[%dma_wait3A, %dma_wait3A_169, %dma_wait3A_170] : memref<6x128x32xf32, #tpu.memory_space<vmem>> -> memref<1x128x32xf32, #tpu.memory_space<vmem>>
        %dma_wait3A_172 = tpu.memref_squeeze %dma_wait3A_171 : memref<1x128x32xf32, #tpu.memory_space<vmem>> -> memref<128x32xf32, #tpu.memory_space<vmem>>
        %dma_wait3A_173 = tpu.memref_slice %arg7[%mul3A_167] : memref<10112xi32, #tpu.memory_space<vmem>> -> memref<128xi32, #tpu.memory_space<vmem>>
        %dma_wait3A_174 = arith.constant 0 : i32
        %dma_wait3A_175 = arith.constant 0 : i32
        %dma_wait3A_176 = tpu.memref_slice %arg2[%dma_wait3A_174, %dma_wait3A_175] : memref<10000x32xf32, #tpu.memory_space<hbm>> -> memref<10000x32xf32, #tpu.memory_space<hbm>>
        %dma_wait3A_177 = tpu.memref_slice %arg11[%dma_wait3A_168] : memref<6x!tpu.dma_semaphore, #tpu.memory_space<semaphore_mem>> -> memref<1x!tpu.dma_semaphore, #tpu.memory_space<semaphore_mem>>
        %dma_wait3A_178 = tpu.memref_squeeze %dma_wait3A_177 : memref<1x!tpu.dma_semaphore, #tpu.memory_space<semaphore_mem>> -> memref<!tpu.dma_semaphore, #tpu.memory_space<semaphore_mem>>
        tpu.wait_indirect_dma semaphore(%dma_wait3A_178 : memref<!tpu.dma_semaphore, #tpu.memory_space<semaphore_mem>>) src(%dma_wait3A_176 : memref<10000x32xf32, #tpu.memory_space<hbm>>) dst(%dma_wait3A_172 : memref<128x32xf32, #tpu.memory_space<vmem>>)
        %add3A_179 = arith.addi %sub3A, %add3A_136 : i32
        %mul3A_180 = arith.constant 128 : i32
        %mul3A_181 = arith.muli %add3A_179, %mul3A_180 : i32
        %run_scoped3A = arith.constant 1 : i32
        "tpu.region"() ({
          %run_scoped3A_188 = tpu.sem_alloc : memref<!tpu.dma_semaphore, #tpu.memory_space<semaphore_mem>>
          %dma_start3A_189 = arith.constant 0 : i32
          %dma_start3A_190 = arith.constant 0 : i32
          %dma_start3A_191 = tpu.memref_slice %arg9[%run_scoped3A, %dma_start3A_189, %dma_start3A_190] : memref<6x128x32xf32, #tpu.memory_space<vmem>> -> memref<1x128x32xf32, #tpu.memory_space<vmem>>
          %dma_start3A_192 = tpu.memref_squeeze %dma_start3A_191 : memref<1x128x32xf32, #tpu.memory_space<vmem>> -> memref<128x32xf32, #tpu.memory_space<vmem>>
          %dma_start3A_193 = tpu.memref_slice %arg8[%mul3A_181] : memref<10112xi32, #tpu.memory_space<vmem>> -> memref<128xi32, #tpu.memory_space<vmem>>
          %dma_start3A_194 = arith.constant 0 : i32
          %dma_start3A_195 = arith.constant 0 : i32
          %dma_start3A_196 = tpu.memref_slice %arg10[%dma_start3A_194, %dma_start3A_195] : memref<10112x32xf32, #tpu.memory_space<vmem_shared>> -> memref<10112x32xf32, #tpu.memory_space<vmem_shared>>
          tpu.enqueue_indirect_dma source(%dma_start3A_192 : memref<128x32xf32, #tpu.memory_space<vmem>>) target(%dma_start3A_196 : memref<10112x32xf32, #tpu.memory_space<vmem_shared>>) offsets(%dma_start3A_193 : memref<128xi32, #tpu.memory_space<vmem>>) semaphore(%run_scoped3A_188 : memref<!tpu.dma_semaphore, #tpu.memory_space<semaphore_mem>>) {add = true}
          %dma_wait3A_197 = arith.constant 0 : i32
          %dma_wait3A_198 = arith.constant 0 : i32
          %dma_wait3A_199 = tpu.memref_slice %arg9[%run_scoped3A, %dma_wait3A_197, %dma_wait3A_198] : memref<6x128x32xf32, #tpu.memory_space<vmem>> -> memref<1x128x32xf32, #tpu.memory_space<vmem>>
          %dma_wait3A_200 = tpu.memref_squeeze %dma_wait3A_199 : memref<1x128x32xf32, #tpu.memory_space<vmem>> -> memref<128x32xf32, #tpu.memory_space<vmem>>
          %dma_wait3A_201 = tpu.memref_slice %arg8[%mul3A_181] : memref<10112xi32, #tpu.memory_space<vmem>> -> memref<128xi32, #tpu.memory_space<vmem>>
          %dma_wait3A_202 = arith.constant 0 : i32
          %dma_wait3A_203 = arith.constant 0 : i32
          %dma_wait3A_204 = tpu.memref_slice %arg10[%dma_wait3A_202, %dma_wait3A_203] : memref<10112x32xf32, #tpu.memory_space<vmem_shared>> -> memref<10112x32xf32, #tpu.memory_space<vmem_shared>>
          tpu.wait_indirect_dma semaphore(%run_scoped3A_188 : memref<!tpu.dma_semaphore, #tpu.memory_space<semaphore_mem>>) src(%dma_wait3A_200 : memref<128x32xf32, #tpu.memory_space<vmem>>) dst(%dma_wait3A_204 : memref<10112x32xf32, #tpu.memory_space<vmem_shared>>)
          tpu.yield
        }) : () -> ()
        %add3A_182 = arith.constant 6 : i32
        %add3A_183 = arith.addi %add3A_136, %add3A_182 : i32
        %lt3A_184 = arith.cmpi slt, %add3A_183, %add3A : i32
        %convert_element_type3A_185 = arith.extui %lt3A_184 : i1 to i32
        %cond3A_186 = arith.constant 0 : i32
        %cond3A_187 = arith.cmpi ne, %convert_element_type3A_185, %cond3A_186 : i32
        scf.if %cond3A_187 {
          %add3A_188 = arith.addi %sub3A, %add3A_136 : i32
          %add3A_189 = arith.constant 6 : i32
          %add3A_190 = arith.addi %add3A_188, %add3A_189 : i32
          %mul3A_191 = arith.constant 128 : i32
          %mul3A_192 = arith.muli %add3A_190, %mul3A_191 : i32
          %dma_start3A_193 = arith.constant 1 : i32
          %dma_start3A_194 = arith.constant 1 : i32
          %dma_start3A_195 = arith.constant 0 : i32
          %dma_start3A_196 = arith.constant 0 : i32
          %dma_start3A_197 = tpu.memref_slice %arg9[%dma_start3A_193, %dma_start3A_195, %dma_start3A_196] : memref<6x128x32xf32, #tpu.memory_space<vmem>> -> memref<1x128x32xf32, #tpu.memory_space<vmem>>
          %dma_start3A_198 = tpu.memref_squeeze %dma_start3A_197 : memref<1x128x32xf32, #tpu.memory_space<vmem>> -> memref<128x32xf32, #tpu.memory_space<vmem>>
          %dma_start3A_199 = tpu.memref_slice %arg7[%mul3A_192] : memref<10112xi32, #tpu.memory_space<vmem>> -> memref<128xi32, #tpu.memory_space<vmem>>
          %dma_start3A_200 = arith.constant 0 : i32
          %dma_start3A_201 = arith.constant 0 : i32
          %dma_start3A_202 = tpu.memref_slice %arg2[%dma_start3A_200, %dma_start3A_201] : memref<10000x32xf32, #tpu.memory_space<hbm>> -> memref<10000x32xf32, #tpu.memory_space<hbm>>
          %dma_start3A_203 = tpu.memref_slice %arg11[%dma_start3A_194] : memref<6x!tpu.dma_semaphore, #tpu.memory_space<semaphore_mem>> -> memref<1x!tpu.dma_semaphore, #tpu.memory_space<semaphore_mem>>
          %dma_start3A_204 = tpu.memref_squeeze %dma_start3A_203 : memref<1x!tpu.dma_semaphore, #tpu.memory_space<semaphore_mem>> -> memref<!tpu.dma_semaphore, #tpu.memory_space<semaphore_mem>>
          tpu.enqueue_indirect_dma source(%dma_start3A_202 : memref<10000x32xf32, #tpu.memory_space<hbm>>) target(%dma_start3A_198 : memref<128x32xf32, #tpu.memory_space<vmem>>) offsets(%dma_start3A_199 : memref<128xi32, #tpu.memory_space<vmem>>) semaphore(%dma_start3A_204 : memref<!tpu.dma_semaphore, #tpu.memory_space<semaphore_mem>>)
        } else {
        }
      } else {
      }
      %add3A_141 = arith.constant 2 : i32
      %add3A_142 = arith.addi %mul3A_129, %add3A_141 : i32
      %lt3A_143 = arith.cmpi slt, %add3A_142, %add3A : i32
      %convert_element_type3A_144 = arith.extui %lt3A_143 : i1 to i32
      %cond3A_145 = arith.constant 0 : i32
      %cond3A_146 = arith.cmpi ne, %convert_element_type3A_144, %cond3A_145 : i32
      scf.if %cond3A_146 {
        %add3A_165 = arith.addi %sub3A, %add3A_142 : i32
        %mul3A_166 = arith.constant 128 : i32
        %mul3A_167 = arith.muli %add3A_165, %mul3A_166 : i32
        %dma_wait3A = arith.constant 2 : i32
        %dma_wait3A_168 = arith.constant 2 : i32
        %dma_wait3A_169 = arith.constant 0 : i32
        %dma_wait3A_170 = arith.constant 0 : i32
        %dma_wait3A_171 = tpu.memref_slice %arg9[%dma_wait3A, %dma_wait3A_169, %dma_wait3A_170] : memref<6x128x32xf32, #tpu.memory_space<vmem>> -> memref<1x128x32xf32, #tpu.memory_space<vmem>>
        %dma_wait3A_172 = tpu.memref_squeeze %dma_wait3A_171 : memref<1x128x32xf32, #tpu.memory_space<vmem>> -> memref<128x32xf32, #tpu.memory_space<vmem>>
        %dma_wait3A_173 = tpu.memref_slice %arg7[%mul3A_167] : memref<10112xi32, #tpu.memory_space<vmem>> -> memref<128xi32, #tpu.memory_space<vmem>>
        %dma_wait3A_174 = arith.constant 0 : i32
        %dma_wait3A_175 = arith.constant 0 : i32
        %dma_wait3A_176 = tpu.memref_slice %arg2[%dma_wait3A_174, %dma_wait3A_175] : memref<10000x32xf32, #tpu.memory_space<hbm>> -> memref<10000x32xf32, #tpu.memory_space<hbm>>
        %dma_wait3A_177 = tpu.memref_slice %arg11[%dma_wait3A_168] : memref<6x!tpu.dma_semaphore, #tpu.memory_space<semaphore_mem>> -> memref<1x!tpu.dma_semaphore, #tpu.memory_space<semaphore_mem>>
        %dma_wait3A_178 = tpu.memref_squeeze %dma_wait3A_177 : memref<1x!tpu.dma_semaphore, #tpu.memory_space<semaphore_mem>> -> memref<!tpu.dma_semaphore, #tpu.memory_space<semaphore_mem>>
        tpu.wait_indirect_dma semaphore(%dma_wait3A_178 : memref<!tpu.dma_semaphore, #tpu.memory_space<semaphore_mem>>) src(%dma_wait3A_176 : memref<10000x32xf32, #tpu.memory_space<hbm>>) dst(%dma_wait3A_172 : memref<128x32xf32, #tpu.memory_space<vmem>>)
        %add3A_179 = arith.addi %sub3A, %add3A_142 : i32
        %mul3A_180 = arith.constant 128 : i32
        %mul3A_181 = arith.muli %add3A_179, %mul3A_180 : i32
        %run_scoped3A = arith.constant 2 : i32
        "tpu.region"() ({
          %run_scoped3A_188 = tpu.sem_alloc : memref<!tpu.dma_semaphore, #tpu.memory_space<semaphore_mem>>
          %dma_start3A_189 = arith.constant 0 : i32
          %dma_start3A_190 = arith.constant 0 : i32
          %dma_start3A_191 = tpu.memref_slice %arg9[%run_scoped3A, %dma_start3A_189, %dma_start3A_190] : memref<6x128x32xf32, #tpu.memory_space<vmem>> -> memref<1x128x32xf32, #tpu.memory_space<vmem>>
          %dma_start3A_192 = tpu.memref_squeeze %dma_start3A_191 : memref<1x128x32xf32, #tpu.memory_space<vmem>> -> memref<128x32xf32, #tpu.memory_space<vmem>>
          %dma_start3A_193 = tpu.memref_slice %arg8[%mul3A_181] : memref<10112xi32, #tpu.memory_space<vmem>> -> memref<128xi32, #tpu.memory_space<vmem>>
          %dma_start3A_194 = arith.constant 0 : i32
          %dma_start3A_195 = arith.constant 0 : i32
          %dma_start3A_196 = tpu.memref_slice %arg10[%dma_start3A_194, %dma_start3A_195] : memref<10112x32xf32, #tpu.memory_space<vmem_shared>> -> memref<10112x32xf32, #tpu.memory_space<vmem_shared>>
          tpu.enqueue_indirect_dma source(%dma_start3A_192 : memref<128x32xf32, #tpu.memory_space<vmem>>) target(%dma_start3A_196 : memref<10112x32xf32, #tpu.memory_space<vmem_shared>>) offsets(%dma_start3A_193 : memref<128xi32, #tpu.memory_space<vmem>>) semaphore(%run_scoped3A_188 : memref<!tpu.dma_semaphore, #tpu.memory_space<semaphore_mem>>) {add = true}
          %dma_wait3A_197 = arith.constant 0 : i32
          %dma_wait3A_198 = arith.constant 0 : i32
          %dma_wait3A_199 = tpu.memref_slice %arg9[%run_scoped3A, %dma_wait3A_197, %dma_wait3A_198] : memref<6x128x32xf32, #tpu.memory_space<vmem>> -> memref<1x128x32xf32, #tpu.memory_space<vmem>>
          %dma_wait3A_200 = tpu.memref_squeeze %dma_wait3A_199 : memref<1x128x32xf32, #tpu.memory_space<vmem>> -> memref<128x32xf32, #tpu.memory_space<vmem>>
          %dma_wait3A_201 = tpu.memref_slice %arg8[%mul3A_181] : memref<10112xi32, #tpu.memory_space<vmem>> -> memref<128xi32, #tpu.memory_space<vmem>>
          %dma_wait3A_202 = arith.constant 0 : i32
          %dma_wait3A_203 = arith.constant 0 : i32
          %dma_wait3A_204 = tpu.memref_slice %arg10[%dma_wait3A_202, %dma_wait3A_203] : memref<10112x32xf32, #tpu.memory_space<vmem_shared>> -> memref<10112x32xf32, #tpu.memory_space<vmem_shared>>
          tpu.wait_indirect_dma semaphore(%run_scoped3A_188 : memref<!tpu.dma_semaphore, #tpu.memory_space<semaphore_mem>>) src(%dma_wait3A_200 : memref<128x32xf32, #tpu.memory_space<vmem>>) dst(%dma_wait3A_204 : memref<10112x32xf32, #tpu.memory_space<vmem_shared>>)
          tpu.yield
        }) : () -> ()
        %add3A_182 = arith.constant 6 : i32
        %add3A_183 = arith.addi %add3A_142, %add3A_182 : i32
        %lt3A_184 = arith.cmpi slt, %add3A_183, %add3A : i32
        %convert_element_type3A_185 = arith.extui %lt3A_184 : i1 to i32
        %cond3A_186 = arith.constant 0 : i32
        %cond3A_187 = arith.cmpi ne, %convert_element_type3A_185, %cond3A_186 : i32
        scf.if %cond3A_187 {
          %add3A_188 = arith.addi %sub3A, %add3A_142 : i32
          %add3A_189 = arith.constant 6 : i32
          %add3A_190 = arith.addi %add3A_188, %add3A_189 : i32
          %mul3A_191 = arith.constant 128 : i32
          %mul3A_192 = arith.muli %add3A_190, %mul3A_191 : i32
          %dma_start3A_193 = arith.constant 2 : i32
          %dma_start3A_194 = arith.constant 2 : i32
          %dma_start3A_195 = arith.constant 0 : i32
          %dma_start3A_196 = arith.constant 0 : i32
          %dma_start3A_197 = tpu.memref_slice %arg9[%dma_start3A_193, %dma_start3A_195, %dma_start3A_196] : memref<6x128x32xf32, #tpu.memory_space<vmem>> -> memref<1x128x32xf32, #tpu.memory_space<vmem>>
          %dma_start3A_198 = tpu.memref_squeeze %dma_start3A_197 : memref<1x128x32xf32, #tpu.memory_space<vmem>> -> memref<128x32xf32, #tpu.memory_space<vmem>>
          %dma_start3A_199 = tpu.memref_slice %arg7[%mul3A_192] : memref<10112xi32, #tpu.memory_space<vmem>> -> memref<128xi32, #tpu.memory_space<vmem>>
          %dma_start3A_200 = arith.constant 0 : i32
          %dma_start3A_201 = arith.constant 0 : i32
          %dma_start3A_202 = tpu.memref_slice %arg2[%dma_start3A_200, %dma_start3A_201] : memref<10000x32xf32, #tpu.memory_space<hbm>> -> memref<10000x32xf32, #tpu.memory_space<hbm>>
          %dma_start3A_203 = tpu.memref_slice %arg11[%dma_start3A_194] : memref<6x!tpu.dma_semaphore, #tpu.memory_space<semaphore_mem>> -> memref<1x!tpu.dma_semaphore, #tpu.memory_space<semaphore_mem>>
          %dma_start3A_204 = tpu.memref_squeeze %dma_start3A_203 : memref<1x!tpu.dma_semaphore, #tpu.memory_space<semaphore_mem>> -> memref<!tpu.dma_semaphore, #tpu.memory_space<semaphore_mem>>
          tpu.enqueue_indirect_dma source(%dma_start3A_202 : memref<10000x32xf32, #tpu.memory_space<hbm>>) target(%dma_start3A_198 : memref<128x32xf32, #tpu.memory_space<vmem>>) offsets(%dma_start3A_199 : memref<128xi32, #tpu.memory_space<vmem>>) semaphore(%dma_start3A_204 : memref<!tpu.dma_semaphore, #tpu.memory_space<semaphore_mem>>)
        } else {
        }
      } else {
      }
      %add3A_147 = arith.constant 3 : i32
      %add3A_148 = arith.addi %mul3A_129, %add3A_147 : i32
      %lt3A_149 = arith.cmpi slt, %add3A_148, %add3A : i32
      %convert_element_type3A_150 = arith.extui %lt3A_149 : i1 to i32
      %cond3A_151 = arith.constant 0 : i32
      %cond3A_152 = arith.cmpi ne, %convert_element_type3A_150, %cond3A_151 : i32
      scf.if %cond3A_152 {
        %add3A_165 = arith.addi %sub3A, %add3A_148 : i32
        %mul3A_166 = arith.constant 128 : i32
        %mul3A_167 = arith.muli %add3A_165, %mul3A_166 : i32
        %dma_wait3A = arith.constant 3 : i32
        %dma_wait3A_168 = arith.constant 3 : i32
        %dma_wait3A_169 = arith.constant 0 : i32
        %dma_wait3A_170 = arith.constant 0 : i32
        %dma_wait3A_171 = tpu.memref_slice %arg9[%dma_wait3A, %dma_wait3A_169, %dma_wait3A_170] : memref<6x128x32xf32, #tpu.memory_space<vmem>> -> memref<1x128x32xf32, #tpu.memory_space<vmem>>
        %dma_wait3A_172 = tpu.memref_squeeze %dma_wait3A_171 : memref<1x128x32xf32, #tpu.memory_space<vmem>> -> memref<128x32xf32, #tpu.memory_space<vmem>>
        %dma_wait3A_173 = tpu.memref_slice %arg7[%mul3A_167] : memref<10112xi32, #tpu.memory_space<vmem>> -> memref<128xi32, #tpu.memory_space<vmem>>
        %dma_wait3A_174 = arith.constant 0 : i32
        %dma_wait3A_175 = arith.constant 0 : i32
        %dma_wait3A_176 = tpu.memref_slice %arg2[%dma_wait3A_174, %dma_wait3A_175] : memref<10000x32xf32, #tpu.memory_space<hbm>> -> memref<10000x32xf32, #tpu.memory_space<hbm>>
        %dma_wait3A_177 = tpu.memref_slice %arg11[%dma_wait3A_168] : memref<6x!tpu.dma_semaphore, #tpu.memory_space<semaphore_mem>> -> memref<1x!tpu.dma_semaphore, #tpu.memory_space<semaphore_mem>>
        %dma_wait3A_178 = tpu.memref_squeeze %dma_wait3A_177 : memref<1x!tpu.dma_semaphore, #tpu.memory_space<semaphore_mem>> -> memref<!tpu.dma_semaphore, #tpu.memory_space<semaphore_mem>>
        tpu.wait_indirect_dma semaphore(%dma_wait3A_178 : memref<!tpu.dma_semaphore, #tpu.memory_space<semaphore_mem>>) src(%dma_wait3A_176 : memref<10000x32xf32, #tpu.memory_space<hbm>>) dst(%dma_wait3A_172 : memref<128x32xf32, #tpu.memory_space<vmem>>)
        %add3A_179 = arith.addi %sub3A, %add3A_148 : i32
        %mul3A_180 = arith.constant 128 : i32
        %mul3A_181 = arith.muli %add3A_179, %mul3A_180 : i32
        %run_scoped3A = arith.constant 3 : i32
        "tpu.region"() ({
          %run_scoped3A_188 = tpu.sem_alloc : memref<!tpu.dma_semaphore, #tpu.memory_space<semaphore_mem>>
          %dma_start3A_189 = arith.constant 0 : i32
          %dma_start3A_190 = arith.constant 0 : i32
          %dma_start3A_191 = tpu.memref_slice %arg9[%run_scoped3A, %dma_start3A_189, %dma_start3A_190] : memref<6x128x32xf32, #tpu.memory_space<vmem>> -> memref<1x128x32xf32, #tpu.memory_space<vmem>>
          %dma_start3A_192 = tpu.memref_squeeze %dma_start3A_191 : memref<1x128x32xf32, #tpu.memory_space<vmem>> -> memref<128x32xf32, #tpu.memory_space<vmem>>
          %dma_start3A_193 = tpu.memref_slice %arg8[%mul3A_181] : memref<10112xi32, #tpu.memory_space<vmem>> -> memref<128xi32, #tpu.memory_space<vmem>>
          %dma_start3A_194 = arith.constant 0 : i32
          %dma_start3A_195 = arith.constant 0 : i32
          %dma_start3A_196 = tpu.memref_slice %arg10[%dma_start3A_194, %dma_start3A_195] : memref<10112x32xf32, #tpu.memory_space<vmem_shared>> -> memref<10112x32xf32, #tpu.memory_space<vmem_shared>>
          tpu.enqueue_indirect_dma source(%dma_start3A_192 : memref<128x32xf32, #tpu.memory_space<vmem>>) target(%dma_start3A_196 : memref<10112x32xf32, #tpu.memory_space<vmem_shared>>) offsets(%dma_start3A_193 : memref<128xi32, #tpu.memory_space<vmem>>) semaphore(%run_scoped3A_188 : memref<!tpu.dma_semaphore, #tpu.memory_space<semaphore_mem>>) {add = true}
          %dma_wait3A_197 = arith.constant 0 : i32
          %dma_wait3A_198 = arith.constant 0 : i32
          %dma_wait3A_199 = tpu.memref_slice %arg9[%run_scoped3A, %dma_wait3A_197, %dma_wait3A_198] : memref<6x128x32xf32, #tpu.memory_space<vmem>> -> memref<1x128x32xf32, #tpu.memory_space<vmem>>
          %dma_wait3A_200 = tpu.memref_squeeze %dma_wait3A_199 : memref<1x128x32xf32, #tpu.memory_space<vmem>> -> memref<128x32xf32, #tpu.memory_space<vmem>>
          %dma_wait3A_201 = tpu.memref_slice %arg8[%mul3A_181] : memref<10112xi32, #tpu.memory_space<vmem>> -> memref<128xi32, #tpu.memory_space<vmem>>
          %dma_wait3A_202 = arith.constant 0 : i32
          %dma_wait3A_203 = arith.constant 0 : i32
          %dma_wait3A_204 = tpu.memref_slice %arg10[%dma_wait3A_202, %dma_wait3A_203] : memref<10112x32xf32, #tpu.memory_space<vmem_shared>> -> memref<10112x32xf32, #tpu.memory_space<vmem_shared>>
          tpu.wait_indirect_dma semaphore(%run_scoped3A_188 : memref<!tpu.dma_semaphore, #tpu.memory_space<semaphore_mem>>) src(%dma_wait3A_200 : memref<128x32xf32, #tpu.memory_space<vmem>>) dst(%dma_wait3A_204 : memref<10112x32xf32, #tpu.memory_space<vmem_shared>>)
          tpu.yield
        }) : () -> ()
        %add3A_182 = arith.constant 6 : i32
        %add3A_183 = arith.addi %add3A_148, %add3A_182 : i32
        %lt3A_184 = arith.cmpi slt, %add3A_183, %add3A : i32
        %convert_element_type3A_185 = arith.extui %lt3A_184 : i1 to i32
        %cond3A_186 = arith.constant 0 : i32
        %cond3A_187 = arith.cmpi ne, %convert_element_type3A_185, %cond3A_186 : i32
        scf.if %cond3A_187 {
          %add3A_188 = arith.addi %sub3A, %add3A_148 : i32
          %add3A_189 = arith.constant 6 : i32
          %add3A_190 = arith.addi %add3A_188, %add3A_189 : i32
          %mul3A_191 = arith.constant 128 : i32
          %mul3A_192 = arith.muli %add3A_190, %mul3A_191 : i32
          %dma_start3A_193 = arith.constant 3 : i32
          %dma_start3A_194 = arith.constant 3 : i32
          %dma_start3A_195 = arith.constant 0 : i32
          %dma_start3A_196 = arith.constant 0 : i32
          %dma_start3A_197 = tpu.memref_slice %arg9[%dma_start3A_193, %dma_start3A_195, %dma_start3A_196] : memref<6x128x32xf32, #tpu.memory_space<vmem>> -> memref<1x128x32xf32, #tpu.memory_space<vmem>>
          %dma_start3A_198 = tpu.memref_squeeze %dma_start3A_197 : memref<1x128x32xf32, #tpu.memory_space<vmem>> -> memref<128x32xf32, #tpu.memory_space<vmem>>
          %dma_start3A_199 = tpu.memref_slice %arg7[%mul3A_192] : memref<10112xi32, #tpu.memory_space<vmem>> -> memref<128xi32, #tpu.memory_space<vmem>>
          %dma_start3A_200 = arith.constant 0 : i32
          %dma_start3A_201 = arith.constant 0 : i32
          %dma_start3A_202 = tpu.memref_slice %arg2[%dma_start3A_200, %dma_start3A_201] : memref<10000x32xf32, #tpu.memory_space<hbm>> -> memref<10000x32xf32, #tpu.memory_space<hbm>>
          %dma_start3A_203 = tpu.memref_slice %arg11[%dma_start3A_194] : memref<6x!tpu.dma_semaphore, #tpu.memory_space<semaphore_mem>> -> memref<1x!tpu.dma_semaphore, #tpu.memory_space<semaphore_mem>>
          %dma_start3A_204 = tpu.memref_squeeze %dma_start3A_203 : memref<1x!tpu.dma_semaphore, #tpu.memory_space<semaphore_mem>> -> memref<!tpu.dma_semaphore, #tpu.memory_space<semaphore_mem>>
          tpu.enqueue_indirect_dma source(%dma_start3A_202 : memref<10000x32xf32, #tpu.memory_space<hbm>>) target(%dma_start3A_198 : memref<128x32xf32, #tpu.memory_space<vmem>>) offsets(%dma_start3A_199 : memref<128xi32, #tpu.memory_space<vmem>>) semaphore(%dma_start3A_204 : memref<!tpu.dma_semaphore, #tpu.memory_space<semaphore_mem>>)
        } else {
        }
      } else {
      }
      %add3A_153 = arith.constant 4 : i32
      %add3A_154 = arith.addi %mul3A_129, %add3A_153 : i32
      %lt3A_155 = arith.cmpi slt, %add3A_154, %add3A : i32
      %convert_element_type3A_156 = arith.extui %lt3A_155 : i1 to i32
      %cond3A_157 = arith.constant 0 : i32
      %cond3A_158 = arith.cmpi ne, %convert_element_type3A_156, %cond3A_157 : i32
      scf.if %cond3A_158 {
        %add3A_165 = arith.addi %sub3A, %add3A_154 : i32
        %mul3A_166 = arith.constant 128 : i32
        %mul3A_167 = arith.muli %add3A_165, %mul3A_166 : i32
        %dma_wait3A = arith.constant 4 : i32
        %dma_wait3A_168 = arith.constant 4 : i32
        %dma_wait3A_169 = arith.constant 0 : i32
        %dma_wait3A_170 = arith.constant 0 : i32
        %dma_wait3A_171 = tpu.memref_slice %arg9[%dma_wait3A, %dma_wait3A_169, %dma_wait3A_170] : memref<6x128x32xf32, #tpu.memory_space<vmem>> -> memref<1x128x32xf32, #tpu.memory_space<vmem>>
        %dma_wait3A_172 = tpu.memref_squeeze %dma_wait3A_171 : memref<1x128x32xf32, #tpu.memory_space<vmem>> -> memref<128x32xf32, #tpu.memory_space<vmem>>
        %dma_wait3A_173 = tpu.memref_slice %arg7[%mul3A_167] : memref<10112xi32, #tpu.memory_space<vmem>> -> memref<128xi32, #tpu.memory_space<vmem>>
        %dma_wait3A_174 = arith.constant 0 : i32
        %dma_wait3A_175 = arith.constant 0 : i32
        %dma_wait3A_176 = tpu.memref_slice %arg2[%dma_wait3A_174, %dma_wait3A_175] : memref<10000x32xf32, #tpu.memory_space<hbm>> -> memref<10000x32xf32, #tpu.memory_space<hbm>>
        %dma_wait3A_177 = tpu.memref_slice %arg11[%dma_wait3A_168] : memref<6x!tpu.dma_semaphore, #tpu.memory_space<semaphore_mem>> -> memref<1x!tpu.dma_semaphore, #tpu.memory_space<semaphore_mem>>
        %dma_wait3A_178 = tpu.memref_squeeze %dma_wait3A_177 : memref<1x!tpu.dma_semaphore, #tpu.memory_space<semaphore_mem>> -> memref<!tpu.dma_semaphore, #tpu.memory_space<semaphore_mem>>
        tpu.wait_indirect_dma semaphore(%dma_wait3A_178 : memref<!tpu.dma_semaphore, #tpu.memory_space<semaphore_mem>>) src(%dma_wait3A_176 : memref<10000x32xf32, #tpu.memory_space<hbm>>) dst(%dma_wait3A_172 : memref<128x32xf32, #tpu.memory_space<vmem>>)
        %add3A_179 = arith.addi %sub3A, %add3A_154 : i32
        %mul3A_180 = arith.constant 128 : i32
        %mul3A_181 = arith.muli %add3A_179, %mul3A_180 : i32
        %run_scoped3A = arith.constant 4 : i32
        "tpu.region"() ({
          %run_scoped3A_188 = tpu.sem_alloc : memref<!tpu.dma_semaphore, #tpu.memory_space<semaphore_mem>>
          %dma_start3A_189 = arith.constant 0 : i32
          %dma_start3A_190 = arith.constant 0 : i32
          %dma_start3A_191 = tpu.memref_slice %arg9[%run_scoped3A, %dma_start3A_189, %dma_start3A_190] : memref<6x128x32xf32, #tpu.memory_space<vmem>> -> memref<1x128x32xf32, #tpu.memory_space<vmem>>
          %dma_start3A_192 = tpu.memref_squeeze %dma_start3A_191 : memref<1x128x32xf32, #tpu.memory_space<vmem>> -> memref<128x32xf32, #tpu.memory_space<vmem>>
          %dma_start3A_193 = tpu.memref_slice %arg8[%mul3A_181] : memref<10112xi32, #tpu.memory_space<vmem>> -> memref<128xi32, #tpu.memory_space<vmem>>
          %dma_start3A_194 = arith.constant 0 : i32
          %dma_start3A_195 = arith.constant 0 : i32
          %dma_start3A_196 = tpu.memref_slice %arg10[%dma_start3A_194, %dma_start3A_195] : memref<10112x32xf32, #tpu.memory_space<vmem_shared>> -> memref<10112x32xf32, #tpu.memory_space<vmem_shared>>
          tpu.enqueue_indirect_dma source(%dma_start3A_192 : memref<128x32xf32, #tpu.memory_space<vmem>>) target(%dma_start3A_196 : memref<10112x32xf32, #tpu.memory_space<vmem_shared>>) offsets(%dma_start3A_193 : memref<128xi32, #tpu.memory_space<vmem>>) semaphore(%run_scoped3A_188 : memref<!tpu.dma_semaphore, #tpu.memory_space<semaphore_mem>>) {add = true}
          %dma_wait3A_197 = arith.constant 0 : i32
          %dma_wait3A_198 = arith.constant 0 : i32
          %dma_wait3A_199 = tpu.memref_slice %arg9[%run_scoped3A, %dma_wait3A_197, %dma_wait3A_198] : memref<6x128x32xf32, #tpu.memory_space<vmem>> -> memref<1x128x32xf32, #tpu.memory_space<vmem>>
          %dma_wait3A_200 = tpu.memref_squeeze %dma_wait3A_199 : memref<1x128x32xf32, #tpu.memory_space<vmem>> -> memref<128x32xf32, #tpu.memory_space<vmem>>
          %dma_wait3A_201 = tpu.memref_slice %arg8[%mul3A_181] : memref<10112xi32, #tpu.memory_space<vmem>> -> memref<128xi32, #tpu.memory_space<vmem>>
          %dma_wait3A_202 = arith.constant 0 : i32
          %dma_wait3A_203 = arith.constant 0 : i32
          %dma_wait3A_204 = tpu.memref_slice %arg10[%dma_wait3A_202, %dma_wait3A_203] : memref<10112x32xf32, #tpu.memory_space<vmem_shared>> -> memref<10112x32xf32, #tpu.memory_space<vmem_shared>>
          tpu.wait_indirect_dma semaphore(%run_scoped3A_188 : memref<!tpu.dma_semaphore, #tpu.memory_space<semaphore_mem>>) src(%dma_wait3A_200 : memref<128x32xf32, #tpu.memory_space<vmem>>) dst(%dma_wait3A_204 : memref<10112x32xf32, #tpu.memory_space<vmem_shared>>)
          tpu.yield
        }) : () -> ()
        %add3A_182 = arith.constant 6 : i32
        %add3A_183 = arith.addi %add3A_154, %add3A_182 : i32
        %lt3A_184 = arith.cmpi slt, %add3A_183, %add3A : i32
        %convert_element_type3A_185 = arith.extui %lt3A_184 : i1 to i32
        %cond3A_186 = arith.constant 0 : i32
        %cond3A_187 = arith.cmpi ne, %convert_element_type3A_185, %cond3A_186 : i32
        scf.if %cond3A_187 {
          %add3A_188 = arith.addi %sub3A, %add3A_154 : i32
          %add3A_189 = arith.constant 6 : i32
          %add3A_190 = arith.addi %add3A_188, %add3A_189 : i32
          %mul3A_191 = arith.constant 128 : i32
          %mul3A_192 = arith.muli %add3A_190, %mul3A_191 : i32
          %dma_start3A_193 = arith.constant 4 : i32
          %dma_start3A_194 = arith.constant 4 : i32
          %dma_start3A_195 = arith.constant 0 : i32
          %dma_start3A_196 = arith.constant 0 : i32
          %dma_start3A_197 = tpu.memref_slice %arg9[%dma_start3A_193, %dma_start3A_195, %dma_start3A_196] : memref<6x128x32xf32, #tpu.memory_space<vmem>> -> memref<1x128x32xf32, #tpu.memory_space<vmem>>
          %dma_start3A_198 = tpu.memref_squeeze %dma_start3A_197 : memref<1x128x32xf32, #tpu.memory_space<vmem>> -> memref<128x32xf32, #tpu.memory_space<vmem>>
          %dma_start3A_199 = tpu.memref_slice %arg7[%mul3A_192] : memref<10112xi32, #tpu.memory_space<vmem>> -> memref<128xi32, #tpu.memory_space<vmem>>
          %dma_start3A_200 = arith.constant 0 : i32
          %dma_start3A_201 = arith.constant 0 : i32
          %dma_start3A_202 = tpu.memref_slice %arg2[%dma_start3A_200, %dma_start3A_201] : memref<10000x32xf32, #tpu.memory_space<hbm>> -> memref<10000x32xf32, #tpu.memory_space<hbm>>
          %dma_start3A_203 = tpu.memref_slice %arg11[%dma_start3A_194] : memref<6x!tpu.dma_semaphore, #tpu.memory_space<semaphore_mem>> -> memref<1x!tpu.dma_semaphore, #tpu.memory_space<semaphore_mem>>
          %dma_start3A_204 = tpu.memref_squeeze %dma_start3A_203 : memref<1x!tpu.dma_semaphore, #tpu.memory_space<semaphore_mem>> -> memref<!tpu.dma_semaphore, #tpu.memory_space<semaphore_mem>>
          tpu.enqueue_indirect_dma source(%dma_start3A_202 : memref<10000x32xf32, #tpu.memory_space<hbm>>) target(%dma_start3A_198 : memref<128x32xf32, #tpu.memory_space<vmem>>) offsets(%dma_start3A_199 : memref<128xi32, #tpu.memory_space<vmem>>) semaphore(%dma_start3A_204 : memref<!tpu.dma_semaphore, #tpu.memory_space<semaphore_mem>>)
        } else {
        }
      } else {
      }
      %add3A_159 = arith.constant 5 : i32
      %add3A_160 = arith.addi %mul3A_129, %add3A_159 : i32
      %lt3A_161 = arith.cmpi slt, %add3A_160, %add3A : i32
      %convert_element_type3A_162 = arith.extui %lt3A_161 : i1 to i32
      %cond3A_163 = arith.constant 0 : i32
      %cond3A_164 = arith.cmpi ne, %convert_element_type3A_162, %cond3A_163 : i32
      scf.if %cond3A_164 {
        %add3A_165 = arith.addi %sub3A, %add3A_160 : i32
        %mul3A_166 = arith.constant 128 : i32
        %mul3A_167 = arith.muli %add3A_165, %mul3A_166 : i32
        %dma_wait3A = arith.constant 5 : i32
        %dma_wait3A_168 = arith.constant 5 : i32
        %dma_wait3A_169 = arith.constant 0 : i32
        %dma_wait3A_170 = arith.constant 0 : i32
        %dma_wait3A_171 = tpu.memref_slice %arg9[%dma_wait3A, %dma_wait3A_169, %dma_wait3A_170] : memref<6x128x32xf32, #tpu.memory_space<vmem>> -> memref<1x128x32xf32, #tpu.memory_space<vmem>>
        %dma_wait3A_172 = tpu.memref_squeeze %dma_wait3A_171 : memref<1x128x32xf32, #tpu.memory_space<vmem>> -> memref<128x32xf32, #tpu.memory_space<vmem>>
        %dma_wait3A_173 = tpu.memref_slice %arg7[%mul3A_167] : memref<10112xi32, #tpu.memory_space<vmem>> -> memref<128xi32, #tpu.memory_space<vmem>>
        %dma_wait3A_174 = arith.constant 0 : i32
        %dma_wait3A_175 = arith.constant 0 : i32
        %dma_wait3A_176 = tpu.memref_slice %arg2[%dma_wait3A_174, %dma_wait3A_175] : memref<10000x32xf32, #tpu.memory_space<hbm>> -> memref<10000x32xf32, #tpu.memory_space<hbm>>
        %dma_wait3A_177 = tpu.memref_slice %arg11[%dma_wait3A_168] : memref<6x!tpu.dma_semaphore, #tpu.memory_space<semaphore_mem>> -> memref<1x!tpu.dma_semaphore, #tpu.memory_space<semaphore_mem>>
        %dma_wait3A_178 = tpu.memref_squeeze %dma_wait3A_177 : memref<1x!tpu.dma_semaphore, #tpu.memory_space<semaphore_mem>> -> memref<!tpu.dma_semaphore, #tpu.memory_space<semaphore_mem>>
        tpu.wait_indirect_dma semaphore(%dma_wait3A_178 : memref<!tpu.dma_semaphore, #tpu.memory_space<semaphore_mem>>) src(%dma_wait3A_176 : memref<10000x32xf32, #tpu.memory_space<hbm>>) dst(%dma_wait3A_172 : memref<128x32xf32, #tpu.memory_space<vmem>>)
        %add3A_179 = arith.addi %sub3A, %add3A_160 : i32
        %mul3A_180 = arith.constant 128 : i32
        %mul3A_181 = arith.muli %add3A_179, %mul3A_180 : i32
        %run_scoped3A = arith.constant 5 : i32
        "tpu.region"() ({
          %run_scoped3A_188 = tpu.sem_alloc : memref<!tpu.dma_semaphore, #tpu.memory_space<semaphore_mem>>
          %dma_start3A_189 = arith.constant 0 : i32
          %dma_start3A_190 = arith.constant 0 : i32
          %dma_start3A_191 = tpu.memref_slice %arg9[%run_scoped3A, %dma_start3A_189, %dma_start3A_190] : memref<6x128x32xf32, #tpu.memory_space<vmem>> -> memref<1x128x32xf32, #tpu.memory_space<vmem>>
          %dma_start3A_192 = tpu.memref_squeeze %dma_start3A_191 : memref<1x128x32xf32, #tpu.memory_space<vmem>> -> memref<128x32xf32, #tpu.memory_space<vmem>>
          %dma_start3A_193 = tpu.memref_slice %arg8[%mul3A_181] : memref<10112xi32, #tpu.memory_space<vmem>> -> memref<128xi32, #tpu.memory_space<vmem>>
          %dma_start3A_194 = arith.constant 0 : i32
          %dma_start3A_195 = arith.constant 0 : i32
          %dma_start3A_196 = tpu.memref_slice %arg10[%dma_start3A_194, %dma_start3A_195] : memref<10112x32xf32, #tpu.memory_space<vmem_shared>> -> memref<10112x32xf32, #tpu.memory_space<vmem_shared>>
          tpu.enqueue_indirect_dma source(%dma_start3A_192 : memref<128x32xf32, #tpu.memory_space<vmem>>) target(%dma_start3A_196 : memref<10112x32xf32, #tpu.memory_space<vmem_shared>>) offsets(%dma_start3A_193 : memref<128xi32, #tpu.memory_space<vmem>>) semaphore(%run_scoped3A_188 : memref<!tpu.dma_semaphore, #tpu.memory_space<semaphore_mem>>) {add = true}
          %dma_wait3A_197 = arith.constant 0 : i32
          %dma_wait3A_198 = arith.constant 0 : i32
          %dma_wait3A_199 = tpu.memref_slice %arg9[%run_scoped3A, %dma_wait3A_197, %dma_wait3A_198] : memref<6x128x32xf32, #tpu.memory_space<vmem>> -> memref<1x128x32xf32, #tpu.memory_space<vmem>>
          %dma_wait3A_200 = tpu.memref_squeeze %dma_wait3A_199 : memref<1x128x32xf32, #tpu.memory_space<vmem>> -> memref<128x32xf32, #tpu.memory_space<vmem>>
          %dma_wait3A_201 = tpu.memref_slice %arg8[%mul3A_181] : memref<10112xi32, #tpu.memory_space<vmem>> -> memref<128xi32, #tpu.memory_space<vmem>>
          %dma_wait3A_202 = arith.constant 0 : i32
          %dma_wait3A_203 = arith.constant 0 : i32
          %dma_wait3A_204 = tpu.memref_slice %arg10[%dma_wait3A_202, %dma_wait3A_203] : memref<10112x32xf32, #tpu.memory_space<vmem_shared>> -> memref<10112x32xf32, #tpu.memory_space<vmem_shared>>
          tpu.wait_indirect_dma semaphore(%run_scoped3A_188 : memref<!tpu.dma_semaphore, #tpu.memory_space<semaphore_mem>>) src(%dma_wait3A_200 : memref<128x32xf32, #tpu.memory_space<vmem>>) dst(%dma_wait3A_204 : memref<10112x32xf32, #tpu.memory_space<vmem_shared>>)
          tpu.yield
        }) : () -> ()
        %add3A_182 = arith.constant 6 : i32
        %add3A_183 = arith.addi %add3A_160, %add3A_182 : i32
        %lt3A_184 = arith.cmpi slt, %add3A_183, %add3A : i32
        %convert_element_type3A_185 = arith.extui %lt3A_184 : i1 to i32
        %cond3A_186 = arith.constant 0 : i32
        %cond3A_187 = arith.cmpi ne, %convert_element_type3A_185, %cond3A_186 : i32
        scf.if %cond3A_187 {
          %add3A_188 = arith.addi %sub3A, %add3A_160 : i32
          %add3A_189 = arith.constant 6 : i32
          %add3A_190 = arith.addi %add3A_188, %add3A_189 : i32
          %mul3A_191 = arith.constant 128 : i32
          %mul3A_192 = arith.muli %add3A_190, %mul3A_191 : i32
          %dma_start3A_193 = arith.constant 5 : i32
          %dma_start3A_194 = arith.constant 5 : i32
          %dma_start3A_195 = arith.constant 0 : i32
          %dma_start3A_196 = arith.constant 0 : i32
          %dma_start3A_197 = tpu.memref_slice %arg9[%dma_start3A_193, %dma_start3A_195, %dma_start3A_196] : memref<6x128x32xf32, #tpu.memory_space<vmem>> -> memref<1x128x32xf32, #tpu.memory_space<vmem>>
          %dma_start3A_198 = tpu.memref_squeeze %dma_start3A_197 : memref<1x128x32xf32, #tpu.memory_space<vmem>> -> memref<128x32xf32, #tpu.memory_space<vmem>>
          %dma_start3A_199 = tpu.memref_slice %arg7[%mul3A_192] : memref<10112xi32, #tpu.memory_space<vmem>> -> memref<128xi32, #tpu.memory_space<vmem>>
          %dma_start3A_200 = arith.constant 0 : i32
          %dma_start3A_201 = arith.constant 0 : i32
          %dma_start3A_202 = tpu.memref_slice %arg2[%dma_start3A_200, %dma_start3A_201] : memref<10000x32xf32, #tpu.memory_space<hbm>> -> memref<10000x32xf32, #tpu.memory_space<hbm>>
          %dma_start3A_203 = tpu.memref_slice %arg11[%dma_start3A_194] : memref<6x!tpu.dma_semaphore, #tpu.memory_space<semaphore_mem>> -> memref<1x!tpu.dma_semaphore, #tpu.memory_space<semaphore_mem>>
          %dma_start3A_204 = tpu.memref_squeeze %dma_start3A_203 : memref<1x!tpu.dma_semaphore, #tpu.memory_space<semaphore_mem>> -> memref<!tpu.dma_semaphore, #tpu.memory_space<semaphore_mem>>
          tpu.enqueue_indirect_dma source(%dma_start3A_202 : memref<10000x32xf32, #tpu.memory_space<hbm>>) target(%dma_start3A_198 : memref<128x32xf32, #tpu.memory_space<vmem>>) offsets(%dma_start3A_199 : memref<128xi32, #tpu.memory_space<vmem>>) semaphore(%dma_start3A_204 : memref<!tpu.dma_semaphore, #tpu.memory_space<semaphore_mem>>)
        } else {
        }
      } else {
      }
    }
    %scan3A_121 = arith.constant 14 : i32
    %barrier3A_122 = arith.constant 0 : index
    tpu.barrier barrier_id(%barrier3A_122)
    %mul3A_123 = arith.constant 632 : i32
    %mul3A_124 = arith.muli %arg1, %mul3A_123 : i32
    %mul3A_125 = arith.constant 632 : i32
    %mul3A_126 = arith.muli %arg1, %mul3A_125 : i32
    "tpu.region"() ({
      %run_scoped3A = tpu.sem_alloc : memref<!tpu.dma_semaphore, #tpu.memory_space<semaphore_mem>>
      %dma_start3A_127 = arith.constant 0 : i32
      %dma_start3A_128 = tpu.memref_slice %arg6[%arg0, %mul3A_126, %dma_start3A_127] : memref<2x10112x32xf32, #tpu.memory_space<hbm>> -> memref<1x632x32xf32, #tpu.memory_space<hbm>>
      %dma_start3A_129 = tpu.memref_squeeze %dma_start3A_128 : memref<1x632x32xf32, #tpu.memory_space<hbm>> -> memref<632x32xf32, #tpu.memory_space<hbm>>
      %dma_start3A_130 = arith.constant 0 : i32
      %dma_start3A_131 = tpu.memref_slice %arg10[%mul3A_124, %dma_start3A_130] : memref<10112x32xf32, #tpu.memory_space<vmem_shared>> -> memref<632x32xf32, #tpu.memory_space<vmem_shared>>
      tpu.enqueue_dma source(%dma_start3A_131 : memref<632x32xf32, #tpu.memory_space<vmem_shared>>) target(%dma_start3A_129 : memref<632x32xf32, #tpu.memory_space<hbm>>) target_semaphore(%run_scoped3A : memref<!tpu.dma_semaphore, #tpu.memory_space<semaphore_mem>>)
      %dma_wait3A = arith.constant 0 : i32
      %dma_wait3A_132 = tpu.memref_slice %arg6[%arg0, %mul3A_126, %dma_wait3A] : memref<2x10112x32xf32, #tpu.memory_space<hbm>> -> memref<1x632x32xf32, #tpu.memory_space<hbm>>
      %dma_wait3A_133 = tpu.memref_squeeze %dma_wait3A_132 : memref<1x632x32xf32, #tpu.memory_space<hbm>> -> memref<632x32xf32, #tpu.memory_space<hbm>>
      %dma_wait3A_134 = arith.constant 0 : i32
      %dma_wait3A_135 = tpu.memref_slice %arg10[%mul3A_124, %dma_wait3A_134] : memref<10112x32xf32, #tpu.memory_space<vmem_shared>> -> memref<632x32xf32, #tpu.memory_space<vmem_shared>>
      tpu.wait_dma2 semaphore(%run_scoped3A : memref<!tpu.dma_semaphore, #tpu.memory_space<semaphore_mem>>) src(%dma_wait3A_135 : memref<632x32xf32, #tpu.memory_space<vmem_shared>>) dst(%dma_wait3A_133 : memref<632x32xf32, #tpu.memory_space<hbm>>)
      tpu.yield
    }) : () -> ()
    return
  }
}

#map = affine_map<(d0, d1) -> (0, 0)>
#map1 = affine_map<(d0, d1) -> (0)>
#map2 = affine_map<(d0, d1) -> (0, 0, 0)>
module attributes {stable_mosaic.version = 14 : i64} {
  func.func @body(%arg0: i32, %arg1: i32, %arg2: memref<10000x72xf32, #tpu.memory_space<hbm>>, %arg3: memref<320000xi32, #tpu.memory_space<hbm>>, %arg4: memref<320000xi32, #tpu.memory_space<hbm>>, %arg5: memref<632x72xf32, #tpu.memory_space<hbm>>, %arg6: memref<2x10112x72xf32, #tpu.memory_space<hbm>>, %arg7: memref<10496xi32, #tpu.memory_space<vmem>>, %arg8: memref<10496xi32, #tpu.memory_space<vmem>>, %arg9: memref<6x128x72xf32, #tpu.memory_space<vmem>>, %arg10: memref<10112x72xf32, #tpu.memory_space<vmem_shared>>, %arg11: memref<6x!tpu.dma_semaphore, #tpu.memory_space<semaphore_mem>>) attributes {dimension_semantics = [#tpu.dimension_semantics<core_parallel>, #tpu.dimension_semantics<subcore_parallel>], iteration_bounds = array<i64: 2, 16>, scalar_prefetch = 0 : i64, scratch_operands = 5 : i64, tpu.core_type = #tpu.core_type<sc_vector_subcore>, window_params = [{transform_indices = #map}, {transform_indices = #map1}, {transform_indices = #map1}, {transform_indices = #map}, {transform_indices = #map2}]} {
    %eq3A = arith.constant 0 : i32
    %eq3A_0 = arith.cmpi eq, %arg0, %eq3A : i32
    %jit3A = arith.constant 74 : i32
    %jit3A_1 = arith.constant 81 : i32
    %select_n3A = arith.select %eq3A_0, %jit3A, %jit3A_1 : i32
    %eq3A_2 = arith.constant 0 : i32
    %eq3A_3 = arith.cmpi eq, %arg0, %eq3A_2 : i32
    %jit3A_4 = arith.constant 10 : i32
    %jit3A_5 = arith.constant 10 : i32
    %select_n3A_6 = arith.select %eq3A_3, %jit3A_4, %jit3A_5 : i32
    %eq3A_7 = arith.constant 0 : i32
    %eq3A_8 = arith.cmpi eq, %arg0, %eq3A_7 : i32
    %jit3A_9 = arith.constant 0 : i32
    %jit3A_10 = arith.constant 1194 : i32
    %select_n3A_11 = arith.select %eq3A_8, %jit3A_9, %jit3A_10 : i32
    %lt3A = arith.cmpi slt, %arg1, %select_n3A_6 : i32
    %convert_element_type3A = arith.extui %lt3A : i1 to i32
    %add3A = arith.addi %select_n3A, %convert_element_type3A : i32
    %mul3A = arith.muli %arg1, %select_n3A : i32
    %add3A_12 = arith.addi %select_n3A_11, %mul3A : i32
    %min3A = arith.minsi %arg1, %select_n3A_6 : i32
    %add3A_13 = arith.addi %add3A_12, %min3A : i32
    %min3A_14 = arith.constant 2418 : i32
    %min3A_15 = arith.minsi %add3A_13, %min3A_14 : i32
    %sub3A = arith.subi %add3A_13, %min3A_15 : i32
    %mul3A_16 = arith.constant 632 : i32
    %mul3A_17 = arith.muli %arg1, %mul3A_16 : i32
    "tpu.region"() ({
      %run_scoped3A = tpu.sem_alloc : memref<!tpu.dma_semaphore, #tpu.memory_space<semaphore_mem>>
      %dma_start3A_127 = arith.constant 0 : i32
      %dma_start3A_128 = tpu.memref_slice %arg10[%mul3A_17, %dma_start3A_127] : memref<10112x72xf32, #tpu.memory_space<vmem_shared>> -> memref<632x72xf32, #tpu.memory_space<vmem_shared>>
      tpu.enqueue_dma source(%arg5 : memref<632x72xf32, #tpu.memory_space<hbm>>) target(%dma_start3A_128 : memref<632x72xf32, #tpu.memory_space<vmem_shared>>) target_semaphore(%run_scoped3A : memref<!tpu.dma_semaphore, #tpu.memory_space<semaphore_mem>>)
      %dma_wait3A = arith.constant 0 : i32
      %dma_wait3A_129 = tpu.memref_slice %arg10[%mul3A_17, %dma_wait3A] : memref<10112x72xf32, #tpu.memory_space<vmem_shared>> -> memref<632x72xf32, #tpu.memory_space<vmem_shared>>
      tpu.wait_dma2 semaphore(%run_scoped3A : memref<!tpu.dma_semaphore, #tpu.memory_space<semaphore_mem>>) src(%arg5 : memref<632x72xf32, #tpu.memory_space<hbm>>) dst(%dma_wait3A_129 : memref<632x72xf32, #tpu.memory_space<vmem_shared>>)
      tpu.yield
    }) : () -> ()
    %mul3A_18 = arith.constant 128 : i32
    %mul3A_19 = arith.muli %min3A_15, %mul3A_18 : i32
    "tpu.region"() ({
      %run_scoped3A = tpu.sem_alloc : memref<!tpu.dma_semaphore, #tpu.memory_space<semaphore_mem>>
      %dma_start3A_127 = tpu.memref_slice %arg3[%mul3A_19] : memref<320000xi32, #tpu.memory_space<hbm>> -> memref<10496xi32, #tpu.memory_space<hbm>>
      %dma_start3A_128 = tpu.memref_slice %arg3[%mul3A_19] : memref<320000xi32, #tpu.memory_space<hbm>> -> memref<10496xi32, #tpu.memory_space<hbm>>
      tpu.enqueue_dma source(%dma_start3A_128 : memref<10496xi32, #tpu.memory_space<hbm>>) target(%arg7 : memref<10496xi32, #tpu.memory_space<vmem>>) target_semaphore(%run_scoped3A : memref<!tpu.dma_semaphore, #tpu.memory_space<semaphore_mem>>)
      %dma_wait3A = tpu.memref_slice %arg3[%mul3A_19] : memref<320000xi32, #tpu.memory_space<hbm>> -> memref<10496xi32, #tpu.memory_space<hbm>>
      %dma_wait3A_129 = tpu.memref_slice %arg3[%mul3A_19] : memref<320000xi32, #tpu.memory_space<hbm>> -> memref<10496xi32, #tpu.memory_space<hbm>>
      tpu.wait_dma2 semaphore(%run_scoped3A : memref<!tpu.dma_semaphore, #tpu.memory_space<semaphore_mem>>) src(%dma_wait3A_129 : memref<10496xi32, #tpu.memory_space<hbm>>) dst(%arg7 : memref<10496xi32, #tpu.memory_space<vmem>>)
      tpu.yield
    }) : () -> ()
    %mul3A_20 = arith.constant 128 : i32
    %mul3A_21 = arith.muli %min3A_15, %mul3A_20 : i32
    "tpu.region"() ({
      %run_scoped3A = tpu.sem_alloc : memref<!tpu.dma_semaphore, #tpu.memory_space<semaphore_mem>>
      %dma_start3A_127 = tpu.memref_slice %arg4[%mul3A_21] : memref<320000xi32, #tpu.memory_space<hbm>> -> memref<10496xi32, #tpu.memory_space<hbm>>
      %dma_start3A_128 = tpu.memref_slice %arg4[%mul3A_21] : memref<320000xi32, #tpu.memory_space<hbm>> -> memref<10496xi32, #tpu.memory_space<hbm>>
      tpu.enqueue_dma source(%dma_start3A_128 : memref<10496xi32, #tpu.memory_space<hbm>>) target(%arg8 : memref<10496xi32, #tpu.memory_space<vmem>>) target_semaphore(%run_scoped3A : memref<!tpu.dma_semaphore, #tpu.memory_space<semaphore_mem>>)
      %dma_wait3A = tpu.memref_slice %arg4[%mul3A_21] : memref<320000xi32, #tpu.memory_space<hbm>> -> memref<10496xi32, #tpu.memory_space<hbm>>
      %dma_wait3A_129 = tpu.memref_slice %arg4[%mul3A_21] : memref<320000xi32, #tpu.memory_space<hbm>> -> memref<10496xi32, #tpu.memory_space<hbm>>
      tpu.wait_dma2 semaphore(%run_scoped3A : memref<!tpu.dma_semaphore, #tpu.memory_space<semaphore_mem>>) src(%dma_wait3A_129 : memref<10496xi32, #tpu.memory_space<hbm>>) dst(%arg8 : memref<10496xi32, #tpu.memory_space<vmem>>)
      tpu.yield
    }) : () -> ()
    %barrier3A = arith.constant 0 : index
    tpu.barrier barrier_id(%barrier3A)
    %add3A_22 = arith.constant 0 : i32
    %add3A_23 = arith.addi %sub3A, %add3A_22 : i32
    %mul3A_24 = arith.constant 128 : i32
    %mul3A_25 = arith.muli %add3A_23, %mul3A_24 : i32
    %dma_start3A = arith.constant 0 : i32
    %dma_start3A_26 = arith.constant 0 : i32
    %dma_start3A_27 = arith.constant 0 : i32
    %dma_start3A_28 = arith.constant 0 : i32
    %dma_start3A_29 = tpu.memref_slice %arg9[%dma_start3A, %dma_start3A_27, %dma_start3A_28] : memref<6x128x72xf32, #tpu.memory_space<vmem>> -> memref<1x128x72xf32, #tpu.memory_space<vmem>>
    %dma_start3A_30 = tpu.memref_squeeze %dma_start3A_29 : memref<1x128x72xf32, #tpu.memory_space<vmem>> -> memref<128x72xf32, #tpu.memory_space<vmem>>
    %dma_start3A_31 = tpu.memref_slice %arg7[%mul3A_25] : memref<10496xi32, #tpu.memory_space<vmem>> -> memref<128xi32, #tpu.memory_space<vmem>>
    %dma_start3A_32 = arith.constant 0 : i32
    %dma_start3A_33 = arith.constant 0 : i32
    %dma_start3A_34 = tpu.memref_slice %arg2[%dma_start3A_32, %dma_start3A_33] : memref<10000x72xf32, #tpu.memory_space<hbm>> -> memref<10000x72xf32, #tpu.memory_space<hbm>>
    %dma_start3A_35 = tpu.memref_slice %arg11[%dma_start3A_26] : memref<6x!tpu.dma_semaphore, #tpu.memory_space<semaphore_mem>> -> memref<1x!tpu.dma_semaphore, #tpu.memory_space<semaphore_mem>>
    %dma_start3A_36 = tpu.memref_squeeze %dma_start3A_35 : memref<1x!tpu.dma_semaphore, #tpu.memory_space<semaphore_mem>> -> memref<!tpu.dma_semaphore, #tpu.memory_space<semaphore_mem>>
    tpu.enqueue_indirect_dma source(%dma_start3A_34 : memref<10000x72xf32, #tpu.memory_space<hbm>>) target(%dma_start3A_30 : memref<128x72xf32, #tpu.memory_space<vmem>>) offsets(%dma_start3A_31 : memref<128xi32, #tpu.memory_space<vmem>>) semaphore(%dma_start3A_36 : memref<!tpu.dma_semaphore, #tpu.memory_space<semaphore_mem>>)
    %add3A_37 = arith.constant 1 : i32
    %add3A_38 = arith.addi %sub3A, %add3A_37 : i32
    %mul3A_39 = arith.constant 128 : i32
    %mul3A_40 = arith.muli %add3A_38, %mul3A_39 : i32
    %dma_start3A_41 = arith.constant 1 : i32
    %dma_start3A_42 = arith.constant 1 : i32
    %dma_start3A_43 = arith.constant 0 : i32
    %dma_start3A_44 = arith.constant 0 : i32
    %dma_start3A_45 = tpu.memref_slice %arg9[%dma_start3A_41, %dma_start3A_43, %dma_start3A_44] : memref<6x128x72xf32, #tpu.memory_space<vmem>> -> memref<1x128x72xf32, #tpu.memory_space<vmem>>
    %dma_start3A_46 = tpu.memref_squeeze %dma_start3A_45 : memref<1x128x72xf32, #tpu.memory_space<vmem>> -> memref<128x72xf32, #tpu.memory_space<vmem>>
    %dma_start3A_47 = tpu.memref_slice %arg7[%mul3A_40] : memref<10496xi32, #tpu.memory_space<vmem>> -> memref<128xi32, #tpu.memory_space<vmem>>
    %dma_start3A_48 = arith.constant 0 : i32
    %dma_start3A_49 = arith.constant 0 : i32
    %dma_start3A_50 = tpu.memref_slice %arg2[%dma_start3A_48, %dma_start3A_49] : memref<10000x72xf32, #tpu.memory_space<hbm>> -> memref<10000x72xf32, #tpu.memory_space<hbm>>
    %dma_start3A_51 = tpu.memref_slice %arg11[%dma_start3A_42] : memref<6x!tpu.dma_semaphore, #tpu.memory_space<semaphore_mem>> -> memref<1x!tpu.dma_semaphore, #tpu.memory_space<semaphore_mem>>
    %dma_start3A_52 = tpu.memref_squeeze %dma_start3A_51 : memref<1x!tpu.dma_semaphore, #tpu.memory_space<semaphore_mem>> -> memref<!tpu.dma_semaphore, #tpu.memory_space<semaphore_mem>>
    tpu.enqueue_indirect_dma source(%dma_start3A_50 : memref<10000x72xf32, #tpu.memory_space<hbm>>) target(%dma_start3A_46 : memref<128x72xf32, #tpu.memory_space<vmem>>) offsets(%dma_start3A_47 : memref<128xi32, #tpu.memory_space<vmem>>) semaphore(%dma_start3A_52 : memref<!tpu.dma_semaphore, #tpu.memory_space<semaphore_mem>>)
    %add3A_53 = arith.constant 2 : i32
    %add3A_54 = arith.addi %sub3A, %add3A_53 : i32
    %mul3A_55 = arith.constant 128 : i32
    %mul3A_56 = arith.muli %add3A_54, %mul3A_55 : i32
    %dma_start3A_57 = arith.constant 2 : i32
    %dma_start3A_58 = arith.constant 2 : i32
    %dma_start3A_59 = arith.constant 0 : i32
    %dma_start3A_60 = arith.constant 0 : i32
    %dma_start3A_61 = tpu.memref_slice %arg9[%dma_start3A_57, %dma_start3A_59, %dma_start3A_60] : memref<6x128x72xf32, #tpu.memory_space<vmem>> -> memref<1x128x72xf32, #tpu.memory_space<vmem>>
    %dma_start3A_62 = tpu.memref_squeeze %dma_start3A_61 : memref<1x128x72xf32, #tpu.memory_space<vmem>> -> memref<128x72xf32, #tpu.memory_space<vmem>>
    %dma_start3A_63 = tpu.memref_slice %arg7[%mul3A_56] : memref<10496xi32, #tpu.memory_space<vmem>> -> memref<128xi32, #tpu.memory_space<vmem>>
    %dma_start3A_64 = arith.constant 0 : i32
    %dma_start3A_65 = arith.constant 0 : i32
    %dma_start3A_66 = tpu.memref_slice %arg2[%dma_start3A_64, %dma_start3A_65] : memref<10000x72xf32, #tpu.memory_space<hbm>> -> memref<10000x72xf32, #tpu.memory_space<hbm>>
    %dma_start3A_67 = tpu.memref_slice %arg11[%dma_start3A_58] : memref<6x!tpu.dma_semaphore, #tpu.memory_space<semaphore_mem>> -> memref<1x!tpu.dma_semaphore, #tpu.memory_space<semaphore_mem>>
    %dma_start3A_68 = tpu.memref_squeeze %dma_start3A_67 : memref<1x!tpu.dma_semaphore, #tpu.memory_space<semaphore_mem>> -> memref<!tpu.dma_semaphore, #tpu.memory_space<semaphore_mem>>
    tpu.enqueue_indirect_dma source(%dma_start3A_66 : memref<10000x72xf32, #tpu.memory_space<hbm>>) target(%dma_start3A_62 : memref<128x72xf32, #tpu.memory_space<vmem>>) offsets(%dma_start3A_63 : memref<128xi32, #tpu.memory_space<vmem>>) semaphore(%dma_start3A_68 : memref<!tpu.dma_semaphore, #tpu.memory_space<semaphore_mem>>)
    %add3A_69 = arith.constant 3 : i32
    %add3A_70 = arith.addi %sub3A, %add3A_69 : i32
    %mul3A_71 = arith.constant 128 : i32
    %mul3A_72 = arith.muli %add3A_70, %mul3A_71 : i32
    %dma_start3A_73 = arith.constant 3 : i32
    %dma_start3A_74 = arith.constant 3 : i32
    %dma_start3A_75 = arith.constant 0 : i32
    %dma_start3A_76 = arith.constant 0 : i32
    %dma_start3A_77 = tpu.memref_slice %arg9[%dma_start3A_73, %dma_start3A_75, %dma_start3A_76] : memref<6x128x72xf32, #tpu.memory_space<vmem>> -> memref<1x128x72xf32, #tpu.memory_space<vmem>>
    %dma_start3A_78 = tpu.memref_squeeze %dma_start3A_77 : memref<1x128x72xf32, #tpu.memory_space<vmem>> -> memref<128x72xf32, #tpu.memory_space<vmem>>
    %dma_start3A_79 = tpu.memref_slice %arg7[%mul3A_72] : memref<10496xi32, #tpu.memory_space<vmem>> -> memref<128xi32, #tpu.memory_space<vmem>>
    %dma_start3A_80 = arith.constant 0 : i32
    %dma_start3A_81 = arith.constant 0 : i32
    %dma_start3A_82 = tpu.memref_slice %arg2[%dma_start3A_80, %dma_start3A_81] : memref<10000x72xf32, #tpu.memory_space<hbm>> -> memref<10000x72xf32, #tpu.memory_space<hbm>>
    %dma_start3A_83 = tpu.memref_slice %arg11[%dma_start3A_74] : memref<6x!tpu.dma_semaphore, #tpu.memory_space<semaphore_mem>> -> memref<1x!tpu.dma_semaphore, #tpu.memory_space<semaphore_mem>>
    %dma_start3A_84 = tpu.memref_squeeze %dma_start3A_83 : memref<1x!tpu.dma_semaphore, #tpu.memory_space<semaphore_mem>> -> memref<!tpu.dma_semaphore, #tpu.memory_space<semaphore_mem>>
    tpu.enqueue_indirect_dma source(%dma_start3A_82 : memref<10000x72xf32, #tpu.memory_space<hbm>>) target(%dma_start3A_78 : memref<128x72xf32, #tpu.memory_space<vmem>>) offsets(%dma_start3A_79 : memref<128xi32, #tpu.memory_space<vmem>>) semaphore(%dma_start3A_84 : memref<!tpu.dma_semaphore, #tpu.memory_space<semaphore_mem>>)
    %add3A_85 = arith.constant 4 : i32
    %add3A_86 = arith.addi %sub3A, %add3A_85 : i32
    %mul3A_87 = arith.constant 128 : i32
    %mul3A_88 = arith.muli %add3A_86, %mul3A_87 : i32
    %dma_start3A_89 = arith.constant 4 : i32
    %dma_start3A_90 = arith.constant 4 : i32
    %dma_start3A_91 = arith.constant 0 : i32
    %dma_start3A_92 = arith.constant 0 : i32
    %dma_start3A_93 = tpu.memref_slice %arg9[%dma_start3A_89, %dma_start3A_91, %dma_start3A_92] : memref<6x128x72xf32, #tpu.memory_space<vmem>> -> memref<1x128x72xf32, #tpu.memory_space<vmem>>
    %dma_start3A_94 = tpu.memref_squeeze %dma_start3A_93 : memref<1x128x72xf32, #tpu.memory_space<vmem>> -> memref<128x72xf32, #tpu.memory_space<vmem>>
    %dma_start3A_95 = tpu.memref_slice %arg7[%mul3A_88] : memref<10496xi32, #tpu.memory_space<vmem>> -> memref<128xi32, #tpu.memory_space<vmem>>
    %dma_start3A_96 = arith.constant 0 : i32
    %dma_start3A_97 = arith.constant 0 : i32
    %dma_start3A_98 = tpu.memref_slice %arg2[%dma_start3A_96, %dma_start3A_97] : memref<10000x72xf32, #tpu.memory_space<hbm>> -> memref<10000x72xf32, #tpu.memory_space<hbm>>
    %dma_start3A_99 = tpu.memref_slice %arg11[%dma_start3A_90] : memref<6x!tpu.dma_semaphore, #tpu.memory_space<semaphore_mem>> -> memref<1x!tpu.dma_semaphore, #tpu.memory_space<semaphore_mem>>
    %dma_start3A_100 = tpu.memref_squeeze %dma_start3A_99 : memref<1x!tpu.dma_semaphore, #tpu.memory_space<semaphore_mem>> -> memref<!tpu.dma_semaphore, #tpu.memory_space<semaphore_mem>>
    tpu.enqueue_indirect_dma source(%dma_start3A_98 : memref<10000x72xf32, #tpu.memory_space<hbm>>) target(%dma_start3A_94 : memref<128x72xf32, #tpu.memory_space<vmem>>) offsets(%dma_start3A_95 : memref<128xi32, #tpu.memory_space<vmem>>) semaphore(%dma_start3A_100 : memref<!tpu.dma_semaphore, #tpu.memory_space<semaphore_mem>>)
    %add3A_101 = arith.constant 5 : i32
    %add3A_102 = arith.addi %sub3A, %add3A_101 : i32
    %mul3A_103 = arith.constant 128 : i32
    %mul3A_104 = arith.muli %add3A_102, %mul3A_103 : i32
    %dma_start3A_105 = arith.constant 5 : i32
    %dma_start3A_106 = arith.constant 5 : i32
    %dma_start3A_107 = arith.constant 0 : i32
    %dma_start3A_108 = arith.constant 0 : i32
    %dma_start3A_109 = tpu.memref_slice %arg9[%dma_start3A_105, %dma_start3A_107, %dma_start3A_108] : memref<6x128x72xf32, #tpu.memory_space<vmem>> -> memref<1x128x72xf32, #tpu.memory_space<vmem>>
    %dma_start3A_110 = tpu.memref_squeeze %dma_start3A_109 : memref<1x128x72xf32, #tpu.memory_space<vmem>> -> memref<128x72xf32, #tpu.memory_space<vmem>>
    %dma_start3A_111 = tpu.memref_slice %arg7[%mul3A_104] : memref<10496xi32, #tpu.memory_space<vmem>> -> memref<128xi32, #tpu.memory_space<vmem>>
    %dma_start3A_112 = arith.constant 0 : i32
    %dma_start3A_113 = arith.constant 0 : i32
    %dma_start3A_114 = tpu.memref_slice %arg2[%dma_start3A_112, %dma_start3A_113] : memref<10000x72xf32, #tpu.memory_space<hbm>> -> memref<10000x72xf32, #tpu.memory_space<hbm>>
    %dma_start3A_115 = tpu.memref_slice %arg11[%dma_start3A_106] : memref<6x!tpu.dma_semaphore, #tpu.memory_space<semaphore_mem>> -> memref<1x!tpu.dma_semaphore, #tpu.memory_space<semaphore_mem>>
    %dma_start3A_116 = tpu.memref_squeeze %dma_start3A_115 : memref<1x!tpu.dma_semaphore, #tpu.memory_space<semaphore_mem>> -> memref<!tpu.dma_semaphore, #tpu.memory_space<semaphore_mem>>
    tpu.enqueue_indirect_dma source(%dma_start3A_114 : memref<10000x72xf32, #tpu.memory_space<hbm>>) target(%dma_start3A_110 : memref<128x72xf32, #tpu.memory_space<vmem>>) offsets(%dma_start3A_111 : memref<128xi32, #tpu.memory_space<vmem>>) semaphore(%dma_start3A_116 : memref<!tpu.dma_semaphore, #tpu.memory_space<semaphore_mem>>)
    %scan3A = arith.constant 0 : i32
    %scan3A_117 = arith.constant 0 : i32
    %scan3A_118 = arith.constant 14 : i32
    %scan3A_119 = arith.addi %scan3A_117, %scan3A_118 : i32
    %scan3A_120 = arith.constant 1 : i32
    scf.for %scan3A_127 = %scan3A_117 to %scan3A_119 step %scan3A_120  : i32 {
      %mul3A_128 = arith.constant 6 : i32
      %mul3A_129 = arith.muli %scan3A_127, %mul3A_128 : i32
      %add3A_130 = arith.constant 0 : i32
      %add3A_131 = arith.addi %mul3A_129, %add3A_130 : i32
      %lt3A_132 = arith.cmpi slt, %add3A_131, %add3A : i32
      %convert_element_type3A_133 = arith.extui %lt3A_132 : i1 to i32
      %cond3A = arith.constant 0 : i32
      %cond3A_134 = arith.cmpi ne, %convert_element_type3A_133, %cond3A : i32
      scf.if %cond3A_134 {
        %add3A_165 = arith.addi %sub3A, %add3A_131 : i32
        %mul3A_166 = arith.constant 128 : i32
        %mul3A_167 = arith.muli %add3A_165, %mul3A_166 : i32
        %dma_wait3A = arith.constant 0 : i32
        %dma_wait3A_168 = arith.constant 0 : i32
        %dma_wait3A_169 = arith.constant 0 : i32
        %dma_wait3A_170 = arith.constant 0 : i32
        %dma_wait3A_171 = tpu.memref_slice %arg9[%dma_wait3A, %dma_wait3A_169, %dma_wait3A_170] : memref<6x128x72xf32, #tpu.memory_space<vmem>> -> memref<1x128x72xf32, #tpu.memory_space<vmem>>
        %dma_wait3A_172 = tpu.memref_squeeze %dma_wait3A_171 : memref<1x128x72xf32, #tpu.memory_space<vmem>> -> memref<128x72xf32, #tpu.memory_space<vmem>>
        %dma_wait3A_173 = tpu.memref_slice %arg7[%mul3A_167] : memref<10496xi32, #tpu.memory_space<vmem>> -> memref<128xi32, #tpu.memory_space<vmem>>
        %dma_wait3A_174 = arith.constant 0 : i32
        %dma_wait3A_175 = arith.constant 0 : i32
        %dma_wait3A_176 = tpu.memref_slice %arg2[%dma_wait3A_174, %dma_wait3A_175] : memref<10000x72xf32, #tpu.memory_space<hbm>> -> memref<10000x72xf32, #tpu.memory_space<hbm>>
        %dma_wait3A_177 = tpu.memref_slice %arg11[%dma_wait3A_168] : memref<6x!tpu.dma_semaphore, #tpu.memory_space<semaphore_mem>> -> memref<1x!tpu.dma_semaphore, #tpu.memory_space<semaphore_mem>>
        %dma_wait3A_178 = tpu.memref_squeeze %dma_wait3A_177 : memref<1x!tpu.dma_semaphore, #tpu.memory_space<semaphore_mem>> -> memref<!tpu.dma_semaphore, #tpu.memory_space<semaphore_mem>>
        tpu.wait_indirect_dma semaphore(%dma_wait3A_178 : memref<!tpu.dma_semaphore, #tpu.memory_space<semaphore_mem>>) src(%dma_wait3A_176 : memref<10000x72xf32, #tpu.memory_space<hbm>>) dst(%dma_wait3A_172 : memref<128x72xf32, #tpu.memory_space<vmem>>)
        %add3A_179 = arith.addi %sub3A, %add3A_131 : i32
        %mul3A_180 = arith.constant 128 : i32
        %mul3A_181 = arith.muli %add3A_179, %mul3A_180 : i32
        %run_scoped3A = arith.constant 0 : i32
        "tpu.region"() ({
          %run_scoped3A_188 = tpu.sem_alloc : memref<!tpu.dma_semaphore, #tpu.memory_space<semaphore_mem>>
          %dma_start3A_189 = arith.constant 0 : i32
          %dma_start3A_190 = arith.constant 0 : i32
          %dma_start3A_191 = tpu.memref_slice %arg9[%run_scoped3A, %dma_start3A_189, %dma_start3A_190] : memref<6x128x72xf32, #tpu.memory_space<vmem>> -> memref<1x128x72xf32, #tpu.memory_space<vmem>>
          %dma_start3A_192 = tpu.memref_squeeze %dma_start3A_191 : memref<1x128x72xf32, #tpu.memory_space<vmem>> -> memref<128x72xf32, #tpu.memory_space<vmem>>
          %dma_start3A_193 = tpu.memref_slice %arg8[%mul3A_181] : memref<10496xi32, #tpu.memory_space<vmem>> -> memref<128xi32, #tpu.memory_space<vmem>>
          %dma_start3A_194 = arith.constant 0 : i32
          %dma_start3A_195 = arith.constant 0 : i32
          %dma_start3A_196 = tpu.memref_slice %arg10[%dma_start3A_194, %dma_start3A_195] : memref<10112x72xf32, #tpu.memory_space<vmem_shared>> -> memref<10112x72xf32, #tpu.memory_space<vmem_shared>>
          tpu.enqueue_indirect_dma source(%dma_start3A_192 : memref<128x72xf32, #tpu.memory_space<vmem>>) target(%dma_start3A_196 : memref<10112x72xf32, #tpu.memory_space<vmem_shared>>) offsets(%dma_start3A_193 : memref<128xi32, #tpu.memory_space<vmem>>) semaphore(%run_scoped3A_188 : memref<!tpu.dma_semaphore, #tpu.memory_space<semaphore_mem>>) {add = true}
          %dma_wait3A_197 = arith.constant 0 : i32
          %dma_wait3A_198 = arith.constant 0 : i32
          %dma_wait3A_199 = tpu.memref_slice %arg9[%run_scoped3A, %dma_wait3A_197, %dma_wait3A_198] : memref<6x128x72xf32, #tpu.memory_space<vmem>> -> memref<1x128x72xf32, #tpu.memory_space<vmem>>
          %dma_wait3A_200 = tpu.memref_squeeze %dma_wait3A_199 : memref<1x128x72xf32, #tpu.memory_space<vmem>> -> memref<128x72xf32, #tpu.memory_space<vmem>>
          %dma_wait3A_201 = tpu.memref_slice %arg8[%mul3A_181] : memref<10496xi32, #tpu.memory_space<vmem>> -> memref<128xi32, #tpu.memory_space<vmem>>
          %dma_wait3A_202 = arith.constant 0 : i32
          %dma_wait3A_203 = arith.constant 0 : i32
          %dma_wait3A_204 = tpu.memref_slice %arg10[%dma_wait3A_202, %dma_wait3A_203] : memref<10112x72xf32, #tpu.memory_space<vmem_shared>> -> memref<10112x72xf32, #tpu.memory_space<vmem_shared>>
          tpu.wait_indirect_dma semaphore(%run_scoped3A_188 : memref<!tpu.dma_semaphore, #tpu.memory_space<semaphore_mem>>) src(%dma_wait3A_200 : memref<128x72xf32, #tpu.memory_space<vmem>>) dst(%dma_wait3A_204 : memref<10112x72xf32, #tpu.memory_space<vmem_shared>>)
          tpu.yield
        }) : () -> ()
        %add3A_182 = arith.constant 6 : i32
        %add3A_183 = arith.addi %add3A_131, %add3A_182 : i32
        %lt3A_184 = arith.cmpi slt, %add3A_183, %add3A : i32
        %convert_element_type3A_185 = arith.extui %lt3A_184 : i1 to i32
        %cond3A_186 = arith.constant 0 : i32
        %cond3A_187 = arith.cmpi ne, %convert_element_type3A_185, %cond3A_186 : i32
        scf.if %cond3A_187 {
          %add3A_188 = arith.addi %sub3A, %add3A_131 : i32
          %add3A_189 = arith.constant 6 : i32
          %add3A_190 = arith.addi %add3A_188, %add3A_189 : i32
          %mul3A_191 = arith.constant 128 : i32
          %mul3A_192 = arith.muli %add3A_190, %mul3A_191 : i32
          %dma_start3A_193 = arith.constant 0 : i32
          %dma_start3A_194 = arith.constant 0 : i32
          %dma_start3A_195 = arith.constant 0 : i32
          %dma_start3A_196 = arith.constant 0 : i32
          %dma_start3A_197 = tpu.memref_slice %arg9[%dma_start3A_193, %dma_start3A_195, %dma_start3A_196] : memref<6x128x72xf32, #tpu.memory_space<vmem>> -> memref<1x128x72xf32, #tpu.memory_space<vmem>>
          %dma_start3A_198 = tpu.memref_squeeze %dma_start3A_197 : memref<1x128x72xf32, #tpu.memory_space<vmem>> -> memref<128x72xf32, #tpu.memory_space<vmem>>
          %dma_start3A_199 = tpu.memref_slice %arg7[%mul3A_192] : memref<10496xi32, #tpu.memory_space<vmem>> -> memref<128xi32, #tpu.memory_space<vmem>>
          %dma_start3A_200 = arith.constant 0 : i32
          %dma_start3A_201 = arith.constant 0 : i32
          %dma_start3A_202 = tpu.memref_slice %arg2[%dma_start3A_200, %dma_start3A_201] : memref<10000x72xf32, #tpu.memory_space<hbm>> -> memref<10000x72xf32, #tpu.memory_space<hbm>>
          %dma_start3A_203 = tpu.memref_slice %arg11[%dma_start3A_194] : memref<6x!tpu.dma_semaphore, #tpu.memory_space<semaphore_mem>> -> memref<1x!tpu.dma_semaphore, #tpu.memory_space<semaphore_mem>>
          %dma_start3A_204 = tpu.memref_squeeze %dma_start3A_203 : memref<1x!tpu.dma_semaphore, #tpu.memory_space<semaphore_mem>> -> memref<!tpu.dma_semaphore, #tpu.memory_space<semaphore_mem>>
          tpu.enqueue_indirect_dma source(%dma_start3A_202 : memref<10000x72xf32, #tpu.memory_space<hbm>>) target(%dma_start3A_198 : memref<128x72xf32, #tpu.memory_space<vmem>>) offsets(%dma_start3A_199 : memref<128xi32, #tpu.memory_space<vmem>>) semaphore(%dma_start3A_204 : memref<!tpu.dma_semaphore, #tpu.memory_space<semaphore_mem>>)
        } else {
        }
      } else {
      }
      %add3A_135 = arith.constant 1 : i32
      %add3A_136 = arith.addi %mul3A_129, %add3A_135 : i32
      %lt3A_137 = arith.cmpi slt, %add3A_136, %add3A : i32
      %convert_element_type3A_138 = arith.extui %lt3A_137 : i1 to i32
      %cond3A_139 = arith.constant 0 : i32
      %cond3A_140 = arith.cmpi ne, %convert_element_type3A_138, %cond3A_139 : i32
      scf.if %cond3A_140 {
        %add3A_165 = arith.addi %sub3A, %add3A_136 : i32
        %mul3A_166 = arith.constant 128 : i32
        %mul3A_167 = arith.muli %add3A_165, %mul3A_166 : i32
        %dma_wait3A = arith.constant 1 : i32
        %dma_wait3A_168 = arith.constant 1 : i32
        %dma_wait3A_169 = arith.constant 0 : i32
        %dma_wait3A_170 = arith.constant 0 : i32
        %dma_wait3A_171 = tpu.memref_slice %arg9[%dma_wait3A, %dma_wait3A_169, %dma_wait3A_170] : memref<6x128x72xf32, #tpu.memory_space<vmem>> -> memref<1x128x72xf32, #tpu.memory_space<vmem>>
        %dma_wait3A_172 = tpu.memref_squeeze %dma_wait3A_171 : memref<1x128x72xf32, #tpu.memory_space<vmem>> -> memref<128x72xf32, #tpu.memory_space<vmem>>
        %dma_wait3A_173 = tpu.memref_slice %arg7[%mul3A_167] : memref<10496xi32, #tpu.memory_space<vmem>> -> memref<128xi32, #tpu.memory_space<vmem>>
        %dma_wait3A_174 = arith.constant 0 : i32
        %dma_wait3A_175 = arith.constant 0 : i32
        %dma_wait3A_176 = tpu.memref_slice %arg2[%dma_wait3A_174, %dma_wait3A_175] : memref<10000x72xf32, #tpu.memory_space<hbm>> -> memref<10000x72xf32, #tpu.memory_space<hbm>>
        %dma_wait3A_177 = tpu.memref_slice %arg11[%dma_wait3A_168] : memref<6x!tpu.dma_semaphore, #tpu.memory_space<semaphore_mem>> -> memref<1x!tpu.dma_semaphore, #tpu.memory_space<semaphore_mem>>
        %dma_wait3A_178 = tpu.memref_squeeze %dma_wait3A_177 : memref<1x!tpu.dma_semaphore, #tpu.memory_space<semaphore_mem>> -> memref<!tpu.dma_semaphore, #tpu.memory_space<semaphore_mem>>
        tpu.wait_indirect_dma semaphore(%dma_wait3A_178 : memref<!tpu.dma_semaphore, #tpu.memory_space<semaphore_mem>>) src(%dma_wait3A_176 : memref<10000x72xf32, #tpu.memory_space<hbm>>) dst(%dma_wait3A_172 : memref<128x72xf32, #tpu.memory_space<vmem>>)
        %add3A_179 = arith.addi %sub3A, %add3A_136 : i32
        %mul3A_180 = arith.constant 128 : i32
        %mul3A_181 = arith.muli %add3A_179, %mul3A_180 : i32
        %run_scoped3A = arith.constant 1 : i32
        "tpu.region"() ({
          %run_scoped3A_188 = tpu.sem_alloc : memref<!tpu.dma_semaphore, #tpu.memory_space<semaphore_mem>>
          %dma_start3A_189 = arith.constant 0 : i32
          %dma_start3A_190 = arith.constant 0 : i32
          %dma_start3A_191 = tpu.memref_slice %arg9[%run_scoped3A, %dma_start3A_189, %dma_start3A_190] : memref<6x128x72xf32, #tpu.memory_space<vmem>> -> memref<1x128x72xf32, #tpu.memory_space<vmem>>
          %dma_start3A_192 = tpu.memref_squeeze %dma_start3A_191 : memref<1x128x72xf32, #tpu.memory_space<vmem>> -> memref<128x72xf32, #tpu.memory_space<vmem>>
          %dma_start3A_193 = tpu.memref_slice %arg8[%mul3A_181] : memref<10496xi32, #tpu.memory_space<vmem>> -> memref<128xi32, #tpu.memory_space<vmem>>
          %dma_start3A_194 = arith.constant 0 : i32
          %dma_start3A_195 = arith.constant 0 : i32
          %dma_start3A_196 = tpu.memref_slice %arg10[%dma_start3A_194, %dma_start3A_195] : memref<10112x72xf32, #tpu.memory_space<vmem_shared>> -> memref<10112x72xf32, #tpu.memory_space<vmem_shared>>
          tpu.enqueue_indirect_dma source(%dma_start3A_192 : memref<128x72xf32, #tpu.memory_space<vmem>>) target(%dma_start3A_196 : memref<10112x72xf32, #tpu.memory_space<vmem_shared>>) offsets(%dma_start3A_193 : memref<128xi32, #tpu.memory_space<vmem>>) semaphore(%run_scoped3A_188 : memref<!tpu.dma_semaphore, #tpu.memory_space<semaphore_mem>>) {add = true}
          %dma_wait3A_197 = arith.constant 0 : i32
          %dma_wait3A_198 = arith.constant 0 : i32
          %dma_wait3A_199 = tpu.memref_slice %arg9[%run_scoped3A, %dma_wait3A_197, %dma_wait3A_198] : memref<6x128x72xf32, #tpu.memory_space<vmem>> -> memref<1x128x72xf32, #tpu.memory_space<vmem>>
          %dma_wait3A_200 = tpu.memref_squeeze %dma_wait3A_199 : memref<1x128x72xf32, #tpu.memory_space<vmem>> -> memref<128x72xf32, #tpu.memory_space<vmem>>
          %dma_wait3A_201 = tpu.memref_slice %arg8[%mul3A_181] : memref<10496xi32, #tpu.memory_space<vmem>> -> memref<128xi32, #tpu.memory_space<vmem>>
          %dma_wait3A_202 = arith.constant 0 : i32
          %dma_wait3A_203 = arith.constant 0 : i32
          %dma_wait3A_204 = tpu.memref_slice %arg10[%dma_wait3A_202, %dma_wait3A_203] : memref<10112x72xf32, #tpu.memory_space<vmem_shared>> -> memref<10112x72xf32, #tpu.memory_space<vmem_shared>>
          tpu.wait_indirect_dma semaphore(%run_scoped3A_188 : memref<!tpu.dma_semaphore, #tpu.memory_space<semaphore_mem>>) src(%dma_wait3A_200 : memref<128x72xf32, #tpu.memory_space<vmem>>) dst(%dma_wait3A_204 : memref<10112x72xf32, #tpu.memory_space<vmem_shared>>)
          tpu.yield
        }) : () -> ()
        %add3A_182 = arith.constant 6 : i32
        %add3A_183 = arith.addi %add3A_136, %add3A_182 : i32
        %lt3A_184 = arith.cmpi slt, %add3A_183, %add3A : i32
        %convert_element_type3A_185 = arith.extui %lt3A_184 : i1 to i32
        %cond3A_186 = arith.constant 0 : i32
        %cond3A_187 = arith.cmpi ne, %convert_element_type3A_185, %cond3A_186 : i32
        scf.if %cond3A_187 {
          %add3A_188 = arith.addi %sub3A, %add3A_136 : i32
          %add3A_189 = arith.constant 6 : i32
          %add3A_190 = arith.addi %add3A_188, %add3A_189 : i32
          %mul3A_191 = arith.constant 128 : i32
          %mul3A_192 = arith.muli %add3A_190, %mul3A_191 : i32
          %dma_start3A_193 = arith.constant 1 : i32
          %dma_start3A_194 = arith.constant 1 : i32
          %dma_start3A_195 = arith.constant 0 : i32
          %dma_start3A_196 = arith.constant 0 : i32
          %dma_start3A_197 = tpu.memref_slice %arg9[%dma_start3A_193, %dma_start3A_195, %dma_start3A_196] : memref<6x128x72xf32, #tpu.memory_space<vmem>> -> memref<1x128x72xf32, #tpu.memory_space<vmem>>
          %dma_start3A_198 = tpu.memref_squeeze %dma_start3A_197 : memref<1x128x72xf32, #tpu.memory_space<vmem>> -> memref<128x72xf32, #tpu.memory_space<vmem>>
          %dma_start3A_199 = tpu.memref_slice %arg7[%mul3A_192] : memref<10496xi32, #tpu.memory_space<vmem>> -> memref<128xi32, #tpu.memory_space<vmem>>
          %dma_start3A_200 = arith.constant 0 : i32
          %dma_start3A_201 = arith.constant 0 : i32
          %dma_start3A_202 = tpu.memref_slice %arg2[%dma_start3A_200, %dma_start3A_201] : memref<10000x72xf32, #tpu.memory_space<hbm>> -> memref<10000x72xf32, #tpu.memory_space<hbm>>
          %dma_start3A_203 = tpu.memref_slice %arg11[%dma_start3A_194] : memref<6x!tpu.dma_semaphore, #tpu.memory_space<semaphore_mem>> -> memref<1x!tpu.dma_semaphore, #tpu.memory_space<semaphore_mem>>
          %dma_start3A_204 = tpu.memref_squeeze %dma_start3A_203 : memref<1x!tpu.dma_semaphore, #tpu.memory_space<semaphore_mem>> -> memref<!tpu.dma_semaphore, #tpu.memory_space<semaphore_mem>>
          tpu.enqueue_indirect_dma source(%dma_start3A_202 : memref<10000x72xf32, #tpu.memory_space<hbm>>) target(%dma_start3A_198 : memref<128x72xf32, #tpu.memory_space<vmem>>) offsets(%dma_start3A_199 : memref<128xi32, #tpu.memory_space<vmem>>) semaphore(%dma_start3A_204 : memref<!tpu.dma_semaphore, #tpu.memory_space<semaphore_mem>>)
        } else {
        }
      } else {
      }
      %add3A_141 = arith.constant 2 : i32
      %add3A_142 = arith.addi %mul3A_129, %add3A_141 : i32
      %lt3A_143 = arith.cmpi slt, %add3A_142, %add3A : i32
      %convert_element_type3A_144 = arith.extui %lt3A_143 : i1 to i32
      %cond3A_145 = arith.constant 0 : i32
      %cond3A_146 = arith.cmpi ne, %convert_element_type3A_144, %cond3A_145 : i32
      scf.if %cond3A_146 {
        %add3A_165 = arith.addi %sub3A, %add3A_142 : i32
        %mul3A_166 = arith.constant 128 : i32
        %mul3A_167 = arith.muli %add3A_165, %mul3A_166 : i32
        %dma_wait3A = arith.constant 2 : i32
        %dma_wait3A_168 = arith.constant 2 : i32
        %dma_wait3A_169 = arith.constant 0 : i32
        %dma_wait3A_170 = arith.constant 0 : i32
        %dma_wait3A_171 = tpu.memref_slice %arg9[%dma_wait3A, %dma_wait3A_169, %dma_wait3A_170] : memref<6x128x72xf32, #tpu.memory_space<vmem>> -> memref<1x128x72xf32, #tpu.memory_space<vmem>>
        %dma_wait3A_172 = tpu.memref_squeeze %dma_wait3A_171 : memref<1x128x72xf32, #tpu.memory_space<vmem>> -> memref<128x72xf32, #tpu.memory_space<vmem>>
        %dma_wait3A_173 = tpu.memref_slice %arg7[%mul3A_167] : memref<10496xi32, #tpu.memory_space<vmem>> -> memref<128xi32, #tpu.memory_space<vmem>>
        %dma_wait3A_174 = arith.constant 0 : i32
        %dma_wait3A_175 = arith.constant 0 : i32
        %dma_wait3A_176 = tpu.memref_slice %arg2[%dma_wait3A_174, %dma_wait3A_175] : memref<10000x72xf32, #tpu.memory_space<hbm>> -> memref<10000x72xf32, #tpu.memory_space<hbm>>
        %dma_wait3A_177 = tpu.memref_slice %arg11[%dma_wait3A_168] : memref<6x!tpu.dma_semaphore, #tpu.memory_space<semaphore_mem>> -> memref<1x!tpu.dma_semaphore, #tpu.memory_space<semaphore_mem>>
        %dma_wait3A_178 = tpu.memref_squeeze %dma_wait3A_177 : memref<1x!tpu.dma_semaphore, #tpu.memory_space<semaphore_mem>> -> memref<!tpu.dma_semaphore, #tpu.memory_space<semaphore_mem>>
        tpu.wait_indirect_dma semaphore(%dma_wait3A_178 : memref<!tpu.dma_semaphore, #tpu.memory_space<semaphore_mem>>) src(%dma_wait3A_176 : memref<10000x72xf32, #tpu.memory_space<hbm>>) dst(%dma_wait3A_172 : memref<128x72xf32, #tpu.memory_space<vmem>>)
        %add3A_179 = arith.addi %sub3A, %add3A_142 : i32
        %mul3A_180 = arith.constant 128 : i32
        %mul3A_181 = arith.muli %add3A_179, %mul3A_180 : i32
        %run_scoped3A = arith.constant 2 : i32
        "tpu.region"() ({
          %run_scoped3A_188 = tpu.sem_alloc : memref<!tpu.dma_semaphore, #tpu.memory_space<semaphore_mem>>
          %dma_start3A_189 = arith.constant 0 : i32
          %dma_start3A_190 = arith.constant 0 : i32
          %dma_start3A_191 = tpu.memref_slice %arg9[%run_scoped3A, %dma_start3A_189, %dma_start3A_190] : memref<6x128x72xf32, #tpu.memory_space<vmem>> -> memref<1x128x72xf32, #tpu.memory_space<vmem>>
          %dma_start3A_192 = tpu.memref_squeeze %dma_start3A_191 : memref<1x128x72xf32, #tpu.memory_space<vmem>> -> memref<128x72xf32, #tpu.memory_space<vmem>>
          %dma_start3A_193 = tpu.memref_slice %arg8[%mul3A_181] : memref<10496xi32, #tpu.memory_space<vmem>> -> memref<128xi32, #tpu.memory_space<vmem>>
          %dma_start3A_194 = arith.constant 0 : i32
          %dma_start3A_195 = arith.constant 0 : i32
          %dma_start3A_196 = tpu.memref_slice %arg10[%dma_start3A_194, %dma_start3A_195] : memref<10112x72xf32, #tpu.memory_space<vmem_shared>> -> memref<10112x72xf32, #tpu.memory_space<vmem_shared>>
          tpu.enqueue_indirect_dma source(%dma_start3A_192 : memref<128x72xf32, #tpu.memory_space<vmem>>) target(%dma_start3A_196 : memref<10112x72xf32, #tpu.memory_space<vmem_shared>>) offsets(%dma_start3A_193 : memref<128xi32, #tpu.memory_space<vmem>>) semaphore(%run_scoped3A_188 : memref<!tpu.dma_semaphore, #tpu.memory_space<semaphore_mem>>) {add = true}
          %dma_wait3A_197 = arith.constant 0 : i32
          %dma_wait3A_198 = arith.constant 0 : i32
          %dma_wait3A_199 = tpu.memref_slice %arg9[%run_scoped3A, %dma_wait3A_197, %dma_wait3A_198] : memref<6x128x72xf32, #tpu.memory_space<vmem>> -> memref<1x128x72xf32, #tpu.memory_space<vmem>>
          %dma_wait3A_200 = tpu.memref_squeeze %dma_wait3A_199 : memref<1x128x72xf32, #tpu.memory_space<vmem>> -> memref<128x72xf32, #tpu.memory_space<vmem>>
          %dma_wait3A_201 = tpu.memref_slice %arg8[%mul3A_181] : memref<10496xi32, #tpu.memory_space<vmem>> -> memref<128xi32, #tpu.memory_space<vmem>>
          %dma_wait3A_202 = arith.constant 0 : i32
          %dma_wait3A_203 = arith.constant 0 : i32
          %dma_wait3A_204 = tpu.memref_slice %arg10[%dma_wait3A_202, %dma_wait3A_203] : memref<10112x72xf32, #tpu.memory_space<vmem_shared>> -> memref<10112x72xf32, #tpu.memory_space<vmem_shared>>
          tpu.wait_indirect_dma semaphore(%run_scoped3A_188 : memref<!tpu.dma_semaphore, #tpu.memory_space<semaphore_mem>>) src(%dma_wait3A_200 : memref<128x72xf32, #tpu.memory_space<vmem>>) dst(%dma_wait3A_204 : memref<10112x72xf32, #tpu.memory_space<vmem_shared>>)
          tpu.yield
        }) : () -> ()
        %add3A_182 = arith.constant 6 : i32
        %add3A_183 = arith.addi %add3A_142, %add3A_182 : i32
        %lt3A_184 = arith.cmpi slt, %add3A_183, %add3A : i32
        %convert_element_type3A_185 = arith.extui %lt3A_184 : i1 to i32
        %cond3A_186 = arith.constant 0 : i32
        %cond3A_187 = arith.cmpi ne, %convert_element_type3A_185, %cond3A_186 : i32
        scf.if %cond3A_187 {
          %add3A_188 = arith.addi %sub3A, %add3A_142 : i32
          %add3A_189 = arith.constant 6 : i32
          %add3A_190 = arith.addi %add3A_188, %add3A_189 : i32
          %mul3A_191 = arith.constant 128 : i32
          %mul3A_192 = arith.muli %add3A_190, %mul3A_191 : i32
          %dma_start3A_193 = arith.constant 2 : i32
          %dma_start3A_194 = arith.constant 2 : i32
          %dma_start3A_195 = arith.constant 0 : i32
          %dma_start3A_196 = arith.constant 0 : i32
          %dma_start3A_197 = tpu.memref_slice %arg9[%dma_start3A_193, %dma_start3A_195, %dma_start3A_196] : memref<6x128x72xf32, #tpu.memory_space<vmem>> -> memref<1x128x72xf32, #tpu.memory_space<vmem>>
          %dma_start3A_198 = tpu.memref_squeeze %dma_start3A_197 : memref<1x128x72xf32, #tpu.memory_space<vmem>> -> memref<128x72xf32, #tpu.memory_space<vmem>>
          %dma_start3A_199 = tpu.memref_slice %arg7[%mul3A_192] : memref<10496xi32, #tpu.memory_space<vmem>> -> memref<128xi32, #tpu.memory_space<vmem>>
          %dma_start3A_200 = arith.constant 0 : i32
          %dma_start3A_201 = arith.constant 0 : i32
          %dma_start3A_202 = tpu.memref_slice %arg2[%dma_start3A_200, %dma_start3A_201] : memref<10000x72xf32, #tpu.memory_space<hbm>> -> memref<10000x72xf32, #tpu.memory_space<hbm>>
          %dma_start3A_203 = tpu.memref_slice %arg11[%dma_start3A_194] : memref<6x!tpu.dma_semaphore, #tpu.memory_space<semaphore_mem>> -> memref<1x!tpu.dma_semaphore, #tpu.memory_space<semaphore_mem>>
          %dma_start3A_204 = tpu.memref_squeeze %dma_start3A_203 : memref<1x!tpu.dma_semaphore, #tpu.memory_space<semaphore_mem>> -> memref<!tpu.dma_semaphore, #tpu.memory_space<semaphore_mem>>
          tpu.enqueue_indirect_dma source(%dma_start3A_202 : memref<10000x72xf32, #tpu.memory_space<hbm>>) target(%dma_start3A_198 : memref<128x72xf32, #tpu.memory_space<vmem>>) offsets(%dma_start3A_199 : memref<128xi32, #tpu.memory_space<vmem>>) semaphore(%dma_start3A_204 : memref<!tpu.dma_semaphore, #tpu.memory_space<semaphore_mem>>)
        } else {
        }
      } else {
      }
      %add3A_147 = arith.constant 3 : i32
      %add3A_148 = arith.addi %mul3A_129, %add3A_147 : i32
      %lt3A_149 = arith.cmpi slt, %add3A_148, %add3A : i32
      %convert_element_type3A_150 = arith.extui %lt3A_149 : i1 to i32
      %cond3A_151 = arith.constant 0 : i32
      %cond3A_152 = arith.cmpi ne, %convert_element_type3A_150, %cond3A_151 : i32
      scf.if %cond3A_152 {
        %add3A_165 = arith.addi %sub3A, %add3A_148 : i32
        %mul3A_166 = arith.constant 128 : i32
        %mul3A_167 = arith.muli %add3A_165, %mul3A_166 : i32
        %dma_wait3A = arith.constant 3 : i32
        %dma_wait3A_168 = arith.constant 3 : i32
        %dma_wait3A_169 = arith.constant 0 : i32
        %dma_wait3A_170 = arith.constant 0 : i32
        %dma_wait3A_171 = tpu.memref_slice %arg9[%dma_wait3A, %dma_wait3A_169, %dma_wait3A_170] : memref<6x128x72xf32, #tpu.memory_space<vmem>> -> memref<1x128x72xf32, #tpu.memory_space<vmem>>
        %dma_wait3A_172 = tpu.memref_squeeze %dma_wait3A_171 : memref<1x128x72xf32, #tpu.memory_space<vmem>> -> memref<128x72xf32, #tpu.memory_space<vmem>>
        %dma_wait3A_173 = tpu.memref_slice %arg7[%mul3A_167] : memref<10496xi32, #tpu.memory_space<vmem>> -> memref<128xi32, #tpu.memory_space<vmem>>
        %dma_wait3A_174 = arith.constant 0 : i32
        %dma_wait3A_175 = arith.constant 0 : i32
        %dma_wait3A_176 = tpu.memref_slice %arg2[%dma_wait3A_174, %dma_wait3A_175] : memref<10000x72xf32, #tpu.memory_space<hbm>> -> memref<10000x72xf32, #tpu.memory_space<hbm>>
        %dma_wait3A_177 = tpu.memref_slice %arg11[%dma_wait3A_168] : memref<6x!tpu.dma_semaphore, #tpu.memory_space<semaphore_mem>> -> memref<1x!tpu.dma_semaphore, #tpu.memory_space<semaphore_mem>>
        %dma_wait3A_178 = tpu.memref_squeeze %dma_wait3A_177 : memref<1x!tpu.dma_semaphore, #tpu.memory_space<semaphore_mem>> -> memref<!tpu.dma_semaphore, #tpu.memory_space<semaphore_mem>>
        tpu.wait_indirect_dma semaphore(%dma_wait3A_178 : memref<!tpu.dma_semaphore, #tpu.memory_space<semaphore_mem>>) src(%dma_wait3A_176 : memref<10000x72xf32, #tpu.memory_space<hbm>>) dst(%dma_wait3A_172 : memref<128x72xf32, #tpu.memory_space<vmem>>)
        %add3A_179 = arith.addi %sub3A, %add3A_148 : i32
        %mul3A_180 = arith.constant 128 : i32
        %mul3A_181 = arith.muli %add3A_179, %mul3A_180 : i32
        %run_scoped3A = arith.constant 3 : i32
        "tpu.region"() ({
          %run_scoped3A_188 = tpu.sem_alloc : memref<!tpu.dma_semaphore, #tpu.memory_space<semaphore_mem>>
          %dma_start3A_189 = arith.constant 0 : i32
          %dma_start3A_190 = arith.constant 0 : i32
          %dma_start3A_191 = tpu.memref_slice %arg9[%run_scoped3A, %dma_start3A_189, %dma_start3A_190] : memref<6x128x72xf32, #tpu.memory_space<vmem>> -> memref<1x128x72xf32, #tpu.memory_space<vmem>>
          %dma_start3A_192 = tpu.memref_squeeze %dma_start3A_191 : memref<1x128x72xf32, #tpu.memory_space<vmem>> -> memref<128x72xf32, #tpu.memory_space<vmem>>
          %dma_start3A_193 = tpu.memref_slice %arg8[%mul3A_181] : memref<10496xi32, #tpu.memory_space<vmem>> -> memref<128xi32, #tpu.memory_space<vmem>>
          %dma_start3A_194 = arith.constant 0 : i32
          %dma_start3A_195 = arith.constant 0 : i32
          %dma_start3A_196 = tpu.memref_slice %arg10[%dma_start3A_194, %dma_start3A_195] : memref<10112x72xf32, #tpu.memory_space<vmem_shared>> -> memref<10112x72xf32, #tpu.memory_space<vmem_shared>>
          tpu.enqueue_indirect_dma source(%dma_start3A_192 : memref<128x72xf32, #tpu.memory_space<vmem>>) target(%dma_start3A_196 : memref<10112x72xf32, #tpu.memory_space<vmem_shared>>) offsets(%dma_start3A_193 : memref<128xi32, #tpu.memory_space<vmem>>) semaphore(%run_scoped3A_188 : memref<!tpu.dma_semaphore, #tpu.memory_space<semaphore_mem>>) {add = true}
          %dma_wait3A_197 = arith.constant 0 : i32
          %dma_wait3A_198 = arith.constant 0 : i32
          %dma_wait3A_199 = tpu.memref_slice %arg9[%run_scoped3A, %dma_wait3A_197, %dma_wait3A_198] : memref<6x128x72xf32, #tpu.memory_space<vmem>> -> memref<1x128x72xf32, #tpu.memory_space<vmem>>
          %dma_wait3A_200 = tpu.memref_squeeze %dma_wait3A_199 : memref<1x128x72xf32, #tpu.memory_space<vmem>> -> memref<128x72xf32, #tpu.memory_space<vmem>>
          %dma_wait3A_201 = tpu.memref_slice %arg8[%mul3A_181] : memref<10496xi32, #tpu.memory_space<vmem>> -> memref<128xi32, #tpu.memory_space<vmem>>
          %dma_wait3A_202 = arith.constant 0 : i32
          %dma_wait3A_203 = arith.constant 0 : i32
          %dma_wait3A_204 = tpu.memref_slice %arg10[%dma_wait3A_202, %dma_wait3A_203] : memref<10112x72xf32, #tpu.memory_space<vmem_shared>> -> memref<10112x72xf32, #tpu.memory_space<vmem_shared>>
          tpu.wait_indirect_dma semaphore(%run_scoped3A_188 : memref<!tpu.dma_semaphore, #tpu.memory_space<semaphore_mem>>) src(%dma_wait3A_200 : memref<128x72xf32, #tpu.memory_space<vmem>>) dst(%dma_wait3A_204 : memref<10112x72xf32, #tpu.memory_space<vmem_shared>>)
          tpu.yield
        }) : () -> ()
        %add3A_182 = arith.constant 6 : i32
        %add3A_183 = arith.addi %add3A_148, %add3A_182 : i32
        %lt3A_184 = arith.cmpi slt, %add3A_183, %add3A : i32
        %convert_element_type3A_185 = arith.extui %lt3A_184 : i1 to i32
        %cond3A_186 = arith.constant 0 : i32
        %cond3A_187 = arith.cmpi ne, %convert_element_type3A_185, %cond3A_186 : i32
        scf.if %cond3A_187 {
          %add3A_188 = arith.addi %sub3A, %add3A_148 : i32
          %add3A_189 = arith.constant 6 : i32
          %add3A_190 = arith.addi %add3A_188, %add3A_189 : i32
          %mul3A_191 = arith.constant 128 : i32
          %mul3A_192 = arith.muli %add3A_190, %mul3A_191 : i32
          %dma_start3A_193 = arith.constant 3 : i32
          %dma_start3A_194 = arith.constant 3 : i32
          %dma_start3A_195 = arith.constant 0 : i32
          %dma_start3A_196 = arith.constant 0 : i32
          %dma_start3A_197 = tpu.memref_slice %arg9[%dma_start3A_193, %dma_start3A_195, %dma_start3A_196] : memref<6x128x72xf32, #tpu.memory_space<vmem>> -> memref<1x128x72xf32, #tpu.memory_space<vmem>>
          %dma_start3A_198 = tpu.memref_squeeze %dma_start3A_197 : memref<1x128x72xf32, #tpu.memory_space<vmem>> -> memref<128x72xf32, #tpu.memory_space<vmem>>
          %dma_start3A_199 = tpu.memref_slice %arg7[%mul3A_192] : memref<10496xi32, #tpu.memory_space<vmem>> -> memref<128xi32, #tpu.memory_space<vmem>>
          %dma_start3A_200 = arith.constant 0 : i32
          %dma_start3A_201 = arith.constant 0 : i32
          %dma_start3A_202 = tpu.memref_slice %arg2[%dma_start3A_200, %dma_start3A_201] : memref<10000x72xf32, #tpu.memory_space<hbm>> -> memref<10000x72xf32, #tpu.memory_space<hbm>>
          %dma_start3A_203 = tpu.memref_slice %arg11[%dma_start3A_194] : memref<6x!tpu.dma_semaphore, #tpu.memory_space<semaphore_mem>> -> memref<1x!tpu.dma_semaphore, #tpu.memory_space<semaphore_mem>>
          %dma_start3A_204 = tpu.memref_squeeze %dma_start3A_203 : memref<1x!tpu.dma_semaphore, #tpu.memory_space<semaphore_mem>> -> memref<!tpu.dma_semaphore, #tpu.memory_space<semaphore_mem>>
          tpu.enqueue_indirect_dma source(%dma_start3A_202 : memref<10000x72xf32, #tpu.memory_space<hbm>>) target(%dma_start3A_198 : memref<128x72xf32, #tpu.memory_space<vmem>>) offsets(%dma_start3A_199 : memref<128xi32, #tpu.memory_space<vmem>>) semaphore(%dma_start3A_204 : memref<!tpu.dma_semaphore, #tpu.memory_space<semaphore_mem>>)
        } else {
        }
      } else {
      }
      %add3A_153 = arith.constant 4 : i32
      %add3A_154 = arith.addi %mul3A_129, %add3A_153 : i32
      %lt3A_155 = arith.cmpi slt, %add3A_154, %add3A : i32
      %convert_element_type3A_156 = arith.extui %lt3A_155 : i1 to i32
      %cond3A_157 = arith.constant 0 : i32
      %cond3A_158 = arith.cmpi ne, %convert_element_type3A_156, %cond3A_157 : i32
      scf.if %cond3A_158 {
        %add3A_165 = arith.addi %sub3A, %add3A_154 : i32
        %mul3A_166 = arith.constant 128 : i32
        %mul3A_167 = arith.muli %add3A_165, %mul3A_166 : i32
        %dma_wait3A = arith.constant 4 : i32
        %dma_wait3A_168 = arith.constant 4 : i32
        %dma_wait3A_169 = arith.constant 0 : i32
        %dma_wait3A_170 = arith.constant 0 : i32
        %dma_wait3A_171 = tpu.memref_slice %arg9[%dma_wait3A, %dma_wait3A_169, %dma_wait3A_170] : memref<6x128x72xf32, #tpu.memory_space<vmem>> -> memref<1x128x72xf32, #tpu.memory_space<vmem>>
        %dma_wait3A_172 = tpu.memref_squeeze %dma_wait3A_171 : memref<1x128x72xf32, #tpu.memory_space<vmem>> -> memref<128x72xf32, #tpu.memory_space<vmem>>
        %dma_wait3A_173 = tpu.memref_slice %arg7[%mul3A_167] : memref<10496xi32, #tpu.memory_space<vmem>> -> memref<128xi32, #tpu.memory_space<vmem>>
        %dma_wait3A_174 = arith.constant 0 : i32
        %dma_wait3A_175 = arith.constant 0 : i32
        %dma_wait3A_176 = tpu.memref_slice %arg2[%dma_wait3A_174, %dma_wait3A_175] : memref<10000x72xf32, #tpu.memory_space<hbm>> -> memref<10000x72xf32, #tpu.memory_space<hbm>>
        %dma_wait3A_177 = tpu.memref_slice %arg11[%dma_wait3A_168] : memref<6x!tpu.dma_semaphore, #tpu.memory_space<semaphore_mem>> -> memref<1x!tpu.dma_semaphore, #tpu.memory_space<semaphore_mem>>
        %dma_wait3A_178 = tpu.memref_squeeze %dma_wait3A_177 : memref<1x!tpu.dma_semaphore, #tpu.memory_space<semaphore_mem>> -> memref<!tpu.dma_semaphore, #tpu.memory_space<semaphore_mem>>
        tpu.wait_indirect_dma semaphore(%dma_wait3A_178 : memref<!tpu.dma_semaphore, #tpu.memory_space<semaphore_mem>>) src(%dma_wait3A_176 : memref<10000x72xf32, #tpu.memory_space<hbm>>) dst(%dma_wait3A_172 : memref<128x72xf32, #tpu.memory_space<vmem>>)
        %add3A_179 = arith.addi %sub3A, %add3A_154 : i32
        %mul3A_180 = arith.constant 128 : i32
        %mul3A_181 = arith.muli %add3A_179, %mul3A_180 : i32
        %run_scoped3A = arith.constant 4 : i32
        "tpu.region"() ({
          %run_scoped3A_188 = tpu.sem_alloc : memref<!tpu.dma_semaphore, #tpu.memory_space<semaphore_mem>>
          %dma_start3A_189 = arith.constant 0 : i32
          %dma_start3A_190 = arith.constant 0 : i32
          %dma_start3A_191 = tpu.memref_slice %arg9[%run_scoped3A, %dma_start3A_189, %dma_start3A_190] : memref<6x128x72xf32, #tpu.memory_space<vmem>> -> memref<1x128x72xf32, #tpu.memory_space<vmem>>
          %dma_start3A_192 = tpu.memref_squeeze %dma_start3A_191 : memref<1x128x72xf32, #tpu.memory_space<vmem>> -> memref<128x72xf32, #tpu.memory_space<vmem>>
          %dma_start3A_193 = tpu.memref_slice %arg8[%mul3A_181] : memref<10496xi32, #tpu.memory_space<vmem>> -> memref<128xi32, #tpu.memory_space<vmem>>
          %dma_start3A_194 = arith.constant 0 : i32
          %dma_start3A_195 = arith.constant 0 : i32
          %dma_start3A_196 = tpu.memref_slice %arg10[%dma_start3A_194, %dma_start3A_195] : memref<10112x72xf32, #tpu.memory_space<vmem_shared>> -> memref<10112x72xf32, #tpu.memory_space<vmem_shared>>
          tpu.enqueue_indirect_dma source(%dma_start3A_192 : memref<128x72xf32, #tpu.memory_space<vmem>>) target(%dma_start3A_196 : memref<10112x72xf32, #tpu.memory_space<vmem_shared>>) offsets(%dma_start3A_193 : memref<128xi32, #tpu.memory_space<vmem>>) semaphore(%run_scoped3A_188 : memref<!tpu.dma_semaphore, #tpu.memory_space<semaphore_mem>>) {add = true}
          %dma_wait3A_197 = arith.constant 0 : i32
          %dma_wait3A_198 = arith.constant 0 : i32
          %dma_wait3A_199 = tpu.memref_slice %arg9[%run_scoped3A, %dma_wait3A_197, %dma_wait3A_198] : memref<6x128x72xf32, #tpu.memory_space<vmem>> -> memref<1x128x72xf32, #tpu.memory_space<vmem>>
          %dma_wait3A_200 = tpu.memref_squeeze %dma_wait3A_199 : memref<1x128x72xf32, #tpu.memory_space<vmem>> -> memref<128x72xf32, #tpu.memory_space<vmem>>
          %dma_wait3A_201 = tpu.memref_slice %arg8[%mul3A_181] : memref<10496xi32, #tpu.memory_space<vmem>> -> memref<128xi32, #tpu.memory_space<vmem>>
          %dma_wait3A_202 = arith.constant 0 : i32
          %dma_wait3A_203 = arith.constant 0 : i32
          %dma_wait3A_204 = tpu.memref_slice %arg10[%dma_wait3A_202, %dma_wait3A_203] : memref<10112x72xf32, #tpu.memory_space<vmem_shared>> -> memref<10112x72xf32, #tpu.memory_space<vmem_shared>>
          tpu.wait_indirect_dma semaphore(%run_scoped3A_188 : memref<!tpu.dma_semaphore, #tpu.memory_space<semaphore_mem>>) src(%dma_wait3A_200 : memref<128x72xf32, #tpu.memory_space<vmem>>) dst(%dma_wait3A_204 : memref<10112x72xf32, #tpu.memory_space<vmem_shared>>)
          tpu.yield
        }) : () -> ()
        %add3A_182 = arith.constant 6 : i32
        %add3A_183 = arith.addi %add3A_154, %add3A_182 : i32
        %lt3A_184 = arith.cmpi slt, %add3A_183, %add3A : i32
        %convert_element_type3A_185 = arith.extui %lt3A_184 : i1 to i32
        %cond3A_186 = arith.constant 0 : i32
        %cond3A_187 = arith.cmpi ne, %convert_element_type3A_185, %cond3A_186 : i32
        scf.if %cond3A_187 {
          %add3A_188 = arith.addi %sub3A, %add3A_154 : i32
          %add3A_189 = arith.constant 6 : i32
          %add3A_190 = arith.addi %add3A_188, %add3A_189 : i32
          %mul3A_191 = arith.constant 128 : i32
          %mul3A_192 = arith.muli %add3A_190, %mul3A_191 : i32
          %dma_start3A_193 = arith.constant 4 : i32
          %dma_start3A_194 = arith.constant 4 : i32
          %dma_start3A_195 = arith.constant 0 : i32
          %dma_start3A_196 = arith.constant 0 : i32
          %dma_start3A_197 = tpu.memref_slice %arg9[%dma_start3A_193, %dma_start3A_195, %dma_start3A_196] : memref<6x128x72xf32, #tpu.memory_space<vmem>> -> memref<1x128x72xf32, #tpu.memory_space<vmem>>
          %dma_start3A_198 = tpu.memref_squeeze %dma_start3A_197 : memref<1x128x72xf32, #tpu.memory_space<vmem>> -> memref<128x72xf32, #tpu.memory_space<vmem>>
          %dma_start3A_199 = tpu.memref_slice %arg7[%mul3A_192] : memref<10496xi32, #tpu.memory_space<vmem>> -> memref<128xi32, #tpu.memory_space<vmem>>
          %dma_start3A_200 = arith.constant 0 : i32
          %dma_start3A_201 = arith.constant 0 : i32
          %dma_start3A_202 = tpu.memref_slice %arg2[%dma_start3A_200, %dma_start3A_201] : memref<10000x72xf32, #tpu.memory_space<hbm>> -> memref<10000x72xf32, #tpu.memory_space<hbm>>
          %dma_start3A_203 = tpu.memref_slice %arg11[%dma_start3A_194] : memref<6x!tpu.dma_semaphore, #tpu.memory_space<semaphore_mem>> -> memref<1x!tpu.dma_semaphore, #tpu.memory_space<semaphore_mem>>
          %dma_start3A_204 = tpu.memref_squeeze %dma_start3A_203 : memref<1x!tpu.dma_semaphore, #tpu.memory_space<semaphore_mem>> -> memref<!tpu.dma_semaphore, #tpu.memory_space<semaphore_mem>>
          tpu.enqueue_indirect_dma source(%dma_start3A_202 : memref<10000x72xf32, #tpu.memory_space<hbm>>) target(%dma_start3A_198 : memref<128x72xf32, #tpu.memory_space<vmem>>) offsets(%dma_start3A_199 : memref<128xi32, #tpu.memory_space<vmem>>) semaphore(%dma_start3A_204 : memref<!tpu.dma_semaphore, #tpu.memory_space<semaphore_mem>>)
        } else {
        }
      } else {
      }
      %add3A_159 = arith.constant 5 : i32
      %add3A_160 = arith.addi %mul3A_129, %add3A_159 : i32
      %lt3A_161 = arith.cmpi slt, %add3A_160, %add3A : i32
      %convert_element_type3A_162 = arith.extui %lt3A_161 : i1 to i32
      %cond3A_163 = arith.constant 0 : i32
      %cond3A_164 = arith.cmpi ne, %convert_element_type3A_162, %cond3A_163 : i32
      scf.if %cond3A_164 {
        %add3A_165 = arith.addi %sub3A, %add3A_160 : i32
        %mul3A_166 = arith.constant 128 : i32
        %mul3A_167 = arith.muli %add3A_165, %mul3A_166 : i32
        %dma_wait3A = arith.constant 5 : i32
        %dma_wait3A_168 = arith.constant 5 : i32
        %dma_wait3A_169 = arith.constant 0 : i32
        %dma_wait3A_170 = arith.constant 0 : i32
        %dma_wait3A_171 = tpu.memref_slice %arg9[%dma_wait3A, %dma_wait3A_169, %dma_wait3A_170] : memref<6x128x72xf32, #tpu.memory_space<vmem>> -> memref<1x128x72xf32, #tpu.memory_space<vmem>>
        %dma_wait3A_172 = tpu.memref_squeeze %dma_wait3A_171 : memref<1x128x72xf32, #tpu.memory_space<vmem>> -> memref<128x72xf32, #tpu.memory_space<vmem>>
        %dma_wait3A_173 = tpu.memref_slice %arg7[%mul3A_167] : memref<10496xi32, #tpu.memory_space<vmem>> -> memref<128xi32, #tpu.memory_space<vmem>>
        %dma_wait3A_174 = arith.constant 0 : i32
        %dma_wait3A_175 = arith.constant 0 : i32
        %dma_wait3A_176 = tpu.memref_slice %arg2[%dma_wait3A_174, %dma_wait3A_175] : memref<10000x72xf32, #tpu.memory_space<hbm>> -> memref<10000x72xf32, #tpu.memory_space<hbm>>
        %dma_wait3A_177 = tpu.memref_slice %arg11[%dma_wait3A_168] : memref<6x!tpu.dma_semaphore, #tpu.memory_space<semaphore_mem>> -> memref<1x!tpu.dma_semaphore, #tpu.memory_space<semaphore_mem>>
        %dma_wait3A_178 = tpu.memref_squeeze %dma_wait3A_177 : memref<1x!tpu.dma_semaphore, #tpu.memory_space<semaphore_mem>> -> memref<!tpu.dma_semaphore, #tpu.memory_space<semaphore_mem>>
        tpu.wait_indirect_dma semaphore(%dma_wait3A_178 : memref<!tpu.dma_semaphore, #tpu.memory_space<semaphore_mem>>) src(%dma_wait3A_176 : memref<10000x72xf32, #tpu.memory_space<hbm>>) dst(%dma_wait3A_172 : memref<128x72xf32, #tpu.memory_space<vmem>>)
        %add3A_179 = arith.addi %sub3A, %add3A_160 : i32
        %mul3A_180 = arith.constant 128 : i32
        %mul3A_181 = arith.muli %add3A_179, %mul3A_180 : i32
        %run_scoped3A = arith.constant 5 : i32
        "tpu.region"() ({
          %run_scoped3A_188 = tpu.sem_alloc : memref<!tpu.dma_semaphore, #tpu.memory_space<semaphore_mem>>
          %dma_start3A_189 = arith.constant 0 : i32
          %dma_start3A_190 = arith.constant 0 : i32
          %dma_start3A_191 = tpu.memref_slice %arg9[%run_scoped3A, %dma_start3A_189, %dma_start3A_190] : memref<6x128x72xf32, #tpu.memory_space<vmem>> -> memref<1x128x72xf32, #tpu.memory_space<vmem>>
          %dma_start3A_192 = tpu.memref_squeeze %dma_start3A_191 : memref<1x128x72xf32, #tpu.memory_space<vmem>> -> memref<128x72xf32, #tpu.memory_space<vmem>>
          %dma_start3A_193 = tpu.memref_slice %arg8[%mul3A_181] : memref<10496xi32, #tpu.memory_space<vmem>> -> memref<128xi32, #tpu.memory_space<vmem>>
          %dma_start3A_194 = arith.constant 0 : i32
          %dma_start3A_195 = arith.constant 0 : i32
          %dma_start3A_196 = tpu.memref_slice %arg10[%dma_start3A_194, %dma_start3A_195] : memref<10112x72xf32, #tpu.memory_space<vmem_shared>> -> memref<10112x72xf32, #tpu.memory_space<vmem_shared>>
          tpu.enqueue_indirect_dma source(%dma_start3A_192 : memref<128x72xf32, #tpu.memory_space<vmem>>) target(%dma_start3A_196 : memref<10112x72xf32, #tpu.memory_space<vmem_shared>>) offsets(%dma_start3A_193 : memref<128xi32, #tpu.memory_space<vmem>>) semaphore(%run_scoped3A_188 : memref<!tpu.dma_semaphore, #tpu.memory_space<semaphore_mem>>) {add = true}
          %dma_wait3A_197 = arith.constant 0 : i32
          %dma_wait3A_198 = arith.constant 0 : i32
          %dma_wait3A_199 = tpu.memref_slice %arg9[%run_scoped3A, %dma_wait3A_197, %dma_wait3A_198] : memref<6x128x72xf32, #tpu.memory_space<vmem>> -> memref<1x128x72xf32, #tpu.memory_space<vmem>>
          %dma_wait3A_200 = tpu.memref_squeeze %dma_wait3A_199 : memref<1x128x72xf32, #tpu.memory_space<vmem>> -> memref<128x72xf32, #tpu.memory_space<vmem>>
          %dma_wait3A_201 = tpu.memref_slice %arg8[%mul3A_181] : memref<10496xi32, #tpu.memory_space<vmem>> -> memref<128xi32, #tpu.memory_space<vmem>>
          %dma_wait3A_202 = arith.constant 0 : i32
          %dma_wait3A_203 = arith.constant 0 : i32
          %dma_wait3A_204 = tpu.memref_slice %arg10[%dma_wait3A_202, %dma_wait3A_203] : memref<10112x72xf32, #tpu.memory_space<vmem_shared>> -> memref<10112x72xf32, #tpu.memory_space<vmem_shared>>
          tpu.wait_indirect_dma semaphore(%run_scoped3A_188 : memref<!tpu.dma_semaphore, #tpu.memory_space<semaphore_mem>>) src(%dma_wait3A_200 : memref<128x72xf32, #tpu.memory_space<vmem>>) dst(%dma_wait3A_204 : memref<10112x72xf32, #tpu.memory_space<vmem_shared>>)
          tpu.yield
        }) : () -> ()
        %add3A_182 = arith.constant 6 : i32
        %add3A_183 = arith.addi %add3A_160, %add3A_182 : i32
        %lt3A_184 = arith.cmpi slt, %add3A_183, %add3A : i32
        %convert_element_type3A_185 = arith.extui %lt3A_184 : i1 to i32
        %cond3A_186 = arith.constant 0 : i32
        %cond3A_187 = arith.cmpi ne, %convert_element_type3A_185, %cond3A_186 : i32
        scf.if %cond3A_187 {
          %add3A_188 = arith.addi %sub3A, %add3A_160 : i32
          %add3A_189 = arith.constant 6 : i32
          %add3A_190 = arith.addi %add3A_188, %add3A_189 : i32
          %mul3A_191 = arith.constant 128 : i32
          %mul3A_192 = arith.muli %add3A_190, %mul3A_191 : i32
          %dma_start3A_193 = arith.constant 5 : i32
          %dma_start3A_194 = arith.constant 5 : i32
          %dma_start3A_195 = arith.constant 0 : i32
          %dma_start3A_196 = arith.constant 0 : i32
          %dma_start3A_197 = tpu.memref_slice %arg9[%dma_start3A_193, %dma_start3A_195, %dma_start3A_196] : memref<6x128x72xf32, #tpu.memory_space<vmem>> -> memref<1x128x72xf32, #tpu.memory_space<vmem>>
          %dma_start3A_198 = tpu.memref_squeeze %dma_start3A_197 : memref<1x128x72xf32, #tpu.memory_space<vmem>> -> memref<128x72xf32, #tpu.memory_space<vmem>>
          %dma_start3A_199 = tpu.memref_slice %arg7[%mul3A_192] : memref<10496xi32, #tpu.memory_space<vmem>> -> memref<128xi32, #tpu.memory_space<vmem>>
          %dma_start3A_200 = arith.constant 0 : i32
          %dma_start3A_201 = arith.constant 0 : i32
          %dma_start3A_202 = tpu.memref_slice %arg2[%dma_start3A_200, %dma_start3A_201] : memref<10000x72xf32, #tpu.memory_space<hbm>> -> memref<10000x72xf32, #tpu.memory_space<hbm>>
          %dma_start3A_203 = tpu.memref_slice %arg11[%dma_start3A_194] : memref<6x!tpu.dma_semaphore, #tpu.memory_space<semaphore_mem>> -> memref<1x!tpu.dma_semaphore, #tpu.memory_space<semaphore_mem>>
          %dma_start3A_204 = tpu.memref_squeeze %dma_start3A_203 : memref<1x!tpu.dma_semaphore, #tpu.memory_space<semaphore_mem>> -> memref<!tpu.dma_semaphore, #tpu.memory_space<semaphore_mem>>
          tpu.enqueue_indirect_dma source(%dma_start3A_202 : memref<10000x72xf32, #tpu.memory_space<hbm>>) target(%dma_start3A_198 : memref<128x72xf32, #tpu.memory_space<vmem>>) offsets(%dma_start3A_199 : memref<128xi32, #tpu.memory_space<vmem>>) semaphore(%dma_start3A_204 : memref<!tpu.dma_semaphore, #tpu.memory_space<semaphore_mem>>)
        } else {
        }
      } else {
      }
    }
    %scan3A_121 = arith.constant 14 : i32
    %barrier3A_122 = arith.constant 0 : index
    tpu.barrier barrier_id(%barrier3A_122)
    %mul3A_123 = arith.constant 632 : i32
    %mul3A_124 = arith.muli %arg1, %mul3A_123 : i32
    %mul3A_125 = arith.constant 632 : i32
    %mul3A_126 = arith.muli %arg1, %mul3A_125 : i32
    "tpu.region"() ({
      %run_scoped3A = tpu.sem_alloc : memref<!tpu.dma_semaphore, #tpu.memory_space<semaphore_mem>>
      %dma_start3A_127 = arith.constant 0 : i32
      %dma_start3A_128 = tpu.memref_slice %arg6[%arg0, %mul3A_126, %dma_start3A_127] : memref<2x10112x72xf32, #tpu.memory_space<hbm>> -> memref<1x632x72xf32, #tpu.memory_space<hbm>>
      %dma_start3A_129 = tpu.memref_squeeze %dma_start3A_128 : memref<1x632x72xf32, #tpu.memory_space<hbm>> -> memref<632x72xf32, #tpu.memory_space<hbm>>
      %dma_start3A_130 = arith.constant 0 : i32
      %dma_start3A_131 = tpu.memref_slice %arg10[%mul3A_124, %dma_start3A_130] : memref<10112x72xf32, #tpu.memory_space<vmem_shared>> -> memref<632x72xf32, #tpu.memory_space<vmem_shared>>
      tpu.enqueue_dma source(%dma_start3A_131 : memref<632x72xf32, #tpu.memory_space<vmem_shared>>) target(%dma_start3A_129 : memref<632x72xf32, #tpu.memory_space<hbm>>) target_semaphore(%run_scoped3A : memref<!tpu.dma_semaphore, #tpu.memory_space<semaphore_mem>>)
      %dma_wait3A = arith.constant 0 : i32
      %dma_wait3A_132 = tpu.memref_slice %arg6[%arg0, %mul3A_126, %dma_wait3A] : memref<2x10112x72xf32, #tpu.memory_space<hbm>> -> memref<1x632x72xf32, #tpu.memory_space<hbm>>
      %dma_wait3A_133 = tpu.memref_squeeze %dma_wait3A_132 : memref<1x632x72xf32, #tpu.memory_space<hbm>> -> memref<632x72xf32, #tpu.memory_space<hbm>>
      %dma_wait3A_134 = arith.constant 0 : i32
      %dma_wait3A_135 = tpu.memref_slice %arg10[%mul3A_124, %dma_wait3A_134] : memref<10112x72xf32, #tpu.memory_space<vmem_shared>> -> memref<632x72xf32, #tpu.memory_space<vmem_shared>>
      tpu.wait_dma2 semaphore(%run_scoped3A : memref<!tpu.dma_semaphore, #tpu.memory_space<semaphore_mem>>) src(%dma_wait3A_135 : memref<632x72xf32, #tpu.memory_space<vmem_shared>>) dst(%dma_wait3A_133 : memref<632x72xf32, #tpu.memory_space<hbm>>)
      tpu.yield
    }) : () -> ()
    return
  }
}

module attributes {stable_mosaic.version = 14 : i64} {
  func.func @_edge_split_body(%arg0: i32, %arg1: memref<2x320000xi32, #tpu.memory_space<vmem>>, %arg2: memref<320000xi32, #tpu.memory_space<vmem>>, %arg3: memref<320000xi32, #tpu.memory_space<vmem>>) attributes {dimension_semantics = [#tpu.dimension_semantics<arbitrary>], iteration_bounds = array<i64: 1>, scalar_prefetch = 0 : i64, scratch_operands = 0 : i64, tpu.core_type = #tpu.core_type<tc>, window_params = [{pipeline_mode = #tpu.pipeline_mode<synchronous>, transform_indices = @transform_0, window_bounds = array<i64: 2, 320000>}, {pipeline_mode = #tpu.pipeline_mode<synchronous>, transform_indices = @transform_1, window_bounds = array<i64: 320000>}, {pipeline_mode = #tpu.pipeline_mode<synchronous>, transform_indices = @transform_2, window_bounds = array<i64: 320000>}]} {
    %get3A = arith.constant 0 : index
    %get3A_0 = arith.constant 0 : index
    %get3A_1 = vector.load %arg1[%get3A, %get3A_0] : memref<2x320000xi32, #tpu.memory_space<vmem>>, vector<1x320000xi32>
    %get3A_2 = vector.shape_cast %get3A_1 : vector<1x320000xi32> to vector<320000xi32>
    %swap3A = arith.constant 0 : index
    %swap3A_3 = vector.load %arg2[%swap3A] : memref<320000xi32, #tpu.memory_space<vmem>>, vector<320000xi32>
    tpu.vector_store %arg2[%swap3A], %get3A_2 {strides = array<i32>} : memref<320000xi32, #tpu.memory_space<vmem>>, vector<320000xi32>,
    %get3A_4 = arith.constant 1 : index
    %get3A_5 = arith.constant 0 : index
    %get3A_6 = vector.load %arg1[%get3A_4, %get3A_5] : memref<2x320000xi32, #tpu.memory_space<vmem>>, vector<1x320000xi32>
    %get3A_7 = vector.shape_cast %get3A_6 : vector<1x320000xi32> to vector<320000xi32>
    %swap3A_8 = arith.constant 0 : index
    %swap3A_9 = vector.load %arg3[%swap3A_8] : memref<320000xi32, #tpu.memory_space<vmem>>, vector<320000xi32>
    tpu.vector_store %arg3[%swap3A_8], %get3A_7 {strides = array<i32>} : memref<320000xi32, #tpu.memory_space<vmem>>, vector<320000xi32>,
    return
  }
  func.func @transform_0(%arg0: i32) -> (i32, i32) {
    %c0_i32 = arith.constant 0 : i32
    %c0_i32_0 = arith.constant 0 : i32
    %c0_i32_1 = arith.constant 0 : i32
    return %c0_i32, %c0_i32_0 : i32, i32
  }
  func.func @transform_1(%arg0: i32) -> i32 {
    %c0_i32 = arith.constant 0 : i32
    %c0_i32_0 = arith.constant 0 : i32
    return %c0_i32 : i32
  }
  func.func @transform_2(%arg0: i32) -> i32 {
    %c0_i32 = arith.constant 0 : i32
    %c0_i32_0 = arith.constant 0 : i32
    return %c0_i32 : i32
  }
}

module attributes {stable_mosaic.version = 14 : i64} {
  func.func @_proj1_body(%arg0: i32, %arg1: memref<2000x128xf32, #tpu.memory_space<vmem>>, %arg2: memref<128x64xf32, #tpu.memory_space<vmem>>, %arg3: memref<128x64xf32, #tpu.memory_space<vmem>>, %arg4: memref<1x64xf32, #tpu.memory_space<vmem>>, %arg5: memref<2000x72xf32, #tpu.memory_space<vmem>>, %arg6: memref<2000x64xf32, #tpu.memory_space<vmem>>) attributes {dimension_semantics = [#tpu.dimension_semantics<arbitrary>], iteration_bounds = array<i64: 5>, scalar_prefetch = 0 : i64, scratch_operands = 0 : i64, tpu.core_type = #tpu.core_type<tc>, window_params = [{transform_indices = @transform_0, window_bounds = array<i64: 2000, 128>}, {pipeline_mode = #tpu.pipeline_mode<synchronous>, transform_indices = @transform_1, window_bounds = array<i64: 128, 64>}, {pipeline_mode = #tpu.pipeline_mode<synchronous>, transform_indices = @transform_2, window_bounds = array<i64: 128, 64>}, {pipeline_mode = #tpu.pipeline_mode<synchronous>, transform_indices = @transform_3, window_bounds = array<i64: 1, 64>}, {transform_indices = @transform_4, window_bounds = array<i64: 2000, 72>}, {transform_indices = @transform_5, window_bounds = array<i64: 2000, 64>}]} {
    %get3A = arith.constant 0 : index
    %get3A_0 = arith.constant 0 : index
    %get3A_1 = vector.load %arg1[%get3A, %get3A_0] : memref<2000x128xf32, #tpu.memory_space<vmem>>, vector<2000x128xf32>
    %get3A_2 = arith.constant 0 : index
    %get3A_3 = arith.constant 0 : index
    %get3A_4 = vector.load %arg2[%get3A_2, %get3A_3] : memref<128x64xf32, #tpu.memory_space<vmem>>, vector<128x64xf32>
    %dot_general3A = arith.constant dense<0.000000e+00> : vector<2000x64xf32>
    %dot_general3A_5 = tpu.matmul %get3A_1, %get3A_4, %dot_general3A {dimension_numbers = #tpu.dot_dimension_numbers<[1], [0], [0], [1], [0, 0, 1, 1], [], []>, transpose_lhs_hint = false} : vector<2000x128xf32>, vector<128x64xf32>, vector<2000x64xf32> -> vector<2000x64xf32>
    %broadcast_in_dim3A = arith.constant 1.000000e+00 : f32
    %broadcast_in_dim3A_6 = vector.broadcast %broadcast_in_dim3A : f32 to vector<2000x8xf32>
    %concatenate3A = tpu.concatenate %dot_general3A_5, %broadcast_in_dim3A_6 in 1 : vector<2000x64xf32>, vector<2000x8xf32> -> vector<2000x72xf32>
    %swap3A = arith.constant 0 : index
    %swap3A_7 = arith.constant 0 : index
    %swap3A_8 = vector.load %arg5[%swap3A, %swap3A_7] : memref<2000x72xf32, #tpu.memory_space<vmem>>, vector<2000x72xf32>
    tpu.vector_store %arg5[%swap3A, %swap3A_7], %concatenate3A {strides = array<i32>} : memref<2000x72xf32, #tpu.memory_space<vmem>>, vector<2000x72xf32>,
    %get3A_9 = arith.constant 0 : index
    %get3A_10 = arith.constant 0 : index
    %get3A_11 = vector.load %arg3[%get3A_9, %get3A_10] : memref<128x64xf32, #tpu.memory_space<vmem>>, vector<128x64xf32>
    %dot_general3A_12 = arith.constant dense<0.000000e+00> : vector<2000x64xf32>
    %dot_general3A_13 = tpu.matmul %get3A_1, %get3A_11, %dot_general3A_12 {dimension_numbers = #tpu.dot_dimension_numbers<[1], [0], [0], [1], [0, 0, 1, 1], [], []>, transpose_lhs_hint = false} : vector<2000x128xf32>, vector<128x64xf32>, vector<2000x64xf32> -> vector<2000x64xf32>
    %get3A_14 = arith.constant 0 : index
    %get3A_15 = arith.constant 0 : index
    %get3A_16 = vector.load %arg4[%get3A_14, %get3A_15] : memref<1x64xf32, #tpu.memory_space<vmem>>, vector<1x64xf32>
    %add3A = vector.broadcast %get3A_16 : vector<1x64xf32> to vector<2000x64xf32>
    %add3A_17 = arith.addf %dot_general3A_13, %add3A : vector<2000x64xf32>
    %swap3A_18 = arith.constant 0 : index
    %swap3A_19 = arith.constant 0 : index
    %swap3A_20 = vector.load %arg6[%swap3A_18, %swap3A_19] : memref<2000x64xf32, #tpu.memory_space<vmem>>, vector<2000x64xf32>
    tpu.vector_store %arg6[%swap3A_18, %swap3A_19], %add3A_17 {strides = array<i32>} : memref<2000x64xf32, #tpu.memory_space<vmem>>, vector<2000x64xf32>,
    return
  }
  func.func @transform_0(%arg0: i32) -> (i32, i32) {
    %c0_i32 = arith.constant 0 : i32
    %c0_i32_0 = arith.constant 0 : i32
    return %arg0, %c0_i32 : i32, i32
  }
  func.func @transform_1(%arg0: i32) -> (i32, i32) {
    %c0_i32 = arith.constant 0 : i32
    %c0_i32_0 = arith.constant 0 : i32
    %c0_i32_1 = arith.constant 0 : i32
    return %c0_i32, %c0_i32_0 : i32, i32
  }
  func.func @transform_2(%arg0: i32) -> (i32, i32) {
    %c0_i32 = arith.constant 0 : i32
    %c0_i32_0 = arith.constant 0 : i32
    %c0_i32_1 = arith.constant 0 : i32
    return %c0_i32, %c0_i32_0 : i32, i32
  }
  func.func @transform_3(%arg0: i32) -> (i32, i32) {
    %c0_i32 = arith.constant 0 : i32
    %c0_i32_0 = arith.constant 0 : i32
    %c0_i32_1 = arith.constant 0 : i32
    return %c0_i32, %c0_i32_0 : i32, i32
  }
  func.func @transform_4(%arg0: i32) -> (i32, i32) {
    %c0_i32 = arith.constant 0 : i32
    %c0_i32_0 = arith.constant 0 : i32
    return %arg0, %c0_i32 : i32, i32
  }
  func.func @transform_5(%arg0: i32) -> (i32, i32) {
    %c0_i32 = arith.constant 0 : i32
    %c0_i32_0 = arith.constant 0 : i32
    return %arg0, %c0_i32 : i32, i32
  }
}

module attributes {stable_mosaic.version = 14 : i64} {
  func.func @_mid_body(%arg0: i32, %arg1: memref<1x2000x72xf32, #tpu.memory_space<vmem>>, %arg2: memref<1x2000x72xf32, #tpu.memory_space<vmem>>, %arg3: memref<2000x64xf32, #tpu.memory_space<vmem>>, %arg4: memref<64x32xf32, #tpu.memory_space<vmem>>, %arg5: memref<64x32xf32, #tpu.memory_space<vmem>>, %arg6: memref<1x32xf32, #tpu.memory_space<vmem>>, %arg7: memref<2000x32xf32, #tpu.memory_space<vmem>>, %arg8: memref<2000x40xf32, #tpu.memory_space<vmem>>) attributes {dimension_semantics = [#tpu.dimension_semantics<arbitrary>], iteration_bounds = array<i64: 5>, scalar_prefetch = 0 : i64, scratch_operands = 0 : i64, tpu.core_type = #tpu.core_type<tc>, window_params = [{transform_indices = @transform_0, window_bounds = array<i64: 1, 2000, 72>}, {transform_indices = @transform_1, window_bounds = array<i64: 1, 2000, 72>}, {transform_indices = @transform_2, window_bounds = array<i64: 2000, 64>}, {pipeline_mode = #tpu.pipeline_mode<synchronous>, transform_indices = @transform_3, window_bounds = array<i64: 64, 32>}, {pipeline_mode = #tpu.pipeline_mode<synchronous>, transform_indices = @transform_4, window_bounds = array<i64: 64, 32>}, {pipeline_mode = #tpu.pipeline_mode<synchronous>, transform_indices = @transform_5, window_bounds = array<i64: 1, 32>}, {transform_indices = @transform_6, window_bounds = array<i64: 2000, 32>}, {transform_indices = @transform_7, window_bounds = array<i64: 2000, 40>}]} {
    %get3A = arith.constant 0 : index
    %get3A_0 = arith.constant 0 : index
    %get3A_1 = arith.constant 0 : index
    %get3A_2 = vector.load %arg1[%get3A, %get3A_0, %get3A_1] : memref<1x2000x72xf32, #tpu.memory_space<vmem>>, vector<1x2000x72xf32>
    %get3A_3 = vector.shape_cast %get3A_2 : vector<1x2000x72xf32> to vector<2000x72xf32>
    %get3A_4 = arith.constant 0 : index
    %get3A_5 = arith.constant 0 : index
    %get3A_6 = arith.constant 0 : index
    %get3A_7 = vector.load %arg2[%get3A_4, %get3A_5, %get3A_6] : memref<1x2000x72xf32, #tpu.memory_space<vmem>>, vector<1x2000x72xf32>
    %get3A_8 = vector.shape_cast %get3A_7 : vector<1x2000x72xf32> to vector<2000x72xf32>
    %add3A = arith.addf %get3A_3, %get3A_8 : vector<2000x72xf32>
    %slice3A = vector.extract_strided_slice %add3A {offsets = [0, 64], sizes = [2000, 1], strides = [1, 1]} : vector<2000x72xf32> to vector<2000x1xf32>
    %max3A = arith.constant 1.000000e+00 : f32
    %max3A_9 = vector.broadcast %max3A : f32 to vector<2000x1xf32>
    %max3A_10 = arith.maximumf %slice3A, %max3A_9 : vector<2000x1xf32>
    %slice3A_11 = vector.extract_strided_slice %add3A {offsets = [0, 0], sizes = [2000, 64], strides = [1, 1]} : vector<2000x72xf32> to vector<2000x64xf32>
    %div3A = vector.broadcast %max3A_10 : vector<2000x1xf32> to vector<2000x64xf32>
    %div3A_12 = arith.divf %slice3A_11, %div3A : vector<2000x64xf32>
    %get3A_13 = arith.constant 0 : index
    %get3A_14 = arith.constant 0 : index
    %get3A_15 = vector.load %arg3[%get3A_13, %get3A_14] : memref<2000x64xf32, #tpu.memory_space<vmem>>, vector<2000x64xf32>
    %add3A_16 = arith.addf %div3A_12, %get3A_15 : vector<2000x64xf32>
    %max3A_17 = arith.constant 0.000000e+00 : f32
    %max3A_18 = vector.broadcast %max3A_17 : f32 to vector<2000x64xf32>
    %max3A_19 = arith.maximumf %add3A_16, %max3A_18 : vector<2000x64xf32>
    %get3A_20 = arith.constant 0 : index
    %get3A_21 = arith.constant 0 : index
    %get3A_22 = vector.load %arg4[%get3A_20, %get3A_21] : memref<64x32xf32, #tpu.memory_space<vmem>>, vector<64x32xf32>
    %dot_general3A = arith.constant dense<0.000000e+00> : vector<2000x32xf32>
    %dot_general3A_23 = tpu.matmul %max3A_19, %get3A_22, %dot_general3A {dimension_numbers = #tpu.dot_dimension_numbers<[1], [0], [0], [1], [0, 0, 1, 1], [], []>, transpose_lhs_hint = false} : vector<2000x64xf32>, vector<64x32xf32>, vector<2000x32xf32> -> vector<2000x32xf32>
    %swap3A = arith.constant 0 : index
    %swap3A_24 = arith.constant 0 : index
    %swap3A_25 = vector.load %arg7[%swap3A, %swap3A_24] : memref<2000x32xf32, #tpu.memory_space<vmem>>, vector<2000x32xf32>
    tpu.vector_store %arg7[%swap3A, %swap3A_24], %dot_general3A_23 {strides = array<i32>} : memref<2000x32xf32, #tpu.memory_space<vmem>>, vector<2000x32xf32>,
    %get3A_26 = arith.constant 0 : index
    %get3A_27 = arith.constant 0 : index
    %get3A_28 = vector.load %arg5[%get3A_26, %get3A_27] : memref<64x32xf32, #tpu.memory_space<vmem>>, vector<64x32xf32>
    %dot_general3A_29 = arith.constant dense<0.000000e+00> : vector<2000x32xf32>
    %dot_general3A_30 = tpu.matmul %max3A_19, %get3A_28, %dot_general3A_29 {dimension_numbers = #tpu.dot_dimension_numbers<[1], [0], [0], [1], [0, 0, 1, 1], [], []>, transpose_lhs_hint = false} : vector<2000x64xf32>, vector<64x32xf32>, vector<2000x32xf32> -> vector<2000x32xf32>
    %get3A_31 = arith.constant 0 : index
    %get3A_32 = arith.constant 0 : index
    %get3A_33 = vector.load %arg6[%get3A_31, %get3A_32] : memref<1x32xf32, #tpu.memory_space<vmem>>, vector<1x32xf32>
    %add3A_34 = vector.broadcast %get3A_33 : vector<1x32xf32> to vector<2000x32xf32>
    %add3A_35 = arith.addf %dot_general3A_30, %add3A_34 : vector<2000x32xf32>
    %broadcast_in_dim3A = vector.shape_cast %max3A_10 : vector<2000x1xf32> to vector<2000x1xf32>
    %broadcast_in_dim3A_36 = vector.broadcast %broadcast_in_dim3A : vector<2000x1xf32> to vector<2000x8xf32>
    %concatenate3A = tpu.concatenate %add3A_35, %broadcast_in_dim3A_36 in 1 : vector<2000x32xf32>, vector<2000x8xf32> -> vector<2000x40xf32>
    %swap3A_37 = arith.constant 0 : index
    %swap3A_38 = arith.constant 0 : index
    %swap3A_39 = vector.load %arg8[%swap3A_37, %swap3A_38] : memref<2000x40xf32, #tpu.memory_space<vmem>>, vector<2000x40xf32>
    tpu.vector_store %arg8[%swap3A_37, %swap3A_38], %concatenate3A {strides = array<i32>} : memref<2000x40xf32, #tpu.memory_space<vmem>>, vector<2000x40xf32>,
    return
  }
  func.func @transform_0(%arg0: i32) -> (i32, i32, i32) {
    %c0_i32 = arith.constant 0 : i32
    %c0_i32_0 = arith.constant 0 : i32
    %c0_i32_1 = arith.constant 0 : i32
    return %c0_i32, %arg0, %c0_i32_0 : i32, i32, i32
  }
  func.func @transform_1(%arg0: i32) -> (i32, i32, i32) {
    %c1_i32 = arith.constant 1 : i32
    %c0_i32 = arith.constant 0 : i32
    %c0_i32_0 = arith.constant 0 : i32
    return %c1_i32, %arg0, %c0_i32 : i32, i32, i32
  }
  func.func @transform_2(%arg0: i32) -> (i32, i32) {
    %c0_i32 = arith.constant 0 : i32
    %c0_i32_0 = arith.constant 0 : i32
    return %arg0, %c0_i32 : i32, i32
  }
  func.func @transform_3(%arg0: i32) -> (i32, i32) {
    %c0_i32 = arith.constant 0 : i32
    %c0_i32_0 = arith.constant 0 : i32
    %c0_i32_1 = arith.constant 0 : i32
    return %c0_i32, %c0_i32_0 : i32, i32
  }
  func.func @transform_4(%arg0: i32) -> (i32, i32) {
    %c0_i32 = arith.constant 0 : i32
    %c0_i32_0 = arith.constant 0 : i32
    %c0_i32_1 = arith.constant 0 : i32
    return %c0_i32, %c0_i32_0 : i32, i32
  }
  func.func @transform_5(%arg0: i32) -> (i32, i32) {
    %c0_i32 = arith.constant 0 : i32
    %c0_i32_0 = arith.constant 0 : i32
    %c0_i32_1 = arith.constant 0 : i32
    return %c0_i32, %c0_i32_0 : i32, i32
  }
  func.func @transform_6(%arg0: i32) -> (i32, i32) {
    %c0_i32 = arith.constant 0 : i32
    %c0_i32_0 = arith.constant 0 : i32
    return %arg0, %c0_i32 : i32, i32
  }
  func.func @transform_7(%arg0: i32) -> (i32, i32) {
    %c0_i32 = arith.constant 0 : i32
    %c0_i32_0 = arith.constant 0 : i32
    return %arg0, %c0_i32 : i32, i32
  }
}

module attributes {stable_mosaic.version = 14 : i64} {
  func.func @_head_body(%arg0: i32, %arg1: memref<1x2000x32xf32, #tpu.memory_space<vmem>>, %arg2: memref<1x2000x32xf32, #tpu.memory_space<vmem>>, %arg3: memref<2000x40xf32, #tpu.memory_space<vmem>>, %arg4: memref<32x1xf32, #tpu.memory_space<vmem>>, %arg5: memref<1x1xf32, #tpu.memory_space<vmem>>, %arg6: memref<2000x1xf32, #tpu.memory_space<vmem>>) attributes {dimension_semantics = [#tpu.dimension_semantics<arbitrary>], iteration_bounds = array<i64: 5>, scalar_prefetch = 0 : i64, scratch_operands = 0 : i64, tpu.core_type = #tpu.core_type<tc>, window_params = [{transform_indices = @transform_0, window_bounds = array<i64: 1, 2000, 32>}, {transform_indices = @transform_1, window_bounds = array<i64: 1, 2000, 32>}, {transform_indices = @transform_2, window_bounds = array<i64: 2000, 40>}, {pipeline_mode = #tpu.pipeline_mode<synchronous>, transform_indices = @transform_3, window_bounds = array<i64: 32, 1>}, {pipeline_mode = #tpu.pipeline_mode<synchronous>, transform_indices = @transform_4, window_bounds = array<i64: 1, 1>}, {transform_indices = @transform_5, window_bounds = array<i64: 2000, 1>}]} {
    %get3A = arith.constant 0 : index
    %get3A_0 = arith.constant 0 : index
    %get3A_1 = arith.constant 0 : index
    %get3A_2 = vector.load %arg1[%get3A, %get3A_0, %get3A_1] : memref<1x2000x32xf32, #tpu.memory_space<vmem>>, vector<1x2000x32xf32>
    %get3A_3 = vector.shape_cast %get3A_2 : vector<1x2000x32xf32> to vector<2000x32xf32>
    %get3A_4 = arith.constant 0 : index
    %get3A_5 = arith.constant 0 : index
    %get3A_6 = arith.constant 0 : index
    %get3A_7 = vector.load %arg2[%get3A_4, %get3A_5, %get3A_6] : memref<1x2000x32xf32, #tpu.memory_space<vmem>>, vector<1x2000x32xf32>
    %get3A_8 = vector.shape_cast %get3A_7 : vector<1x2000x32xf32> to vector<2000x32xf32>
    %add3A = arith.addf %get3A_3, %get3A_8 : vector<2000x32xf32>
    %get3A_9 = arith.constant 0 : index
    %get3A_10 = arith.constant 0 : index
    %get3A_11 = vector.load %arg3[%get3A_9, %get3A_10] : memref<2000x40xf32, #tpu.memory_space<vmem>>, vector<2000x40xf32>
    %slice3A = vector.extract_strided_slice %get3A_11 {offsets = [0, 32], sizes = [2000, 1], strides = [1, 1]} : vector<2000x40xf32> to vector<2000x1xf32>
    %div3A = vector.broadcast %slice3A : vector<2000x1xf32> to vector<2000x32xf32>
    %div3A_12 = arith.divf %add3A, %div3A : vector<2000x32xf32>
    %slice3A_13 = vector.extract_strided_slice %get3A_11 {offsets = [0, 0], sizes = [2000, 32], strides = [1, 1]} : vector<2000x40xf32> to vector<2000x32xf32>
    %add3A_14 = arith.addf %div3A_12, %slice3A_13 : vector<2000x32xf32>
    %max3A = arith.constant 0.000000e+00 : f32
    %max3A_15 = vector.broadcast %max3A : f32 to vector<2000x32xf32>
    %max3A_16 = arith.maximumf %add3A_14, %max3A_15 : vector<2000x32xf32>
    %get3A_17 = arith.constant 0 : index
    %get3A_18 = arith.constant 0 : index
    %get3A_19 = vector.load %arg4[%get3A_17, %get3A_18] : memref<32x1xf32, #tpu.memory_space<vmem>>, vector<32x1xf32>
    %dot_general3A = arith.constant dense<0.000000e+00> : vector<2000x1xf32>
    %dot_general3A_20 = tpu.matmul %max3A_16, %get3A_19, %dot_general3A {dimension_numbers = #tpu.dot_dimension_numbers<[1], [0], [0], [1], [0, 0, 1, 1], [], []>, transpose_lhs_hint = false} : vector<2000x32xf32>, vector<32x1xf32>, vector<2000x1xf32> -> vector<2000x1xf32>
    %get3A_21 = arith.constant 0 : index
    %get3A_22 = arith.constant 0 : index
    %get3A_23 = vector.load %arg5[%get3A_21, %get3A_22] : memref<1x1xf32, #tpu.memory_space<vmem>>, vector<1x1xf32>
    %add3A_24 = vector.broadcast %get3A_23 : vector<1x1xf32> to vector<2000x1xf32>
    %add3A_25 = arith.addf %dot_general3A_20, %add3A_24 : vector<2000x1xf32>
    %swap3A = arith.constant 0 : index
    %swap3A_26 = arith.constant 0 : index
    %swap3A_27 = vector.load %arg6[%swap3A, %swap3A_26] : memref<2000x1xf32, #tpu.memory_space<vmem>>, vector<2000x1xf32>
    tpu.vector_store %arg6[%swap3A, %swap3A_26], %add3A_25 {strides = array<i32>} : memref<2000x1xf32, #tpu.memory_space<vmem>>, vector<2000x1xf32>,
    return
  }
  func.func @transform_0(%arg0: i32) -> (i32, i32, i32) {
    %c0_i32 = arith.constant 0 : i32
    %c0_i32_0 = arith.constant 0 : i32
    %c0_i32_1 = arith.constant 0 : i32
    return %c0_i32, %arg0, %c0_i32_0 : i32, i32, i32
  }
  func.func @transform_1(%arg0: i32) -> (i32, i32, i32) {
    %c1_i32 = arith.constant 1 : i32
    %c0_i32 = arith.constant 0 : i32
    %c0_i32_0 = arith.constant 0 : i32
    return %c1_i32, %arg0, %c0_i32 : i32, i32, i32
  }
  func.func @transform_2(%arg0: i32) -> (i32, i32) {
    %c0_i32 = arith.constant 0 : i32
    %c0_i32_0 = arith.constant 0 : i32
    return %arg0, %c0_i32 : i32, i32
  }
  func.func @transform_3(%arg0: i32) -> (i32, i32) {
    %c0_i32 = arith.constant 0 : i32
    %c0_i32_0 = arith.constant 0 : i32
    %c0_i32_1 = arith.constant 0 : i32
    return %c0_i32, %c0_i32_0 : i32, i32
  }
  func.func @transform_4(%arg0: i32) -> (i32, i32) {
    %c0_i32 = arith.constant 0 : i32
    %c0_i32_0 = arith.constant 0 : i32
    %c0_i32_1 = arith.constant 0 : i32
    return %c0_i32, %c0_i32_0 : i32, i32
  }
  func.func @transform_5(%arg0: i32) -> (i32, i32) {
    %c0_i32 = arith.constant 0 : i32
    %c0_i32_0 = arith.constant 0 : i32
    return %arg0, %c0_i32 : i32, i32
  }
}

module attributes {stable_mosaic.version = 14 : i64} {
  func.func @_trig_body(%arg0: i32, %arg1: memref<1x10000xf32, #tpu.memory_space<vmem>>, %arg2: memref<4x10000xf32, #tpu.memory_space<vmem>>) attributes {dimension_semantics = [#tpu.dimension_semantics<arbitrary>], iteration_bounds = array<i64: 1>, scalar_prefetch = 0 : i64, scratch_operands = 0 : i64, tpu.core_type = #tpu.core_type<tc>, window_params = [{pipeline_mode = #tpu.pipeline_mode<synchronous>, transform_indices = @transform_0, window_bounds = array<i64: 1, 10000>}, {pipeline_mode = #tpu.pipeline_mode<synchronous>, transform_indices = @transform_1, window_bounds = array<i64: 4, 10000>}]} {
    %get3A = arith.constant 0 : index
    %get3A_0 = arith.constant 0 : index
    %get3A_1 = vector.load %arg1[%get3A, %get3A_0] : memref<1x10000xf32, #tpu.memory_space<vmem>>, vector<1x10000xf32>
    %cos3A = math.cos %get3A_1 : vector<1x10000xf32>
    %sin3A = math.sin %get3A_1 : vector<1x10000xf32>
    %neg3A = arith.constant 0.000000e+00 : f32
    %neg3A_2 = vector.broadcast %neg3A : f32 to vector<1x10000xf32>
    %neg3A_3 = arith.subf %neg3A_2, %sin3A : vector<1x10000xf32>
    %concatenate3A = tpu.concatenate %cos3A, %neg3A_3, %sin3A, %cos3A in 0 : vector<1x10000xf32>, vector<1x10000xf32>, vector<1x10000xf32>, vector<1x10000xf32> -> vector<4x10000xf32>
    %swap3A = arith.constant 0 : index
    %swap3A_4 = arith.constant 0 : index
    %swap3A_5 = vector.load %arg2[%swap3A, %swap3A_4] : memref<4x10000xf32, #tpu.memory_space<vmem>>, vector<4x10000xf32>
    tpu.vector_store %arg2[%swap3A, %swap3A_4], %concatenate3A {strides = array<i32>} : memref<4x10000xf32, #tpu.memory_space<vmem>>, vector<4x10000xf32>,
    return
  }
  func.func @transform_0(%arg0: i32) -> (i32, i32) {
    %c0_i32 = arith.constant 0 : i32
    %c0_i32_0 = arith.constant 0 : i32
    %c0_i32_1 = arith.constant 0 : i32
    return %c0_i32, %c0_i32_0 : i32, i32
  }
  func.func @transform_1(%arg0: i32) -> (i32, i32) {
    %c0_i32 = arith.constant 0 : i32
    %c0_i32_0 = arith.constant 0 : i32
    %c0_i32_1 = arith.constant 0 : i32
    return %c0_i32, %c0_i32_0 : i32, i32
  }
}

</mosaic_0001>

<sc_bundles>
// kernel: kernel.12.cloned.1.call-start
scs
__scs_entry_jumppad:
0x0: {  	(pc) =	sbr.rel $0x88, $3  }
0x1: {  	(tag) =	ssettag $0x0;
	lr =	simm.s32 $0x1  }
0x2: {  	[smem:$0x3F97] =	sst lr;
	_ =	strace $0xD0000000  }
0x3: {  	_ = 	snop  }
0x4: {  	_ = 	snop  }
0x5: {  	_ = 	snop  }
0x6: {  	_ = 	snop  }
0x7: {  	_ = 	snop  }
__scs_overlays_trampoline_lowered:
0x8: {  	[smem:$0x3FA6] =	sst s0  }
0x9: {  	[smem:$0x3FA7] =	sst s1  }
0xa: {  	[smem:$0x3FA8] =	sst s2  }
0xb: {  	[smem:$0x3FA9] =	sst s3  }
0xc: {  	[smem:$0x3FAA] =	sst s4  }
0xd: {  	[smem:$0x3FAB] =	sst s5  }
0xe: {  	[smem:$0x3FAC] =	sst s6  }
0xf: {  	[smem:$0x3FAD] =	sst s7  }
0x10: {  	[smem:$0x3FAE] =	sst s8  }
0x11: {  	[smem:$0x3FAF] =	sst s9;
	s0 =	simm.s32 @!p0 $0x0  }
0x12: {  	s1 =	sld [smem:$0x3F95];
	s0 =	simm.s32 @p0 $0x1  }
0x13: {  	[smem:$0x3FB0] =	sst s0;
	s0 =	simm.s32 @!p1 $0x0  }
0x14: {  	s2 =	sld [smem:$0x3F94];
	s0 =	simm.s32 @p1 $0x1  }
0x15: {  	[smem:$0x3FB1] =	sst s0;
	s0 =	simm.s32 @!p2 $0x0  }
0x16: {  	s3 =	sld [smem:$0x3FDB];
	s0 =	simm.s32 @p2 $0x1  }
0x17: {  	s4 =	simm.s32 $0x1BF5;
	[smem:$0x3FB3] =	sst s0  }
0x18: {  	s0 =	sld [smem:$0x3F96];
	_ =	swait.ge [sflag:s4], $0x0  }
0x19: {  	s7 =	sld [smem:$0x3F97]  }
0x1a: {  	s8 =	sadd.s32 $0xFFFFE003, lr  }
0x1b: {  	s9 =	sadd.s32 $0xFFFFFEF7, lr;
	s5 =	simm.s32 $0xFFFFFFFF;
	p2 =	slt.u32 s8, $0xFFFFF086  }
0x1c: {  	p1 =	slt.u32 s9, $0xF7A;
	s5 =	simm.s32 @!p2 $0x0  }
0x1d: {  	s5 =	simm.s32 @p1 $0x1;
	p0 =	seq.s32 s7, s2  }
0x1e: {  	s7 =	smul.u32 @!p0 $0xF7A, s2;
	p2 =	seq.s32 @!p0 s5, $0x0  }
0x1f: {  	s9 =	smul.u32 $0xF7A, s1;
	s8 =	simm.s32 @!p0 $0x1BF5;
	p2 =	por !p2, p0  }
0x20: {  	[sflag:s8] =	ssyncset.s32 @!p0 $0xFFFFF086;
	s6 =	sadd.s32 @!p0 s3, s7;
	s7 =	simm.s32 @!p0 $0x108  }
0x21: {  	s3 =	sadd.s32 s3, s9;
	s6 =	sadd.s32 @!p0 $0x88, s6;
	s7 =	simm.s32 @p2 $0x1082  }
0x22: {  	[simem:s7], [sflag:s8] =	dma.local @!p0 [hbm:s6], $0xF7A  }
0x23: {  	s9 =	sor.u32 $0xD0000000, s2;
	s6 =	simm.s32 $0x108;
	_ =	swait.ge @!p0 [sflag:s8], $0x0  }
0x24: {  	s3 =	sadd.s32 $0x88, s3;
	s6 =	simm.s32 @!p1 $0x1082;
	[sflag:s4] =	ssyncset.s32 $0xFFFFF086  }
0x25: {  	[simem:s6], [sflag:s4] =	dma.local [hbm:s3], $0xF7A  }
0x26: {  	[smem:$0x3F97] =	sst s1;
	(tag) =	ssettag s2;
	_ =	strace s9  }
0x27: {  	s1 =	sld [smem:$0x3FA7]  }
0x28: {  	s2 =	sld [smem:$0x3FA8]  }
0x29: {  	s4 =	sld [smem:$0x3FAA]  }
0x2a: {  	p0 =	seq.s32 s5, $0x0;
	s5 =	sld [smem:$0x3FAB]  }
0x2b: {  	s6 =	sld [smem:$0x3FAC]  }
0x2c: {  	s7 =	sld [smem:$0x3FAD]  }
0x2d: {  	s3 =	simm.s32 $0x108;
	s8 =	sld [smem:$0x3FAE]  }
0x2e: {  	s3 =	simm.s32 @!p0 $0x1082;
	s9 =	sld [smem:$0x3FAF]  }
0x2f: {  	lr =	sadd.s32 s0, s3;
	s0 =	sld [smem:$0x3FA6]  }
0x30: {  	s3 =	sld [smem:$0x3FA9]  }
0x31: {  	[smem:$0x3FB2] =	sst s10  }
0x32: {  	s10 =	sld [smem:$0x3FB0];
	_ =	sdelay $0x3  }
0x33: {  	p0 =	seq.s32 s10, $0x1;
	s10 =	sld [smem:$0x3FB2];
	_ =	sdelay $0x3  }
0x34: {  	[smem:$0x3FB2] =	sst s10  }
0x35: {  	s10 =	sld [smem:$0x3FB1];
	_ =	sdelay $0x3  }
0x36: {  	p1 =	seq.s32 s10, $0x1;
	s10 =	sld [smem:$0x3FB2];
	_ =	sdelay $0x3  }
0x37: {  	[smem:$0x3FB2] =	sst s10  }
0x38: {  	s10 =	sld [smem:$0x3FB3]  }
0x39: {  	_ = 	snop;
	(pc) =	sbr.ind lr, $3  }
0x3a: {  	_ = 	snop  }
0x3b: {  	_ = 	snop  }
0x3c: {  	p2 =	seq.s32 s10, $0x1;
	s10 =	sld [smem:$0x3FB2]  }
0x3d: {  	_ =	shalt  }
0x3e: {  	_ =	shalt  }
0x3f: {  	_ =	shalt  }
0x40: {  	_ =	shalt  }
0x41: {  	_ =	shalt  }
0x42: {  	_ =	shalt  }
0x43: {  	_ =	shalt  }
0x44: {  	_ =	shalt  }
0x45: {  	_ =	shalt  }
0x46: {  	_ =	shalt  }
0x47: {  	_ =	shalt  }
0x48: {  	_ =	shalt  }
0x49: {  	_ =	shalt  }
0x4a: {  	_ =	shalt  }
0x4b: {  	_ =	shalt  }
0x4c: {  	_ =	shalt  }
0x4d: {  	_ =	shalt  }
0x4e: {  	_ =	shalt  }
0x4f: {  	_ =	shalt  }
0x50: {  	_ =	shalt  }
0x51: {  	_ =	shalt  }
0x52: {  	_ =	shalt  }
0x53: {  	_ =	shalt  }
0x54: {  	_ =	shalt  }
0x55: {  	_ =	shalt  }
0x56: {  	_ =	shalt  }
0x57: {  	_ =	shalt  }
0x58: {  	_ =	shalt  }
0x59: {  	_ =	shalt  }
0x5a: {  	_ =	shalt  }
0x5b: {  	_ =	shalt  }
0x5c: {  	_ =	shalt  }
0x5d: {  	_ =	shalt  }
0x5e: {  	_ =	shalt  }
0x5f: {  	_ =	shalt  }
0x60: {  	_ =	shalt  }
0x61: {  	_ =	shalt  }
0x62: {  	_ =	shalt  }
0x63: {  	_ =	shalt  }
0x64: {  	_ =	shalt  }
0x65: {  	_ =	shalt  }
0x66: {  	_ =	shalt  }
0x67: {  	_ =	shalt  }
0x68: {  	_ =	shalt  }
0x69: {  	_ =	shalt  }
0x6a: {  	_ =	shalt  }
0x6b: {  	_ =	shalt  }
0x6c: {  	_ =	shalt  }
0x6d: {  	_ =	shalt  }
0x6e: {  	_ =	shalt  }
0x6f: {  	_ =	shalt  }
0x70: {  	_ =	shalt  }
0x71: {  	_ =	shalt  }
0x72: {  	_ =	shalt  }
0x73: {  	_ =	shalt  }
0x74: {  	_ =	shalt  }
0x75: {  	_ =	shalt  }
0x76: {  	_ =	shalt  }
0x77: {  	_ =	shalt  }
0x78: {  	_ =	shalt  }
0x79: {  	_ =	shalt  }
0x7a: {  	_ =	shalt  }
0x7b: {  	_ =	shalt  }
0x7c: {  	_ =	shalt  }
0x7d: {  	_ =	shalt  }
0x7e: {  	_ =	shalt  }
0x7f: {  	_ =	shalt  }
0x80: {  	_ =	shalt  }
0x81: {  	_ =	shalt  }
0x82: {  	_ =	shalt  }
0x83: {  	_ =	shalt  }
0x84: {  	_ =	shalt  }
0x85: {  	_ =	shalt  }
0x86: {  	_ =	shalt  }
0x87: {  	_ =	shalt  }
.Lfunc_end0:
.L_simem_size_0:
called_computation.1_lowered:
.L_overlay_start_0:
0x88: {  	s2 =	sld [smem:$0x3FD9]  }
0x89: {  	s3 =	sld [smem:$0x3FFE];
	_ =	sdelay $0x1  }
0x8a: {  	s1 =	srdreg.scid  }
0x8b: {  	s0 =	sand.u32 $0x1, s1  }
0x8c: {  	s17 =	sshll.u32 s0, $0xA;
	s2 =	sadd.s32 s3, s2  }
0x8d: {  	s2 =	sadd.s32 s2, s17  }
0x8e: {  	[smem:$0x3FBE] =	sst s2  }
0x8f: {  	_ = 	snop  }
0x90: {  	s2 =	sld [smem:$0x3FD0];
	(tm) =	ssettm $0x1  }
0x91: {  	s18 =	sld [smem:$0x3FFB];
	_ =	sdelay $0x3  }
0x92: {  	_ =	strace s18  }
0x93: {  	s3 =	sld [smem:$0x3FFC];
	_ =	sdelay $0x3  }
0x94: {  	_ =	strace s3  }
0x95: {  	s3 =	sld [smem:$0x3FFD];
	_ =	sdelay $0x3  }
0x96: {  	_ =	strace s3  }
0x97: {  	_ =	strace $0x8FFFFFFF  }
0x98: {  	s19 =	sld [smem:$0x3FDB];
	_ =	sdelay $0x1  }
0x99: {  	s4 =	simm.s32 $_scs_section_size  }
0x9a: {  	s5 =	simm.s32 $_size__tile_overlayer_lowered;
	s6 =	simm.s32 $_tile_overlayer_lowered  }
0x9b: {  	s22 =	simm.s32 $0x1BFF;
	s21 =	sshll.u32 s6, $0x1;
	s3 =	sadd.s32 s4, s19  }
0x9c: {  	s7 =	simm.s32 $0x0;
	s20 =	sshll.u32 s5, $0x1;
	s5 =	sadd.s32 s21, s3  }
0x9d: {  	[timem:s7], [sflag:s22] =	dma.local [hbm:s5], s20  }
0x9e: {  	_ =	swait.ge [sflag:s22], s20  }
0x9f: {  	s4 =	ssub.s32 $0x0, s20;
	[sflag:s22] =	ssyncset.done $0x0  }
0xa0: {  	[sflag:s22] =	ssyncadd.s32 s4;
	_ =	sdelay $0x1  }
0xa1: {  	s23 =	simm.s32 $0x1B8B  }
0xa2: {  	_ =	swait.ge [sflag:s23], $0x1  }
0xa3: {  	[sflag:s23] =	ssyncset.done $0x0  }
0xa4: {  	s25 =	simm.s32 $0x1B8E;
	s24 =	sld [smem:$0x3FFE];
	[sflag:s23] =	ssyncadd.s32 $0xFFFFFFFF  }
0xa5: {  	s26 =	simm.s32 $execute0_lowered;
	[smem:$0x3FD2] =	sst s25  }
0xa6: {  	s5 =	sshll.u32 s26, $0x1;
	_ =	strace $0x80000049;
	[dreg:$0x1] =	wrdreg $0xFFFFFFFF  }
0xa7: {  	s28 =	simm.s32 $_size_execute0_lowered;
	s3 =	sadd.s32 s3, s5;
	[dreg:$0x0] =	wrdreg $0x0  }
0xa8: {  	s5 =	sshll.u32 s28, $0x1;
	[dreg:$0x2] =	wrdreg s3  }
0xa9: {  	[dreg:$0x3] =	wrdreg s5  }
0xaa: {  	[dreg:$0x4] =	wrdreg $0xC0  }
0xab: {  	_ =	task [dreg:s7], $0x5FFFF  }
0xac: {  	[dreg:$0x1] =	wrdreg $0xFFFFFFFF  }
0xad: {  	[dreg:$0x0] =	wrdreg $0x60  }
0xae: {  	[dreg:$0x2] =	wrdreg s24  }
0xaf: {  	[dreg:$0x3] =	wrdreg s2  }
0xb0: {  	[dreg:$0x4] =	wrdreg $0xAF000  }
0xb1: {  	[dreg:$0x5] =	wrdreg $0x9  }
0xb2: {  	_ =	task.clear_ibuf [dreg:s7], $0x6FFFF;
	_ =	strace $0x90000049  }
0xb3: {  	s29 =	simm.s32 $0x9;
	_ =	strace $0x8000004B  }
0xb4: {  	_ =	swait.ge [sflag:s29], $0x1  }
0xb5: {  	[sflag:s29] =	ssyncadd.s32 $0xFFFFFFFF  }
0xb6: {  	_ =	strace $0x9000004B  }
0xb7: {  	_ =	sfence  }
0xb8: {  	s30 =	sld [smem:$0x0];
	_ =	sdelay $0x2  }
0xb9: {  	s31 =	sshll.u32 s1, $0xD;
	s1 =	sshrl.u32 s1, $0x2  }
0xba: {  	s3 =	sand.u32 $0x4000, s31;
	s1 =	sadd.s32 s1, s30  }
0xbb: {  	s0 =	sor.u32 s3, s0;
	s1 =	sshll.u32 s1, $0x11  }
0xbc: {  	s0 =	sor.u32 s1, s0  }
0xbd: {  	s0 =	sadd.s32 $0x8F2B, s0  }
0xbe: {  	[sflag:s0] =	ssyncadd.remote.s32 $0x1  }
0xbf: {  	_ =	sfence.sel $0xFFFF  }
0xc0: {  	[dreg:$0x0] =	wrdreg $0xFFFFFFFF;
	(pc) =	sbr.abs _section_cstart, $3  }
0xc1: {  	[dreg:$0x1] =	wrdreg $0xFFFFFFFF  }
0xc2: {  	_ =	task.clear_ibuf [dreg:s7], $0x2FFFF;
	_ =	strace $0x9FFFFFFF  }
0xc3: {  	(tm) =	ssettm $0x7FFFFFFF  }
tec
execute0_lowered:
.L_overlay_start_1:
0x0: {  	(tag) =	ssettag $0x1  }
0x1: {  	s0 =	srdreg.scid;
	s1 =	rddreg [dreg:$0x0]  }
0x2: {  	s10 =	stileid.u32;
	s3 =	rddreg [dreg:$0x2];
	s9 =	simm.s32 $0x0  }
0x3: {  	s31 =	simm.s32 $0x0;
	s0 =	sand.u32 $0x1, s0;
	s18 =	smin.u32 s10, $0xA  }
0x4: {  	s7 =	smul.u32 $0x4F00, s10;
	[smem:$0x7FF] =	sst s9;
	p0 =	slt.u32 s10, $0xA  }
0x5: {  	s16 =	sshll.u32 s10, $0x6;
	s2 =	sadd.s32 $0x4D, s0;
	s4 =	ssub.s32 $0x0, s0  }
0x6: {  	s11 =	smul.u32 $0x4F000, s0;
	_ =	strace $0x8000004A;
	s0 =	ssub.s32 $0x2, s0  }
0x7: {  	s26 =	sshll.u32 s18, $0x9;
	s17 =	smul.u32 s10, s2;
	s19 =	sand.u32 $0x4DA, s4  }
0x8: {  	s13 =	sshrl.u32 s0, $0x1;
	s15 =	sadd.s32 s7, s3;
	s9 =	sadd.s32 s7, s11  }
0x9: {  	s0 =	ssub.s32 s0, s13;
	[dreg:$0xa] =	wrdreg s15;
	s5 =	sadd.s32 s18, s17  }
0xa: {  	s12 =	sshrl.u32 s9, $0x3;
	s9 =	simm.s32 $0x1;
	s17 =	sshll.u32 s17, $0x9  }
0xb: {  	s8 =	sadd.s32 s19, s5;
	s5 =	sadd.s32 $0x15800, s1;
	s19 =	sshll.u32 s19, $0x9  }
0xc: {  	s9 =	simm.s32 @!p0 $0x0;
	s20 =	smin.u32 s8, $0x975;
	s25 =	sadd.s32 s19, s17  }
0xd: {  	s19 =	smax.u32 s0, $0x1;
	s6 =	sshll.u32 s20, $0x4;
	s14 =	ssub.s32 s8, s20  }
0xe: {  	s8 =	sor.u32 $0x1C07, s16;
	s29 =	sshll.u32 s20, $0x9;
	s11 =	sadd.s32 s6, s1  }
0xf: {  	s1 =	sadd.s32 s12, s1;
	s6 =	sadd.s32 s9, s2;
	s2 =	sshll.u32 s14, $0x9  }
0x10: {  	s9 =	sadd.s32 $0x1C00, s11;
	s10 =	sshra.s32 s2, $0x2;
	s11 =	sadd.s32 $0xBA00, s11  }
0x11: {  	s21 =	sadd.s32 $0xFFFFFFFA, s6;
	s22 =	sadd.s32 $0xFFFFFFF9, s6;
	s23 =	sadd.s32 $0xFFFFFFF8, s6  }
0x12: {  	s24 =	sadd.s32 $0xFFFFFFF7, s6;
	s28 =	sadd.s32 $0xFFFFFFF6, s6;
	[dreg:$0x4] =	wrdreg s21  }
0x13: {  	s2 =	sadd.s32 s26, s25;
	s30 =	sadd.s32 $0xFFFFFFF5, s6;
	[dreg:$0x5] =	wrdreg s22  }
0x14: {  	s17 =	sadd.s32 $0x1F600, s1;
	s12 =	sadd.s32 $0x80, s10;
	[dreg:$0x6] =	wrdreg s23  }
0x15: {  	s13 =	sadd.s32 $0x100, s10;
	s14 =	sadd.s32 $0x180, s10;
	[dreg:$0x7] =	wrdreg s24  }
0x16: {  	s15 =	sadd.s32 $0x200, s10;
	[dreg:$0x8] =	wrdreg s28;
	s2 =	ssub.s32 s2, s29  }
0x17: {  	s16 =	sadd.s32 $0x280, s10;
	[dreg:$0x9] =	wrdreg s30;
	s18 =	sshra.s32 s2, $0x2  }
0x18: {  	s21 =	simm.s32 $0x7;
	s23 =	simm.s32 $0x80;
	s20 =	sadd.s32 $0x2780, s18  }
.LBB2_1:
0x19: {  	s0 =	rddreg [dreg:$0xa]  }
0x1a: {  	s7 =	rddreg [dreg:$0x1];
	s1 =	sshrl.u32 s0, $0x3  }
0x1b: {  	[spmem:s1], [sflag:s8] =	dma.local [hbm:s7], $0x9E0  }
0x1c: {  	_ =	swait.ge [sflag:s21], $0x9E0  }
0x1d: {  	[sflag:s21] =	ssyncset.done $0x0  }
0x1e: {  	s22 =	simm.s32 $0x0;
	[sflag:s21] =	ssyncadd.s32 $0xFFFFF620  }
0x1f: {  	[tilespmem:s22], [sflag:$0x7] =	stream.linear.gather [hbm4b:s9+s22], $0x2780, $0x38;
	[tilespmem:$0xFE00] =	vst v63  }
0x20: {  	_ =	swait.ge [sflag:s21], $0x2780  }
0x21: {  	[sflag:s21] =	ssyncset.done $0x0  }
0x22: {  	s2 =	simm.s32 $0x2780;
	[sflag:s21] =	ssyncadd.s32 $0xFFFFD880  }
0x23: {  	[tilespmem:s2], [sflag:$0x7] =	stream.linear.gather [hbm4b:s11+s22], $0x2780, $0x38;
	[tilespmem:$0xFE00] =	vst v63  }
0x24: {  	_ =	swait.ge [sflag:s21], $0x2780  }
0x25: {  	[sflag:s21] =	ssyncset.done $0x0  }
0x26: {  	[sflag:s21] =	ssyncadd.s32 $0xFFFFD880  }
0x27: {  	s24 =	simm.s32 $0x4F00;
	[bflag:$0x0] =	sbarrier.arrive $0xFFFF  }
0x28: {  	[tilespmem:s24], [sflag:$0x1] =	stream.indirect.gather [hbm4b:s5+s23], $0x20, s10, s23, $0xb8;
	[tilespmem:$0xFE00] =	vst v63  }
0x29: {  	s25 =	simm.s32 $0x5F00  }
0x2a: {  	[tilespmem:s25], [sflag:$0x2] =	stream.indirect.gather [hbm4b:s5+s23], $0x20, s12, s23, $0xb8;
	[tilespmem:$0xFE00] =	vst v63  }
0x2b: {  	s26 =	simm.s32 $0x6F00  }
0x2c: {  	[tilespmem:s26], [sflag:$0x3] =	stream.indirect.gather [hbm4b:s5+s23], $0x20, s13, s23, $0xb8;
	[tilespmem:$0xFE00] =	vst v63  }
0x2d: {  	s28 =	simm.s32 $0x7F00;
	p0 =	sle.u32 s6, $0x0  }
0x2e: {  	[tilespmem:s28], [sflag:$0x4] =	stream.indirect.gather [hbm4b:s5+s23], $0x20, s14, s23, $0xb8;
	[tilespmem:$0xFE00] =	vst v63  }
0x2f: {  	s29 =	simm.s32 $0x8F00;
	p1 =	por p0, p0  }
0x30: {  	[tilespmem:s29], [sflag:$0x5] =	stream.indirect.gather [hbm4b:s5+s23], $0x20, s15, s23, $0xb8;
	[tilespmem:$0xFE00] =	vst v63  }
0x31: {  	s30 =	simm.s32 $0x9F00;
	s0 =	simm.s32 @!p1 $0x1  }
0x32: {  	[tilespmem:s30], [sflag:$0x6] =	stream.indirect.gather [hbm4b:s5+s23], $0x20, s16, s23, $0xb8;
	[tilespmem:$0xFE00] =	vst v63  }
0x33: {  	_ =	swait.ge @!p1 [sflag:s0], $0x1000  }
0x34: {  	s2 =	sadd.s32 @!p0 $0x0, s20;
	s22 =	simm.s32 @!p1 $0x80;
	[sflag:s0] =	ssyncset.done @!p1 $0x0  }
0x35: {  	s24 =	simm.s32 @!p1 $0x4F00;
	[sflag:s0] =	ssyncadd.s32 @!p1 $0xFFFFF000;
	s0 =	simm.s32 @!p1 $0x7  }
0x36: {  	[spmem:s3] =	stream.indirect.scatter.add.f32 @!p1 [tilespmem:s24], [sflag:$0x7], $0x20, s2, s22, $0xb8;
	[tilespmem:$0xFE00] =	vst v63  }
0x37: {  	_ =	swait.ge @!p1 [sflag:s0], $0x1000  }
0x38: {  	s2 =	rddreg [dreg:$0x4]  }
0x39: {  	[sflag:s0] =	ssyncset.done @!p1 $0x0;
	p0 =	sle.u32 @!p1 s2, $0x0  }
0x3a: {  	[sflag:s0] =	ssyncadd.s32 @!p1 $0xFFFFF000;
	p2 =	por p0, p1  }
0x3b: {  	p0 =	sle.u32 s6, $0x1;
	s2 =	simm.s32 @!p2 $0x80;
	s24 =	sadd.s32 @!p2 $0x0, s18  }
0x3c: {  	s22 =	simm.s32 @!p0 $0x2;
	s0 =	sadd.s32 @!p2 $0x300, s24;
	s24 =	simm.s32 @!p2 $0x4F00  }
0x3d: {  	[tilespmem:s24], [sflag:$0x1] =	stream.indirect.gather @!p2 [hbm4b:s5+s2], $0x20, s0, s2, $0xb8;
	[tilespmem:$0xFE00] =	vst v63  }
0x3e: {  	s0 =	sadd.s32 @!p0 $0x0, s20;
	_ =	swait.ge @!p0 [sflag:s22], $0x1000  }
0x3f: {  	s2 =	simm.s32 @!p0 $0x80;
	s24 =	simm.s32 @!p0 $0x7;
	[sflag:s22] =	ssyncset.done @!p0 $0x0  }
0x40: {  	s0 =	sadd.s32 @!p0 $0x80, s0;
	[sflag:s22] =	ssyncadd.s32 @!p0 $0xFFFFF000;
	s22 =	simm.s32 @!p0 $0x5F00  }
0x41: {  	[spmem:s3] =	stream.indirect.scatter.add.f32 @!p0 [tilespmem:s22], [sflag:$0x7], $0x20, s0, s2, $0xb8;
	[tilespmem:$0xFE00] =	vst v63  }
0x42: {  	_ =	swait.ge @!p0 [sflag:s24], $0x1000  }
0x43: {  	s0 =	rddreg [dreg:$0x5]  }
0x44: {  	[sflag:s24] =	ssyncset.done @!p0 $0x0;
	p1 =	sle.u32 @!p0 s0, $0x0  }
0x45: {  	[sflag:s24] =	ssyncadd.s32 @!p0 $0xFFFFF000;
	p1 =	por p1, p0  }
0x46: {  	p0 =	sle.u32 s6, $0x2;
	s0 =	simm.s32 @!p1 $0x5F00;
	s2 =	sadd.s32 @!p1 $0x0, s18  }
0x47: {  	s22 =	simm.s32 @!p0 $0x3;
	s24 =	simm.s32 @!p1 $0x80;
	s2 =	sadd.s32 @!p1 $0x380, s2  }
0x48: {  	[tilespmem:s0], [sflag:$0x2] =	stream.indirect.gather @!p1 [hbm4b:s5+s24], $0x20, s2, s24, $0xb8;
	[tilespmem:$0xFE00] =	vst v63  }
0x49: {  	s0 =	sadd.s32 @!p0 $0x0, s20;
	_ =	swait.ge @!p0 [sflag:s22], $0x1000  }
0x4a: {  	s2 =	simm.s32 @!p0 $0x80;
	s24 =	simm.s32 @!p0 $0x7;
	[sflag:s22] =	ssyncset.done @!p0 $0x0  }
0x4b: {  	s0 =	sadd.s32 @!p0 $0x100, s0;
	[sflag:s22] =	ssyncadd.s32 @!p0 $0xFFFFF000;
	s22 =	simm.s32 @!p0 $0x6F00  }
0x4c: {  	[spmem:s3] =	stream.indirect.scatter.add.f32 @!p0 [tilespmem:s22], [sflag:$0x7], $0x20, s0, s2, $0xb8;
	[tilespmem:$0xFE00] =	vst v63  }
0x4d: {  	_ =	swait.ge @!p0 [sflag:s24], $0x1000  }
0x4e: {  	s0 =	rddreg [dreg:$0x6]  }
0x4f: {  	[sflag:s24] =	ssyncset.done @!p0 $0x0;
	p1 =	sle.u32 @!p0 s0, $0x0  }
0x50: {  	[sflag:s24] =	ssyncadd.s32 @!p0 $0xFFFFF000;
	p1 =	por p1, p0  }
0x51: {  	p0 =	sle.u32 s6, $0x3;
	s0 =	simm.s32 @!p1 $0x6F00;
	s2 =	sadd.s32 @!p1 $0x0, s18  }
0x52: {  	s22 =	simm.s32 @!p1 $0x80;
	s24 =	simm.s32 @!p0 $0x4;
	s2 =	sadd.s32 @!p1 $0x400, s2  }
0x53: {  	[tilespmem:s0], [sflag:$0x3] =	stream.indirect.gather @!p1 [hbm4b:s5+s22], $0x20, s2, s22, $0xb8;
	[tilespmem:$0xFE00] =	vst v63  }
0x54: {  	s0 =	sadd.s32 @!p0 $0x0, s20;
	_ =	swait.ge @!p0 [sflag:s24], $0x1000  }
0x55: {  	s2 =	simm.s32 @!p0 $0x7;
	s22 =	simm.s32 @!p0 $0x80;
	[sflag:s24] =	ssyncset.done @!p0 $0x0  }
0x56: {  	s0 =	sadd.s32 @!p0 $0x180, s0;
	[sflag:s24] =	ssyncadd.s32 @!p0 $0xFFFFF000;
	s24 =	simm.s32 @!p0 $0x7F00  }
0x57: {  	[spmem:s3] =	stream.indirect.scatter.add.f32 @!p0 [tilespmem:s24], [sflag:$0x7], $0x20, s0, s22, $0xb8;
	[tilespmem:$0xFE00] =	vst v63  }
0x58: {  	_ =	swait.ge @!p0 [sflag:s2], $0x1000  }
0x59: {  	s0 =	rddreg [dreg:$0x7]  }
0x5a: {  	p1 =	sle.u32 @!p0 s0, $0x0  }
0x5b: {  	[sflag:s2] =	ssyncset.done @!p0 $0x0;
	p1 =	por p1, p0  }
0x5c: {  	[sflag:s2] =	ssyncadd.s32 @!p0 $0xFFFFF000;
	p0 =	sle.u32 s6, $0x4;
	s0 =	sadd.s32 @!p1 $0x0, s18  }
0x5d: {  	s2 =	simm.s32 @!p1 $0x7F00;
	s22 =	simm.s32 @!p1 $0x80;
	s0 =	sadd.s32 @!p1 $0x480, s0  }
0x5e: {  	[tilespmem:s2], [sflag:$0x4] =	stream.indirect.gather @!p1 [hbm4b:s5+s22], $0x20, s0, s22, $0xb8;
	[tilespmem:$0xFE00] =	vst v63  }
0x5f: {  	s0 =	simm.s32 @!p0 $0x5  }
0x60: {  	s24 =	simm.s32 @!p0 $0x80;
	_ =	swait.ge @!p0 [sflag:s0], $0x1000  }
0x61: {  	s2 =	sadd.s32 @!p0 $0x0, s20;
	s22 =	simm.s32 @!p0 $0x8F00;
	[sflag:s0] =	ssyncset.done @!p0 $0x0  }
0x62: {  	s2 =	sadd.s32 @!p0 $0x200, s2;
	[sflag:s0] =	ssyncadd.s32 @!p0 $0xFFFFF000;
	s0 =	simm.s32 @!p0 $0x7  }
0x63: {  	[spmem:s3] =	stream.indirect.scatter.add.f32 @!p0 [tilespmem:s22], [sflag:$0x7], $0x20, s2, s24, $0xb8;
	[tilespmem:$0xFE00] =	vst v63  }
0x64: {  	_ =	swait.ge @!p0 [sflag:s0], $0x1000  }
0x65: {  	s2 =	rddreg [dreg:$0x8]  }
0x66: {  	[sflag:s0] =	ssyncset.done @!p0 $0x0;
	p1 =	sle.u32 @!p0 s2, $0x0  }
0x67: {  	[sflag:s0] =	ssyncadd.s32 @!p0 $0xFFFFF000;
	p0 =	por p1, p0;
	p1 =	sle.u32 s6, $0x5  }
0x68: {  	s0 =	simm.s32 @!p0 $0x8F00;
	s2 =	sadd.s32 @!p0 $0x0, s18;
	s22 =	simm.s32 @!p0 $0x80  }
0x69: {  	s24 =	simm.s32 @!p1 $0x6;
	s25 =	simm.s32 @!p1 $0x7;
	s2 =	sadd.s32 @!p0 $0x500, s2  }
0x6a: {  	[tilespmem:s0], [sflag:$0x5] =	stream.indirect.gather @!p0 [hbm4b:s5+s22], $0x20, s2, s22, $0xb8;
	[tilespmem:$0xFE00] =	vst v63  }
0x6b: {  	s0 =	sadd.s32 @!p1 $0x0, s20;
	s2 =	simm.s32 @!p1 $0x9F00;
	_ =	swait.ge @!p1 [sflag:s24], $0x1000  }
0x6c: {  	s22 =	simm.s32 @!p1 $0x80;
	p0 =	sle.u32 s6, $0x6;
	[sflag:s24] =	ssyncset.done @!p1 $0x0  }
0x6d: {  	s0 =	sadd.s32 @!p1 $0x280, s0;
	[sflag:s24] =	ssyncadd.s32 @!p1 $0xFFFFF000;
	s24 =	simm.s32 $0x1800  }
0x6e: {  	[spmem:s3] =	stream.indirect.scatter.add.f32 @!p1 [tilespmem:s2], [sflag:$0x7], $0x20, s0, s22, $0xb8;
	[tilespmem:$0xFE00] =	vst v63  }
0x6f: {  	s0 =	simm.s32 $0xC00;
	s2 =	simm.s32 $0x6;
	_ =	swait.ge @!p1 [sflag:s25], $0x1000  }
0x70: {  	s22 =	sadd.s32 @!p0 $0x300, s20;
	s26 =	rddreg [dreg:$0x9];
	[sflag:s25] =	ssyncset.done @!p1 $0x0  }
0x71: {  	p0 =	por p0, p0;
	[sflag:s25] =	ssyncadd.s32 @!p1 $0xFFFFF000;
	p2 =	sle.u32 @!p1 s26, $0x0  }
0x72: {  	s25 =	simm.s32 $0xC;
	s26 =	simm.s32 $0x0;
	p3 =	por p2, p1  }
.LBB2_2:
0x73: {  	s29 =	sshra.s32 @!p3 s26, $0x2  }
0x74: {  	s28 =	simm.s32 @!p0 $0x1;
	s29 =	sadd.s32 @!p3 s29, s18  }
0x75: {  	s4 =	simm.s32 @!p3 $0x80;
	s7 =	simm.s32 @!p3 $0x9F00;
	s29 =	sadd.s32 @!p3 $0x580, s29  }
0x76: {  	[tilespmem:s7], [sflag:$0x6] =	stream.indirect.gather @!p3 [hbm4b:s5+s4], $0x20, s29, s4, $0xb8;
	[tilespmem:$0xFE00] =	vst v63  }
0x77: {  	_ =	swait.ge @!p0 [sflag:s28], $0x1000  }
0x78: {  	p2 =	sge.u32 s25, s6;
	s4 =	simm.s32 @!p0 $0x80;
	[sflag:s28] =	ssyncset.done @!p0 $0x0  }
0x79: {  	s7 =	simm.s32 @!p0 $0x4F00;
	[sflag:s28] =	ssyncadd.s32 @!p0 $0xFFFFF000;
	s28 =	simm.s32 @!p0 $0x7  }
0x7a: {  	[spmem:s3] =	stream.indirect.scatter.add.f32 @!p0 [tilespmem:s7], [sflag:$0x7], $0x20, s22, s4, $0xb8;
	[tilespmem:$0xFE00] =	vst v63  }
0x7b: {  	s30 =	sshra.s32 @!p2 s24, $0x2;
	_ =	swait.ge @!p0 [sflag:s28], $0x1000  }
0x7c: {  	s30 =	sadd.s32 @!p2 s30, s20;
	s4 =	rddreg [dreg:$0x4]  }
0x7d: {  	s26 =	smov.u32 s0;
	s22 =	smov.u32 s30;
	p3 =	sge.u32 @!p0 s2, s4  }
0x7e: {  	s7 =	sadd.s32 $0x1, s2;
	[sflag:s28] =	ssyncset.done @!p0 $0x0;
	p4 =	por p3, p0  }
0x7f: {  	[sflag:s28] =	ssyncadd.s32 @!p0 $0xFFFFF000;
	p3 =	sge.u32 s7, s6;
	s4 =	sshra.s32 @!p4 s26, $0x2  }
0x80: {  	s7 =	simm.s32 @!p4 $0x80;
	s29 =	simm.s32 @!p3 $0x2;
	s4 =	sadd.s32 @!p4 s4, s18  }
0x81: {  	s28 =	sshra.s32 @!p3 s26, $0x2;
	s30 =	simm.s32 @!p4 $0x4F00;
	s4 =	sadd.s32 @!p4 $0x300, s4  }
0x82: {  	[tilespmem:s30], [sflag:$0x1] =	stream.indirect.gather @!p4 [hbm4b:s5+s7], $0x20, s4, s7, $0xb8;
	[tilespmem:$0xFE00] =	vst v63  }
0x83: {  	s28 =	sadd.s32 @!p3 s28, s20;
	_ =	swait.ge @!p3 [sflag:s29], $0x1000  }
0x84: {  	s4 =	sadd.s32 @!p3 $0x80, s28;
	s7 =	simm.s32 @!p3 $0x80;
	[sflag:s29] =	ssyncset.done @!p3 $0x0  }
0x85: {  	s28 =	simm.s32 @!p3 $0x7;
	[sflag:s29] =	ssyncadd.s32 @!p3 $0xFFFFF000;
	s29 =	simm.s32 @!p3 $0x5F00  }
0x86: {  	[spmem:s3] =	stream.indirect.scatter.add.f32 @!p3 [tilespmem:s29], [sflag:$0x7], $0x20, s4, s7, $0xb8;
	[tilespmem:$0xFE00] =	vst v63  }
0x87: {  	_ =	swait.ge @!p3 [sflag:s28], $0x1000  }
0x88: {  	s4 =	rddreg [dreg:$0x5]  }
0x89: {  	p0 =	por p2, p2;
	[sflag:s28] =	ssyncset.done @!p3 $0x0;
	p2 =	sge.u32 @!p3 s2, s4  }
0x8a: {  	s29 =	sadd.s32 $0x2, s2;
	[sflag:s28] =	ssyncadd.s32 @!p3 $0xFFFFF000;
	p3 =	por p2, p3  }
0x8b: {  	p2 =	sge.u32 s29, s6;
	s7 =	sshra.s32 @!p3 s26, $0x2  }
0x8c: {  	s28 =	simm.s32 @!p3 $0x5F00;
	s29 =	sshra.s32 @!p2 s26, $0x2;
	s4 =	sadd.s32 @!p3 s7, s18  }
0x8d: {  	s30 =	simm.s32 @!p3 $0x80;
	s7 =	simm.s32 @!p2 $0x3;
	s4 =	sadd.s32 @!p3 $0x380, s4  }
0x8e: {  	[tilespmem:s28], [sflag:$0x2] =	stream.indirect.gather @!p3 [hbm4b:s5+s30], $0x20, s4, s30, $0xb8;
	[tilespmem:$0xFE00] =	vst v63  }
0x8f: {  	s29 =	sadd.s32 @!p2 s29, s20;
	_ =	swait.ge @!p2 [sflag:s7], $0x1000  }
0x90: {  	s4 =	sadd.s32 @!p2 $0x100, s29;
	s28 =	simm.s32 @!p2 $0x80;
	[sflag:s7] =	ssyncset.done @!p2 $0x0  }
0x91: {  	s29 =	simm.s32 @!p2 $0x7;
	[sflag:s7] =	ssyncadd.s32 @!p2 $0xFFFFF000;
	s7 =	simm.s32 @!p2 $0x6F00  }
0x92: {  	[spmem:s3] =	stream.indirect.scatter.add.f32 @!p2 [tilespmem:s7], [sflag:$0x7], $0x20, s4, s28, $0xb8;
	[tilespmem:$0xFE00] =	vst v63  }
0x93: {  	_ =	swait.ge @!p2 [sflag:s29], $0x1000  }
0x94: {  	s4 =	rddreg [dreg:$0x6]  }
0x95: {  	p3 =	sge.u32 @!p2 s2, s4  }
0x96: {  	s30 =	sadd.s32 $0x3, s2;
	[sflag:s29] =	ssyncset.done @!p2 $0x0;
	p3 =	por p3, p2  }
0x97: {  	[sflag:s29] =	ssyncadd.s32 @!p2 $0xFFFFF000;
	p2 =	sge.u32 s30, s6;
	s7 =	sshra.s32 @!p3 s26, $0x2  }
0x98: {  	s28 =	simm.s32 @!p3 $0x6F00;
	s29 =	simm.s32 @!p3 $0x80;
	s7 =	sadd.s32 @!p3 s7, s18  }
0x99: {  	s30 =	sshra.s32 @!p2 s26, $0x2;
	s4 =	sadd.s32 @!p3 $0x400, s7;
	s7 =	simm.s32 @!p2 $0x4  }
0x9a: {  	[tilespmem:s28], [sflag:$0x3] =	stream.indirect.gather @!p3 [hbm4b:s5+s29], $0x20, s4, s29, $0xb8;
	[tilespmem:$0xFE00] =	vst v63  }
0x9b: {  	s4 =	sadd.s32 @!p2 s30, s20;
	_ =	swait.ge @!p2 [sflag:s7], $0x1000  }
0x9c: {  	s28 =	simm.s32 @!p2 $0x7;
	s29 =	simm.s32 @!p2 $0x7F00;
	[sflag:s7] =	ssyncset.done @!p2 $0x0  }
0x9d: {  	s4 =	sadd.s32 @!p2 $0x180, s4;
	[sflag:s7] =	ssyncadd.s32 @!p2 $0xFFFFF000;
	s7 =	simm.s32 @!p2 $0x80  }
0x9e: {  	[spmem:s3] =	stream.indirect.scatter.add.f32 @!p2 [tilespmem:s29], [sflag:$0x7], $0x20, s4, s7, $0xb8;
	[tilespmem:$0xFE00] =	vst v63  }
0x9f: {  	_ =	swait.ge @!p2 [sflag:s28], $0x1000  }
0xa0: {  	s4 =	rddreg [dreg:$0x7]  }
0xa1: {  	p3 =	sge.u32 @!p2 s2, s4  }
0xa2: {  	p3 =	por p3, p2  }
0xa3: {  	s30 =	sadd.s32 $0x4, s2;
	[sflag:s28] =	ssyncset.done @!p2 $0x0;
	s4 =	sshra.s32 @!p3 s26, $0x2  }
0xa4: {  	[sflag:s28] =	ssyncadd.s32 @!p2 $0xFFFFF000;
	p2 =	sge.u32 s30, s6;
	s4 =	sadd.s32 @!p3 s4, s18  }
0xa5: {  	s7 =	simm.s32 @!p3 $0x7F00;
	s29 =	simm.s32 @!p3 $0x80;
	s4 =	sadd.s32 @!p3 $0x480, s4  }
0xa6: {  	[tilespmem:s7], [sflag:$0x4] =	stream.indirect.gather @!p3 [hbm4b:s5+s29], $0x20, s4, s29, $0xb8;
	[tilespmem:$0xFE00] =	vst v63  }
0xa7: {  	s4 =	simm.s32 @!p2 $0x5  }
0xa8: {  	s28 =	simm.s32 @!p2 $0x8F00;
	s7 =	sshra.s32 @!p2 s26, $0x2;
	_ =	swait.ge @!p2 [sflag:s4], $0x1000  }
0xa9: {  	s29 =	simm.s32 @!p2 $0x80;
	s7 =	sadd.s32 @!p2 s7, s20;
	[sflag:s4] =	ssyncset.done @!p2 $0x0  }
0xaa: {  	s7 =	sadd.s32 @!p2 $0x200, s7;
	[sflag:s4] =	ssyncadd.s32 @!p2 $0xFFFFF000;
	s4 =	simm.s32 @!p2 $0x7  }
0xab: {  	[spmem:s3] =	stream.indirect.scatter.add.f32 @!p2 [tilespmem:s28], [sflag:$0x7], $0x20, s7, s29, $0xb8;
	[tilespmem:$0xFE00] =	vst v63  }
0xac: {  	_ =	swait.ge @!p2 [sflag:s4], $0x1000  }
0xad: {  	s7 =	rddreg [dreg:$0x8]  }
0xae: {  	s0 =	smov.u32 s24;
	p3 =	sge.u32 @!p2 s2, s7  }
0xaf: {  	s24 =	sadd.s32 $0xC00, s24;
	[sflag:s4] =	ssyncset.done @!p2 $0x0;
	p3 =	por p3, p2  }
0xb0: {  	s30 =	sadd.s32 $0x5, s2;
	[sflag:s4] =	ssyncadd.s32 @!p2 $0xFFFFF000;
	s4 =	sshra.s32 @!p3 s26, $0x2  }
0xb1: {  	p2 =	sge.u32 s30, s6;
	s7 =	simm.s32 @!p3 $0x8F00;
	s4 =	sadd.s32 @!p3 s4, s18  }
0xb2: {  	s29 =	simm.s32 @!p3 $0x80;
	s28 =	simm.s32 @!p2 $0x6;
	s4 =	sadd.s32 @!p3 $0x500, s4  }
0xb3: {  	[tilespmem:s7], [sflag:$0x5] =	stream.indirect.gather @!p3 [hbm4b:s5+s29], $0x20, s4, s29, $0xb8;
	[tilespmem:$0xFE00] =	vst v63  }
0xb4: {  	p1 =	sne.s32 s24, $0xA800;
	s30 =	sshra.s32 @!p2 s26, $0x2;
	_ =	swait.ge @!p2 [sflag:s28], $0x1000  }
0xb5: {  	s4 =	sadd.s32 @!p2 s30, s20;
	s7 =	simm.s32 @!p2 $0x9F00;
	[sflag:s28] =	ssyncset.done @!p2 $0x0  }
0xb6: {  	s29 =	simm.s32 @!p2 $0x80;
	s4 =	sadd.s32 @!p2 $0x280, s4;
	[sflag:s28] =	ssyncadd.s32 @!p2 $0xFFFFF000  }
0xb7: {  	[spmem:s3] =	stream.indirect.scatter.add.f32 @!p2 [tilespmem:s7], [sflag:$0x7], $0x20, s4, s29, $0xb8;
	[tilespmem:$0xFE00] =	vst v63  }
.Ltmp0:
0xb8: {  	s28 =	simm.s32 @!p2 $0x7;
	(pc) =	sbr.rel @p1 .LBB2_2-.Ltmp0, $4  }
0xb9: {  	_ =	swait.ge @!p2 [sflag:s28], $0x1000  }
0xba: {  	[sflag:s28] =	ssyncset.done @!p2 $0x0;
	s4 =	rddreg [dreg:$0x9]  }
0xbb: {  	[sflag:s28] =	ssyncadd.s32 @!p2 $0xFFFFF000;
	p3 =	sge.u32 @!p2 s2, s4  }
0xbc: {  	s2 =	smov.u32 s25;
	s25 =	sadd.s32 $0x6, s25;
	p3 =	por p3, p2  }
0xbd: {  	s4 =	sshra.s32 @!p3 s26, $0x2  }
0xbe: {  	s7 =	simm.s32 @!p0 $0x1;
	s4 =	sadd.s32 @!p3 s4, s18  }
0xbf: {  	s24 =	simm.s32 @!p3 $0x80;
	s25 =	simm.s32 @!p3 $0x9F00;
	s4 =	sadd.s32 @!p3 $0x580, s4  }
0xc0: {  	[tilespmem:s25], [sflag:$0x6] =	stream.indirect.gather @!p3 [hbm4b:s5+s24], $0x20, s4, s24, $0xb8;
	[tilespmem:$0xFE00] =	vst v63  }
0xc1: {  	_ =	swait.ge @!p0 [sflag:s7], $0x1000  }
0xc2: {  	s4 =	simm.s32 @!p0 $0x80;
	[sflag:s7] =	ssyncset.done @!p0 $0x0  }
0xc3: {  	s24 =	simm.s32 @!p0 $0x4F00;
	[sflag:s7] =	ssyncadd.s32 @!p0 $0xFFFFF000;
	s7 =	simm.s32 @!p0 $0x7  }
0xc4: {  	[spmem:s3] =	stream.indirect.scatter.add.f32 @!p0 [tilespmem:s24], [sflag:$0x7], $0x20, s22, s4, $0xb8;
	[tilespmem:$0xFE00] =	vst v63  }
0xc5: {  	_ =	swait.ge @!p0 [sflag:s7], $0x1000  }
0xc6: {  	s4 =	rddreg [dreg:$0x4]  }
0xc7: {  	p1 =	sge.u32 @!p0 s2, s4  }
0xc8: {  	s25 =	sadd.s32 $0x1, s2;
	[sflag:s7] =	ssyncset.done @!p0 $0x0;
	p2 =	por p1, p0  }
0xc9: {  	[sflag:s7] =	ssyncadd.s32 @!p0 $0xFFFFF000;
	p1 =	sge.u32 s25, s6;
	s4 =	sshra.s32 @!p2 s0, $0x2  }
0xca: {  	s22 =	simm.s32 @!p2 $0x80;
	s24 =	simm.s32 @!p1 $0x2;
	s4 =	sadd.s32 @!p2 s4, s18  }
0xcb: {  	s7 =	sshra.s32 @!p1 s0, $0x2;
	s25 =	simm.s32 @!p2 $0x4F00;
	s4 =	sadd.s32 @!p2 $0x300, s4  }
0xcc: {  	[tilespmem:s25], [sflag:$0x1] =	stream.indirect.gather @!p2 [hbm4b:s5+s22], $0x20, s4, s22, $0xb8;
	[tilespmem:$0xFE00] =	vst v63  }
0xcd: {  	s4 =	sadd.s32 @!p1 s7, s20;
	_ =	swait.ge @!p1 [sflag:s24], $0x1000  }
0xce: {  	s7 =	simm.s32 @!p1 $0x80;
	s22 =	simm.s32 @!p1 $0x7;
	[sflag:s24] =	ssyncset.done @!p1 $0x0  }
0xcf: {  	s4 =	sadd.s32 @!p1 $0x80, s4;
	[sflag:s24] =	ssyncadd.s32 @!p1 $0xFFFFF000;
	s24 =	simm.s32 @!p1 $0x5F00  }
0xd0: {  	[spmem:s3] =	stream.indirect.scatter.add.f32 @!p1 [tilespmem:s24], [sflag:$0x7], $0x20, s4, s7, $0xb8;
	[tilespmem:$0xFE00] =	vst v63  }
0xd1: {  	_ =	swait.ge @!p1 [sflag:s22], $0x1000  }
0xd2: {  	s4 =	rddreg [dreg:$0x5]  }
0xd3: {  	p0 =	sge.u32 @!p1 s2, s4  }
0xd4: {  	s26 =	sadd.s32 $0x2, s2;
	[sflag:s22] =	ssyncset.done @!p1 $0x0;
	p2 =	por p0, p1  }
0xd5: {  	[sflag:s22] =	ssyncadd.s32 @!p1 $0xFFFFF000;
	p0 =	sge.u32 s26, s6;
	s7 =	sshra.s32 @!p2 s0, $0x2  }
0xd6: {  	s4 =	simm.s32 @!p2 $0x5F00;
	s22 =	simm.s32 @!p0 $0x3;
	s7 =	sadd.s32 @!p2 s7, s18  }
0xd7: {  	s24 =	sshra.s32 @!p0 s0, $0x2;
	s25 =	simm.s32 @!p2 $0x80;
	s7 =	sadd.s32 @!p2 $0x380, s7  }
0xd8: {  	[tilespmem:s4], [sflag:$0x2] =	stream.indirect.gather @!p2 [hbm4b:s5+s25], $0x20, s7, s25, $0xb8;
	[tilespmem:$0xFE00] =	vst v63  }
0xd9: {  	s4 =	sadd.s32 @!p0 s24, s20;
	_ =	swait.ge @!p0 [sflag:s22], $0x1000  }
0xda: {  	s7 =	simm.s32 @!p0 $0x80;
	s24 =	simm.s32 @!p0 $0x7;
	[sflag:s22] =	ssyncset.done @!p0 $0x0  }
0xdb: {  	s4 =	sadd.s32 @!p0 $0x100, s4;
	[sflag:s22] =	ssyncadd.s32 @!p0 $0xFFFFF000;
	s22 =	simm.s32 @!p0 $0x6F00  }
0xdc: {  	[spmem:s3] =	stream.indirect.scatter.add.f32 @!p0 [tilespmem:s22], [sflag:$0x7], $0x20, s4, s7, $0xb8;
	[tilespmem:$0xFE00] =	vst v63  }
0xdd: {  	_ =	swait.ge @!p0 [sflag:s24], $0x1000  }
0xde: {  	s4 =	rddreg [dreg:$0x6]  }
0xdf: {  	p1 =	sge.u32 @!p0 s2, s4  }
0xe0: {  	s28 =	sadd.s32 $0x3, s2;
	[sflag:s24] =	ssyncset.done @!p0 $0x0;
	p1 =	por p1, p0  }
0xe1: {  	[sflag:s24] =	ssyncadd.s32 @!p0 $0xFFFFF000;
	p0 =	sge.u32 s28, s6;
	s7 =	sshra.s32 @!p1 s0, $0x2  }
0xe2: {  	s22 =	simm.s32 @!p1 $0x6F00;
	s24 =	simm.s32 @!p1 $0x80;
	s7 =	sadd.s32 @!p1 s7, s18  }
0xe3: {  	s25 =	sshra.s32 @!p0 s0, $0x2;
	s4 =	sadd.s32 @!p1 $0x400, s7;
	s7 =	simm.s32 @!p0 $0x4  }
0xe4: {  	[tilespmem:s22], [sflag:$0x3] =	stream.indirect.gather @!p1 [hbm4b:s5+s24], $0x20, s4, s24, $0xb8;
	[tilespmem:$0xFE00] =	vst v63  }
0xe5: {  	s4 =	sadd.s32 @!p0 s25, s20;
	_ =	swait.ge @!p0 [sflag:s7], $0x1000  }
0xe6: {  	s22 =	simm.s32 @!p0 $0x7;
	s24 =	simm.s32 @!p0 $0x7F00;
	[sflag:s7] =	ssyncset.done @!p0 $0x0  }
0xe7: {  	s4 =	sadd.s32 @!p0 $0x180, s4;
	[sflag:s7] =	ssyncadd.s32 @!p0 $0xFFFFF000;
	s7 =	simm.s32 @!p0 $0x80  }
0xe8: {  	[spmem:s3] =	stream.indirect.scatter.add.f32 @!p0 [tilespmem:s24], [sflag:$0x7], $0x20, s4, s7, $0xb8;
	[tilespmem:$0xFE00] =	vst v63  }
0xe9: {  	_ =	swait.ge @!p0 [sflag:s22], $0x1000  }
0xea: {  	s4 =	rddreg [dreg:$0x7]  }
0xeb: {  	p1 =	sge.u32 @!p0 s2, s4  }
0xec: {  	p1 =	por p1, p0  }
0xed: {  	s29 =	sadd.s32 $0x4, s2;
	[sflag:s22] =	ssyncset.done @!p0 $0x0;
	s4 =	sshra.s32 @!p1 s0, $0x2  }
0xee: {  	[sflag:s22] =	ssyncadd.s32 @!p0 $0xFFFFF000;
	p0 =	sge.u32 s29, s6;
	s4 =	sadd.s32 @!p1 s4, s18  }
0xef: {  	s7 =	simm.s32 @!p1 $0x7F00;
	s24 =	simm.s32 @!p1 $0x80;
	s4 =	sadd.s32 @!p1 $0x480, s4  }
0xf0: {  	[tilespmem:s7], [sflag:$0x4] =	stream.indirect.gather @!p1 [hbm4b:s5+s24], $0x20, s4, s24, $0xb8;
	[tilespmem:$0xFE00] =	vst v63  }
0xf1: {  	s4 =	simm.s32 @!p0 $0x5  }
0xf2: {  	s22 =	simm.s32 @!p0 $0x8F00;
	s7 =	sshra.s32 @!p0 s0, $0x2;
	_ =	swait.ge @!p0 [sflag:s4], $0x1000  }
0xf3: {  	s24 =	simm.s32 @!p0 $0x80;
	s7 =	sadd.s32 @!p0 s7, s20;
	[sflag:s4] =	ssyncset.done @!p0 $0x0  }
0xf4: {  	s7 =	sadd.s32 @!p0 $0x200, s7;
	[sflag:s4] =	ssyncadd.s32 @!p0 $0xFFFFF000;
	s4 =	simm.s32 @!p0 $0x7  }
0xf5: {  	[spmem:s3] =	stream.indirect.scatter.add.f32 @!p0 [tilespmem:s22], [sflag:$0x7], $0x20, s7, s24, $0xb8;
	[tilespmem:$0xFE00] =	vst v63  }
0xf6: {  	_ =	swait.ge @!p0 [sflag:s4], $0x1000  }
0xf7: {  	s7 =	rddreg [dreg:$0x8]  }
0xf8: {  	p1 =	sge.u32 @!p0 s2, s7  }
0xf9: {  	s30 =	sadd.s32 $0x5, s2;
	[sflag:s4] =	ssyncset.done @!p0 $0x0;
	p1 =	por p1, p0  }
0xfa: {  	[sflag:s4] =	ssyncadd.s32 @!p0 $0xFFFFF000;
	p0 =	sge.u32 s30, s6;
	s4 =	sshra.s32 @!p1 s0, $0x2  }
0xfb: {  	s7 =	simm.s32 @!p1 $0x8F00;
	s24 =	simm.s32 @!p1 $0x80;
	s4 =	sadd.s32 @!p1 s4, s18  }
0xfc: {  	s22 =	simm.s32 @!p0 $0x6;
	s25 =	sshra.s32 @!p0 s0, $0x2;
	s4 =	sadd.s32 @!p1 $0x500, s4  }
0xfd: {  	[tilespmem:s7], [sflag:$0x5] =	stream.indirect.gather @!p1 [hbm4b:s5+s24], $0x20, s4, s24, $0xb8;
	[tilespmem:$0xFE00] =	vst v63  }
0xfe: {  	s4 =	sadd.s32 @!p0 s25, s20;
	_ =	swait.ge @!p0 [sflag:s22], $0x1000  }
0xff: {  	s7 =	simm.s32 @!p0 $0x9F00;
	s24 =	simm.s32 @!p0 $0x80;
	[sflag:s22] =	ssyncset.done @!p0 $0x0  }
0x100: {  	s4 =	sadd.s32 @!p0 $0x280, s4;
	[sflag:s22] =	ssyncadd.s32 @!p0 $0xFFFFF000;
	s22 =	simm.s32 @!p0 $0x7  }
0x101: {  	[spmem:s3] =	stream.indirect.scatter.add.f32 @!p0 [tilespmem:s7], [sflag:$0x7], $0x20, s4, s24, $0xb8;
	[tilespmem:$0xFE00] =	vst v63  }
0x102: {  	_ =	swait.ge @!p0 [sflag:s22], $0x1000  }
0x103: {  	s4 =	rddreg [dreg:$0x9]  }
0x104: {  	p1 =	sge.u32 @!p0 s2, s4  }
0x105: {  	p1 =	por p1, p0  }
0x106: {  	s31 =	sadd.s32 $0x1, s31;
	[sflag:s22] =	ssyncset.done @!p0 $0x0;
	s0 =	sshra.s32 @!p1 s0, $0x2  }
0x107: {  	[sflag:s22] =	ssyncadd.s32 @!p0 $0xFFFFF000;
	p0 =	sne.s32 s31, s19;
	s0 =	sadd.s32 @!p1 s0, s18  }
0x108: {  	s2 =	simm.s32 @!p1 $0x80;
	s4 =	simm.s32 @!p1 $0x9F00;
	s0 =	sadd.s32 @!p1 $0x580, s0  }
0x109: {  	[tilespmem:s4], [sflag:$0x6] =	stream.indirect.gather @!p1 [hbm4b:s5+s2], $0x20, s0, s2, $0xb8;
	[tilespmem:$0xFE00] =	vst v63  }
.Ltmp1:
0x10a: {  	[bflag:$0x0] =	sbarrier.arrive $0xFFFF;
	(pc) =	sbr.rel @p0 .LBB2_1-.Ltmp1, $4  }
0x10b: {  	[hbm:s17], [sflag:s8] =	dma.local [spmem:s1], $0x9E0  }
0x10c: {  	_ =	swait.ge [sflag:s21], $0x9E0  }
0x10d: {  	[sflag:s21] =	ssyncset.done $0x0  }
0x10e: {  	[sflag:s21] =	ssyncadd.s32 $0xFFFFF620  }
0x10f: {  	_ =	sfence.sel $0x180000  }
0x110: {  	[bflag:$0x0] =	sbarrier.arrive $0xFFFF  }
0x111: {  	_ =	strace $0x9000004A  }
0x112: {  	s0 =	stileid.u32;
	[bflag:$0x2] =	sbarrier.arrive $0xFFFF  }
0x113: {  	p0 =	sne.s32 s0, $0x0;
	s0 =	rddreg [dreg:$0x3]  }
0x114: {  	s0 =	sadd.s32 @!p0 $0x100000, s0  }
0x115: {  	[sflag:s0] =	ssyncadd.tile.s32 @!p0 $0x1;
	_ =	shalt  }
.Lfunc_end2:
_tile_overlayer_lowered:
.L_overlay_start_2:
0x116: {  	(tag) =	ssettag $0x2  }
0x117: {  	s0 =	rddreg [dreg:$0x0];
	s2 =	stileid.u32  }
0x118: {  	s1 =	rddreg [dreg:$0x1];
	p0 =	sne.s32 s2, $0x0  }
0x119: {  	s3 =	rddreg [dreg:$0x2];
	[bflag:$0x3] =	sbarrier.arrive $0xFFFF;
	s2 =	simm.s32 @!p0 $0x1C07  }
0x11a: {  	[timem:s3], [sflag:s2] =	dma.local @!p0 [hbm:s0], s1  }
0x11b: {  	s0 =	simm.s32 @!p0 $0x7  }
0x11c: {  	_ =	swait.ge @!p0 [sflag:s0], s1  }
0x11d: {  	s1 =	ssub.s32 @!p0 $0x0, s1;
	[sflag:s0] =	ssyncset.done @!p0 $0x0  }
0x11e: {  	[sflag:s0] =	ssyncadd.s32 @!p0 s1  }
0x11f: {  	[bflag:$0x3] =	sbarrier.arrive $0xFFFF  }
0x120: {  	_ =	shalt  }

// kernel: kernel.9.cloned.1.call-start
scs
__scs_entry_jumppad:
0x0: {  	(pc) =	sbr.rel $0x88, $3  }
0x1: {  	(tag) =	ssettag $0x0;
	lr =	simm.s32 $0x1  }
0x2: {  	[smem:$0x3F97] =	sst lr;
	_ =	strace $0xD0000000  }
0x3: {  	_ = 	snop  }
0x4: {  	_ = 	snop  }
0x5: {  	_ = 	snop  }
0x6: {  	_ = 	snop  }
0x7: {  	_ = 	snop  }
__scs_overlays_trampoline_lowered:
0x8: {  	[smem:$0x3FA6] =	sst s0  }
0x9: {  	[smem:$0x3FA7] =	sst s1  }
0xa: {  	[smem:$0x3FA8] =	sst s2  }
0xb: {  	[smem:$0x3FA9] =	sst s3  }
0xc: {  	[smem:$0x3FAA] =	sst s4  }
0xd: {  	[smem:$0x3FAB] =	sst s5  }
0xe: {  	[smem:$0x3FAC] =	sst s6  }
0xf: {  	[smem:$0x3FAD] =	sst s7  }
0x10: {  	[smem:$0x3FAE] =	sst s8  }
0x11: {  	[smem:$0x3FAF] =	sst s9;
	s0 =	simm.s32 @!p0 $0x0  }
0x12: {  	s1 =	sld [smem:$0x3F95];
	s0 =	simm.s32 @p0 $0x1  }
0x13: {  	[smem:$0x3FB0] =	sst s0;
	s0 =	simm.s32 @!p1 $0x0  }
0x14: {  	s2 =	sld [smem:$0x3F94];
	s0 =	simm.s32 @p1 $0x1  }
0x15: {  	[smem:$0x3FB1] =	sst s0;
	s0 =	simm.s32 @!p2 $0x0  }
0x16: {  	s3 =	sld [smem:$0x3FDB];
	s0 =	simm.s32 @p2 $0x1  }
0x17: {  	s4 =	simm.s32 $0x1BF5;
	[smem:$0x3FB3] =	sst s0  }
0x18: {  	s0 =	sld [smem:$0x3F96];
	_ =	swait.ge [sflag:s4], $0x0  }
0x19: {  	s7 =	sld [smem:$0x3F97]  }
0x1a: {  	s8 =	sadd.s32 $0xFFFFE003, lr  }
0x1b: {  	s9 =	sadd.s32 $0xFFFFFEF7, lr;
	s5 =	simm.s32 $0xFFFFFFFF;
	p2 =	slt.u32 s8, $0xFFFFF086  }
0x1c: {  	p1 =	slt.u32 s9, $0xF7A;
	s5 =	simm.s32 @!p2 $0x0  }
0x1d: {  	s5 =	simm.s32 @p1 $0x1;
	p0 =	seq.s32 s7, s2  }
0x1e: {  	s7 =	smul.u32 @!p0 $0xF7A, s2;
	p2 =	seq.s32 @!p0 s5, $0x0  }
0x1f: {  	s9 =	smul.u32 $0xF7A, s1;
	s8 =	simm.s32 @!p0 $0x1BF5;
	p2 =	por !p2, p0  }
0x20: {  	[sflag:s8] =	ssyncset.s32 @!p0 $0xFFFFF086;
	s6 =	sadd.s32 @!p0 s3, s7;
	s7 =	simm.s32 @!p0 $0x108  }
0x21: {  	s3 =	sadd.s32 s3, s9;
	s6 =	sadd.s32 @!p0 $0x88, s6;
	s7 =	simm.s32 @p2 $0x1082  }
0x22: {  	[simem:s7], [sflag:s8] =	dma.local @!p0 [hbm:s6], $0xF7A  }
0x23: {  	s9 =	sor.u32 $0xD0000000, s2;
	s6 =	simm.s32 $0x108;
	_ =	swait.ge @!p0 [sflag:s8], $0x0  }
0x24: {  	s3 =	sadd.s32 $0x88, s3;
	s6 =	simm.s32 @!p1 $0x1082;
	[sflag:s4] =	ssyncset.s32 $0xFFFFF086  }
0x25: {  	[simem:s6], [sflag:s4] =	dma.local [hbm:s3], $0xF7A  }
0x26: {  	[smem:$0x3F97] =	sst s1;
	(tag) =	ssettag s2;
	_ =	strace s9  }
0x27: {  	s1 =	sld [smem:$0x3FA7]  }
0x28: {  	s2 =	sld [smem:$0x3FA8]  }
0x29: {  	s4 =	sld [smem:$0x3FAA]  }
0x2a: {  	p0 =	seq.s32 s5, $0x0;
	s5 =	sld [smem:$0x3FAB]  }
0x2b: {  	s6 =	sld [smem:$0x3FAC]  }
0x2c: {  	s7 =	sld [smem:$0x3FAD]  }
0x2d: {  	s3 =	simm.s32 $0x108;
	s8 =	sld [smem:$0x3FAE]  }
0x2e: {  	s3 =	simm.s32 @!p0 $0x1082;
	s9 =	sld [smem:$0x3FAF]  }
0x2f: {  	lr =	sadd.s32 s0, s3;
	s0 =	sld [smem:$0x3FA6]  }
0x30: {  	s3 =	sld [smem:$0x3FA9]  }
0x31: {  	[smem:$0x3FB2] =	sst s10  }
0x32: {  	s10 =	sld [smem:$0x3FB0];
	_ =	sdelay $0x3  }
0x33: {  	p0 =	seq.s32 s10, $0x1;
	s10 =	sld [smem:$0x3FB2];
	_ =	sdelay $0x3  }
0x34: {  	[smem:$0x3FB2] =	sst s10  }
0x35: {  	s10 =	sld [smem:$0x3FB1];
	_ =	sdelay $0x3  }
0x36: {  	p1 =	seq.s32 s10, $0x1;
	s10 =	sld [smem:$0x3FB2];
	_ =	sdelay $0x3  }
0x37: {  	[smem:$0x3FB2] =	sst s10  }
0x38: {  	s10 =	sld [smem:$0x3FB3]  }
0x39: {  	_ = 	snop;
	(pc) =	sbr.ind lr, $3  }
0x3a: {  	_ = 	snop  }
0x3b: {  	_ = 	snop  }
0x3c: {  	p2 =	seq.s32 s10, $0x1;
	s10 =	sld [smem:$0x3FB2]  }
0x3d: {  	_ =	shalt  }
0x3e: {  	_ =	shalt  }
0x3f: {  	_ =	shalt  }
0x40: {  	_ =	shalt  }
0x41: {  	_ =	shalt  }
0x42: {  	_ =	shalt  }
0x43: {  	_ =	shalt  }
0x44: {  	_ =	shalt  }
0x45: {  	_ =	shalt  }
0x46: {  	_ =	shalt  }
0x47: {  	_ =	shalt  }
0x48: {  	_ =	shalt  }
0x49: {  	_ =	shalt  }
0x4a: {  	_ =	shalt  }
0x4b: {  	_ =	shalt  }
0x4c: {  	_ =	shalt  }
0x4d: {  	_ =	shalt  }
0x4e: {  	_ =	shalt  }
0x4f: {  	_ =	shalt  }
0x50: {  	_ =	shalt  }
0x51: {  	_ =	shalt  }
0x52: {  	_ =	shalt  }
0x53: {  	_ =	shalt  }
0x54: {  	_ =	shalt  }
0x55: {  	_ =	shalt  }
0x56: {  	_ =	shalt  }
0x57: {  	_ =	shalt  }
0x58: {  	_ =	shalt  }
0x59: {  	_ =	shalt  }
0x5a: {  	_ =	shalt  }
0x5b: {  	_ =	shalt  }
0x5c: {  	_ =	shalt  }
0x5d: {  	_ =	shalt  }
0x5e: {  	_ =	shalt  }
0x5f: {  	_ =	shalt  }
0x60: {  	_ =	shalt  }
0x61: {  	_ =	shalt  }
0x62: {  	_ =	shalt  }
0x63: {  	_ =	shalt  }
0x64: {  	_ =	shalt  }
0x65: {  	_ =	shalt  }
0x66: {  	_ =	shalt  }
0x67: {  	_ =	shalt  }
0x68: {  	_ =	shalt  }
0x69: {  	_ =	shalt  }
0x6a: {  	_ =	shalt  }
0x6b: {  	_ =	shalt  }
0x6c: {  	_ =	shalt  }
0x6d: {  	_ =	shalt  }
0x6e: {  	_ =	shalt  }
0x6f: {  	_ =	shalt  }
0x70: {  	_ =	shalt  }
0x71: {  	_ =	shalt  }
0x72: {  	_ =	shalt  }
0x73: {  	_ =	shalt  }
0x74: {  	_ =	shalt  }
0x75: {  	_ =	shalt  }
0x76: {  	_ =	shalt  }
0x77: {  	_ =	shalt  }
0x78: {  	_ =	shalt  }
0x79: {  	_ =	shalt  }
0x7a: {  	_ =	shalt  }
0x7b: {  	_ =	shalt  }
0x7c: {  	_ =	shalt  }
0x7d: {  	_ =	shalt  }
0x7e: {  	_ =	shalt  }
0x7f: {  	_ =	shalt  }
0x80: {  	_ =	shalt  }
0x81: {  	_ =	shalt  }
0x82: {  	_ =	shalt  }
0x83: {  	_ =	shalt  }
0x84: {  	_ =	shalt  }
0x85: {  	_ =	shalt  }
0x86: {  	_ =	shalt  }
0x87: {  	_ =	shalt  }
.Lfunc_end0:
.L_simem_size_0:
called_computation_lowered:
.L_overlay_start_0:
0x88: {  	s2 =	sld [smem:$0x3FD9]  }
0x89: {  	s3 =	sld [smem:$0x3FFE];
	_ =	sdelay $0x1  }
0x8a: {  	s1 =	srdreg.scid  }
0x8b: {  	s0 =	sand.u32 $0x1, s1  }
0x8c: {  	s16 =	sshll.u32 s0, $0xA;
	s2 =	sadd.s32 s3, s2  }
0x8d: {  	s2 =	sadd.s32 s2, s16  }
0x8e: {  	[smem:$0x3FBE] =	sst s2  }
0x8f: {  	_ = 	snop  }
0x90: {  	(tm) =	ssettm $0x1  }
0x91: {  	s17 =	sld [smem:$0x3FFB];
	_ =	sdelay $0x3  }
0x92: {  	_ =	strace s17  }
0x93: {  	s2 =	sld [smem:$0x3FFC];
	_ =	sdelay $0x3  }
0x94: {  	_ =	strace s2  }
0x95: {  	s2 =	sld [smem:$0x3FFD];
	_ =	sdelay $0x3  }
0x96: {  	_ =	strace s2  }
0x97: {  	_ =	strace $0x8FFFFFFF  }
0x98: {  	s18 =	sld [smem:$0x3FDB];
	_ =	sdelay $0x1  }
0x99: {  	s19 =	simm.s32 $_scs_section_size  }
0x9a: {  	s4 =	simm.s32 $_size__tile_overlayer_lowered;
	s5 =	simm.s32 $_tile_overlayer_lowered  }
0x9b: {  	s22 =	simm.s32 $0x1BFF;
	s21 =	sshll.u32 s5, $0x1;
	s2 =	sadd.s32 s19, s18  }
0x9c: {  	s6 =	simm.s32 $0x0;
	s20 =	sshll.u32 s4, $0x1;
	s4 =	sadd.s32 s21, s2  }
0x9d: {  	[timem:s6], [sflag:s22] =	dma.local [hbm:s4], s20  }
0x9e: {  	_ =	swait.ge [sflag:s22], s20  }
0x9f: {  	s3 =	ssub.s32 $0x0, s20;
	[sflag:s22] =	ssyncset.done $0x0  }
0xa0: {  	[sflag:s22] =	ssyncadd.s32 s3;
	_ =	sdelay $0x1  }
0xa1: {  	s23 =	simm.s32 $0x1B8B  }
0xa2: {  	_ =	swait.ge [sflag:s23], $0x1  }
0xa3: {  	[sflag:s23] =	ssyncset.done $0x0  }
0xa4: {  	s25 =	simm.s32 $0x1B8E;
	s24 =	sld [smem:$0x3FFE];
	[sflag:s23] =	ssyncadd.s32 $0xFFFFFFFF  }
0xa5: {  	s26 =	simm.s32 $execute0_lowered;
	[smem:$0x3FD2] =	sst s25  }
0xa6: {  	s4 =	sshll.u32 s26, $0x1;
	_ =	strace $0x80000046;
	[dreg:$0x1] =	wrdreg $0xFFFFFFFF  }
0xa7: {  	s28 =	simm.s32 $_size_execute0_lowered;
	s2 =	sadd.s32 s2, s4;
	[dreg:$0x0] =	wrdreg $0x0  }
0xa8: {  	s4 =	sshll.u32 s28, $0x1;
	[dreg:$0x2] =	wrdreg s2  }
0xa9: {  	[dreg:$0x3] =	wrdreg s4  }
0xaa: {  	[dreg:$0x4] =	wrdreg $0xC0  }
0xab: {  	_ =	task [dreg:s6], $0x5FFFF  }
0xac: {  	[dreg:$0x1] =	wrdreg $0xFFFFFFFF  }
0xad: {  	[dreg:$0x0] =	wrdreg $0x60  }
0xae: {  	[dreg:$0x2] =	wrdreg s24  }
0xaf: {  	[dreg:$0x3] =	wrdreg $0x12A000  }
0xb0: {  	[dreg:$0x4] =	wrdreg $0x9  }
0xb1: {  	_ =	task.clear_ibuf [dreg:s6], $0x5FFFF;
	_ =	strace $0x90000046  }
0xb2: {  	s29 =	simm.s32 $0x9;
	_ =	strace $0x80000048  }
0xb3: {  	_ =	swait.ge [sflag:s29], $0x1  }
0xb4: {  	[sflag:s29] =	ssyncadd.s32 $0xFFFFFFFF  }
0xb5: {  	_ =	strace $0x90000048  }
0xb6: {  	_ =	sfence  }
0xb7: {  	s30 =	sld [smem:$0x0];
	_ =	sdelay $0x2  }
0xb8: {  	s31 =	sshll.u32 s1, $0xD;
	s1 =	sshrl.u32 s1, $0x2  }
0xb9: {  	s3 =	sand.u32 $0x4000, s31;
	s1 =	sadd.s32 s1, s30  }
0xba: {  	s0 =	sor.u32 s3, s0;
	s1 =	sshll.u32 s1, $0x11  }
0xbb: {  	s0 =	sor.u32 s1, s0  }
0xbc: {  	s0 =	sadd.s32 $0x8F2B, s0  }
0xbd: {  	[sflag:s0] =	ssyncadd.remote.s32 $0x1  }
0xbe: {  	_ =	sfence.sel $0xFFFF  }
0xbf: {  	[dreg:$0x0] =	wrdreg $0xFFFFFFFF;
	(pc) =	sbr.abs _section_cstart, $3  }
0xc0: {  	[dreg:$0x1] =	wrdreg $0xFFFFFFFF  }
0xc1: {  	_ =	task.clear_ibuf [dreg:s6], $0x2FFFF;
	_ =	strace $0x9FFFFFFF  }
0xc2: {  	(tm) =	ssettm $0x7FFFFFFF  }
0xc3: {  	_ =	shalt  }
tec
execute0_lowered:
.L_overlay_start_1:
0x0: {  	(tag) =	ssettag $0x1  }
0x1: {  	s0 =	rddreg [dreg:$0x0]  }
0x2: {  	s2 =	srdreg.scid;
	s1 =	rddreg [dreg:$0x1]  }
0x3: {  	s6 =	simm.s32 $0x4A;
	s12 =	stileid.u32;
	s14 =	simm.s32 $0x0  }
0x4: {  	s31 =	simm.s32 $0x0;
	s2 =	sand.u32 $0x1, s2;
	s19 =	smin.u32 s12, $0xA  }
0x5: {  	s7 =	smul.u32 $0xB1C0, s12;
	[smem:$0x7FF] =	sst s14;
	s15 =	sadd.s32 $0x2B800, s0  }
0x6: {  	s23 =	sshll.u32 s12, $0x6;
	p0 =	seq.s32 s2, $0x0;
	s3 =	ssub.s32 $0x0, s2  }
0x7: {  	s5 =	smul.u32 $0xB1C00, s2;
	_ =	strace $0x80000047;
	[dreg:$0x9] =	wrdreg s15  }
0x8: {  	s2 =	ssub.s32 $0x2, s2;
	s26 =	sshll.u32 s19, $0x9;
	s6 =	simm.s32 @!p0 $0x51  }
0x9: {  	s17 =	sand.u32 $0x4AA, s3;
	p0 =	slt.u32 s12, $0xA;
	s21 =	sshrl.u32 s2, $0x1  }
0xa: {  	s22 =	sadd.s32 s7, s1;
	s18 =	smul.u32 s12, s6;
	s4 =	sadd.s32 s19, s17  }
0xb: {  	s10 =	sadd.s32 s7, s5;
	s2 =	ssub.s32 s2, s21;
	[dreg:$0xa] =	wrdreg s22  }
0xc: {  	s17 =	sshll.u32 s17, $0x9;
	s16 =	sshrl.u32 s10, $0x3;
	s10 =	simm.s32 $0x1  }
0xd: {  	s19 =	smax.u32 s2, $0x1;
	s8 =	sadd.s32 s18, s4;
	s4 =	sadd.s32 $0x15800, s0  }
0xe: {  	s10 =	simm.s32 @!p0 $0x0;
	s18 =	sshll.u32 s18, $0x9;
	s20 =	smin.u32 s8, $0x972  }
0xf: {  	s6 =	sadd.s32 s10, s6;
	s17 =	sadd.s32 s17, s18;
	s9 =	sshll.u32 s20, $0x4  }
0x10: {  	s8 =	ssub.s32 s8, s20;
	s14 =	sadd.s32 $0xFFFFFFFA, s6;
	s15 =	sadd.s32 $0xFFFFFFF9, s6  }
0x11: {  	s21 =	sadd.s32 $0xFFFFFFF8, s6;
	s25 =	sadd.s32 $0xFFFFFFF7, s6;
	[dreg:$0x3] =	wrdreg s14  }
0x12: {  	s28 =	sadd.s32 $0xFFFFFFF6, s6;
	s17 =	sadd.s32 s26, s17;
	[dreg:$0x4] =	wrdreg s15  }
0x13: {  	s29 =	sshll.u32 s20, $0x9;
	s30 =	sadd.s32 $0xFFFFFFF5, s6;
	[dreg:$0x5] =	wrdreg s21  }
0x14: {  	s11 =	sadd.s32 s9, s0;
	s0 =	sadd.s32 s16, s0;
	[dreg:$0x6] =	wrdreg s25  }
0x15: {  	s24 =	sshll.u32 s8, $0x9;
	s8 =	sor.u32 $0x1C07, s23;
	[dreg:$0x7] =	wrdreg s28  }
0x16: {  	s18 =	ssub.s32 s17, s29;
	[dreg:$0x8] =	wrdreg s30;
	s21 =	simm.s32 $0x7  }
0x17: {  	s23 =	simm.s32 $0x80;
	s9 =	sadd.s32 $0x1C00, s11;
	s10 =	sshra.s32 s24, $0x2  }
0x18: {  	s11 =	sadd.s32 $0xBA00, s11;
	s17 =	sadd.s32 $0x2D000, s0;
	s18 =	sshra.s32 s18, $0x2  }
0x19: {  	s12 =	sadd.s32 $0x80, s10;
	s13 =	sadd.s32 $0x100, s10;
	s14 =	sadd.s32 $0x180, s10  }
0x1a: {  	s15 =	sadd.s32 $0x200, s10;
	s16 =	sadd.s32 $0x280, s10;
	s20 =	sadd.s32 $0x2900, s18  }
.LBB2_1:
0x1b: {  	s0 =	rddreg [dreg:$0xa]  }
0x1c: {  	s2 =	rddreg [dreg:$0x9];
	s0 =	sshrl.u32 s0, $0x3  }
0x1d: {  	[spmem:s0], [sflag:s8] =	dma.local [hbm:s2], $0x1638  }
0x1e: {  	_ =	swait.ge [sflag:s21], $0x1638  }
0x1f: {  	[sflag:s21] =	ssyncset.done $0x0  }
0x20: {  	s7 =	simm.s32 $0x0;
	[sflag:s21] =	ssyncadd.s32 $0xFFFFE9C8  }
0x21: {  	[tilespmem:s7], [sflag:$0x7] =	stream.linear.gather [hbm4b:s9+s7], $0x2900, $0x38;
	[tilespmem:$0x1DBC0] =	vst v63  }
0x22: {  	_ =	swait.ge [sflag:s21], $0x2900  }
0x23: {  	[sflag:s21] =	ssyncset.done $0x0  }
0x24: {  	s3 =	simm.s32 $0x2900;
	[sflag:s21] =	ssyncadd.s32 $0xFFFFD700  }
0x25: {  	[tilespmem:s3], [sflag:$0x7] =	stream.linear.gather [hbm4b:s11+s7], $0x2900, $0x38;
	[tilespmem:$0x1DBC0] =	vst v63  }
0x26: {  	_ =	swait.ge [sflag:s21], $0x2900  }
0x27: {  	[sflag:s21] =	ssyncset.done $0x0  }
0x28: {  	[sflag:s21] =	ssyncadd.s32 $0xFFFFD700  }
0x29: {  	s22 =	simm.s32 $0x5200;
	[bflag:$0x0] =	sbarrier.arrive $0xFFFF  }
0x2a: {  	[tilespmem:s22], [sflag:$0x1] =	stream.indirect.gather [hbm4b:s4+s23], $0x48, s10, s23, $0xb8;
	[tilespmem:$0x1DBC0] =	vst v63  }
0x2b: {  	s24 =	simm.s32 $0x7600  }
0x2c: {  	[tilespmem:s24], [sflag:$0x2] =	stream.indirect.gather [hbm4b:s4+s23], $0x48, s12, s23, $0xb8;
	[tilespmem:$0x1DBC0] =	vst v63  }
0x2d: {  	s25 =	simm.s32 $0x9A00  }
0x2e: {  	[tilespmem:s25], [sflag:$0x3] =	stream.indirect.gather [hbm4b:s4+s23], $0x48, s13, s23, $0xb8;
	[tilespmem:$0x1DBC0] =	vst v63  }
0x2f: {  	s26 =	simm.s32 $0xBE00;
	p0 =	sle.u32 s6, $0x0  }
0x30: {  	[tilespmem:s26], [sflag:$0x4] =	stream.indirect.gather [hbm4b:s4+s23], $0x48, s14, s23, $0xb8;
	[tilespmem:$0x1DBC0] =	vst v63  }
0x31: {  	s29 =	simm.s32 $0xE200;
	p1 =	por p0, p0  }
0x32: {  	[tilespmem:s29], [sflag:$0x5] =	stream.indirect.gather [hbm4b:s4+s23], $0x48, s15, s23, $0xb8;
	[tilespmem:$0x1DBC0] =	vst v63  }
0x33: {  	s30 =	simm.s32 $0x10600;
	s2 =	simm.s32 @!p1 $0x1  }
0x34: {  	[tilespmem:s30], [sflag:$0x6] =	stream.indirect.gather [hbm4b:s4+s23], $0x48, s16, s23, $0xb8;
	[tilespmem:$0x1DBC0] =	vst v63  }
0x35: {  	_ =	swait.ge @!p1 [sflag:s2], $0x2400  }
0x36: {  	s22 =	sadd.s32 @!p0 $0x0, s20;
	s24 =	simm.s32 @!p1 $0x80;
	[sflag:s2] =	ssyncset.done @!p1 $0x0  }
0x37: {  	s25 =	simm.s32 @!p1 $0x5200;
	[sflag:s2] =	ssyncadd.s32 @!p1 $0xFFFFDC00;
	s2 =	simm.s32 @!p1 $0x7  }
0x38: {  	[spmem:s1] =	stream.indirect.scatter.add.f32 @!p1 [tilespmem:s25], [sflag:$0x7], $0x48, s22, s24, $0xb8;
	[tilespmem:$0x1DBC0] =	vst v63  }
0x39: {  	_ =	swait.ge @!p1 [sflag:s2], $0x2400  }
0x3a: {  	s22 =	rddreg [dreg:$0x3]  }
0x3b: {  	[sflag:s2] =	ssyncset.done @!p1 $0x0;
	p0 =	sle.u32 @!p1 s22, $0x0  }
0x3c: {  	[sflag:s2] =	ssyncadd.s32 @!p1 $0xFFFFDC00;
	p2 =	por p0, p1  }
0x3d: {  	p0 =	sle.u32 s6, $0x1;
	s22 =	simm.s32 @!p2 $0x80;
	s25 =	sadd.s32 @!p2 $0x0, s18  }
0x3e: {  	s24 =	simm.s32 @!p0 $0x2;
	s2 =	sadd.s32 @!p2 $0x300, s25;
	s25 =	simm.s32 @!p2 $0x5200  }
0x3f: {  	[tilespmem:s25], [sflag:$0x1] =	stream.indirect.gather @!p2 [hbm4b:s4+s22], $0x48, s2, s22, $0xb8;
	[tilespmem:$0x1DBC0] =	vst v63  }
0x40: {  	s2 =	sadd.s32 @!p0 $0x0, s20;
	_ =	swait.ge @!p0 [sflag:s24], $0x2400  }
0x41: {  	s22 =	simm.s32 @!p0 $0x80;
	s25 =	simm.s32 @!p0 $0x7;
	[sflag:s24] =	ssyncset.done @!p0 $0x0  }
0x42: {  	s2 =	sadd.s32 @!p0 $0x80, s2;
	[sflag:s24] =	ssyncadd.s32 @!p0 $0xFFFFDC00;
	s24 =	simm.s32 @!p0 $0x7600  }
0x43: {  	[spmem:s1] =	stream.indirect.scatter.add.f32 @!p0 [tilespmem:s24], [sflag:$0x7], $0x48, s2, s22, $0xb8;
	[tilespmem:$0x1DBC0] =	vst v63  }
0x44: {  	_ =	swait.ge @!p0 [sflag:s25], $0x2400  }
0x45: {  	s2 =	rddreg [dreg:$0x4]  }
0x46: {  	[sflag:s25] =	ssyncset.done @!p0 $0x0;
	p1 =	sle.u32 @!p0 s2, $0x0  }
0x47: {  	[sflag:s25] =	ssyncadd.s32 @!p0 $0xFFFFDC00;
	p1 =	por p1, p0  }
0x48: {  	p0 =	sle.u32 s6, $0x2;
	s2 =	simm.s32 @!p1 $0x7600;
	s22 =	sadd.s32 @!p1 $0x0, s18  }
0x49: {  	s24 =	simm.s32 @!p0 $0x3;
	s25 =	simm.s32 @!p1 $0x80;
	s22 =	sadd.s32 @!p1 $0x380, s22  }
0x4a: {  	[tilespmem:s2], [sflag:$0x2] =	stream.indirect.gather @!p1 [hbm4b:s4+s25], $0x48, s22, s25, $0xb8;
	[tilespmem:$0x1DBC0] =	vst v63  }
0x4b: {  	s2 =	sadd.s32 @!p0 $0x0, s20;
	_ =	swait.ge @!p0 [sflag:s24], $0x2400  }
0x4c: {  	s22 =	simm.s32 @!p0 $0x80;
	s25 =	simm.s32 @!p0 $0x7;
	[sflag:s24] =	ssyncset.done @!p0 $0x0  }
0x4d: {  	s2 =	sadd.s32 @!p0 $0x100, s2;
	[sflag:s24] =	ssyncadd.s32 @!p0 $0xFFFFDC00;
	s24 =	simm.s32 @!p0 $0x9A00  }
0x4e: {  	[spmem:s1] =	stream.indirect.scatter.add.f32 @!p0 [tilespmem:s24], [sflag:$0x7], $0x48, s2, s22, $0xb8;
	[tilespmem:$0x1DBC0] =	vst v63  }
0x4f: {  	_ =	swait.ge @!p0 [sflag:s25], $0x2400  }
0x50: {  	s2 =	rddreg [dreg:$0x5]  }
0x51: {  	[sflag:s25] =	ssyncset.done @!p0 $0x0;
	p1 =	sle.u32 @!p0 s2, $0x0  }
0x52: {  	[sflag:s25] =	ssyncadd.s32 @!p0 $0xFFFFDC00;
	p1 =	por p1, p0  }
0x53: {  	p0 =	sle.u32 s6, $0x3;
	s2 =	simm.s32 @!p1 $0x9A00;
	s22 =	sadd.s32 @!p1 $0x0, s18  }
0x54: {  	s24 =	simm.s32 @!p1 $0x80;
	s25 =	simm.s32 @!p0 $0x4;
	s22 =	sadd.s32 @!p1 $0x400, s22  }
0x55: {  	[tilespmem:s2], [sflag:$0x3] =	stream.indirect.gather @!p1 [hbm4b:s4+s24], $0x48, s22, s24, $0xb8;
	[tilespmem:$0x1DBC0] =	vst v63  }
0x56: {  	s2 =	sadd.s32 @!p0 $0x0, s20;
	_ =	swait.ge @!p0 [sflag:s25], $0x2400  }
0x57: {  	s22 =	simm.s32 @!p0 $0x7;
	s24 =	simm.s32 @!p0 $0x80;
	[sflag:s25] =	ssyncset.done @!p0 $0x0  }
0x58: {  	s2 =	sadd.s32 @!p0 $0x180, s2;
	[sflag:s25] =	ssyncadd.s32 @!p0 $0xFFFFDC00;
	s25 =	simm.s32 @!p0 $0xBE00  }
0x59: {  	[spmem:s1] =	stream.indirect.scatter.add.f32 @!p0 [tilespmem:s25], [sflag:$0x7], $0x48, s2, s24, $0xb8;
	[tilespmem:$0x1DBC0] =	vst v63  }
0x5a: {  	_ =	swait.ge @!p0 [sflag:s22], $0x2400  }
0x5b: {  	s2 =	rddreg [dreg:$0x6]  }
0x5c: {  	p1 =	sle.u32 @!p0 s2, $0x0  }
0x5d: {  	[sflag:s22] =	ssyncset.done @!p0 $0x0;
	p1 =	por p1, p0  }
0x5e: {  	[sflag:s22] =	ssyncadd.s32 @!p0 $0xFFFFDC00;
	p0 =	sle.u32 s6, $0x4;
	s2 =	sadd.s32 @!p1 $0x0, s18  }
0x5f: {  	s22 =	simm.s32 @!p1 $0xBE00;
	s24 =	simm.s32 @!p1 $0x80;
	s2 =	sadd.s32 @!p1 $0x480, s2  }
0x60: {  	[tilespmem:s22], [sflag:$0x4] =	stream.indirect.gather @!p1 [hbm4b:s4+s24], $0x48, s2, s24, $0xb8;
	[tilespmem:$0x1DBC0] =	vst v63  }
0x61: {  	s2 =	simm.s32 @!p0 $0x5  }
0x62: {  	s25 =	simm.s32 @!p0 $0x80;
	_ =	swait.ge @!p0 [sflag:s2], $0x2400  }
0x63: {  	s22 =	sadd.s32 @!p0 $0x0, s20;
	s24 =	simm.s32 @!p0 $0xE200;
	[sflag:s2] =	ssyncset.done @!p0 $0x0  }
0x64: {  	s22 =	sadd.s32 @!p0 $0x200, s22;
	[sflag:s2] =	ssyncadd.s32 @!p0 $0xFFFFDC00;
	s2 =	simm.s32 @!p0 $0x7  }
0x65: {  	[spmem:s1] =	stream.indirect.scatter.add.f32 @!p0 [tilespmem:s24], [sflag:$0x7], $0x48, s22, s25, $0xb8;
	[tilespmem:$0x1DBC0] =	vst v63  }
0x66: {  	_ =	swait.ge @!p0 [sflag:s2], $0x2400  }
0x67: {  	s22 =	rddreg [dreg:$0x7]  }
0x68: {  	[sflag:s2] =	ssyncset.done @!p0 $0x0;
	p1 =	sle.u32 @!p0 s22, $0x0  }
0x69: {  	[sflag:s2] =	ssyncadd.s32 @!p0 $0xFFFFDC00;
	p0 =	por p1, p0;
	p1 =	sle.u32 s6, $0x5  }
0x6a: {  	s2 =	simm.s32 @!p0 $0xE200;
	s22 =	sadd.s32 @!p0 $0x0, s18;
	s24 =	simm.s32 @!p0 $0x80  }
0x6b: {  	s25 =	simm.s32 @!p1 $0x6;
	s26 =	simm.s32 @!p1 $0x7;
	s22 =	sadd.s32 @!p0 $0x500, s22  }
0x6c: {  	[tilespmem:s2], [sflag:$0x5] =	stream.indirect.gather @!p0 [hbm4b:s4+s24], $0x48, s22, s24, $0xb8;
	[tilespmem:$0x1DBC0] =	vst v63  }
0x6d: {  	s2 =	sadd.s32 @!p1 $0x0, s20;
	s22 =	simm.s32 @!p1 $0x10600;
	_ =	swait.ge @!p1 [sflag:s25], $0x2400  }
0x6e: {  	s24 =	simm.s32 @!p1 $0x80;
	p0 =	sle.u32 s6, $0x6;
	[sflag:s25] =	ssyncset.done @!p1 $0x0  }
0x6f: {  	s2 =	sadd.s32 @!p1 $0x280, s2;
	[sflag:s25] =	ssyncadd.s32 @!p1 $0xFFFFDC00;
	s25 =	simm.s32 $0x1800  }
0x70: {  	[spmem:s1] =	stream.indirect.scatter.add.f32 @!p1 [tilespmem:s22], [sflag:$0x7], $0x48, s2, s24, $0xb8;
	[tilespmem:$0x1DBC0] =	vst v63  }
0x71: {  	s2 =	simm.s32 $0xC00;
	s22 =	simm.s32 $0x6;
	_ =	swait.ge @!p1 [sflag:s26], $0x2400  }
0x72: {  	s24 =	sadd.s32 @!p0 $0x300, s20;
	s28 =	rddreg [dreg:$0x8];
	[sflag:s26] =	ssyncset.done @!p1 $0x0  }
0x73: {  	p0 =	por p0, p0;
	[sflag:s26] =	ssyncadd.s32 @!p1 $0xFFFFDC00;
	p2 =	sle.u32 @!p1 s28, $0x0  }
0x74: {  	s26 =	simm.s32 $0xC;
	s28 =	simm.s32 $0x0;
	p3 =	por p2, p1  }
.LBB2_2:
0x75: {  	s30 =	sshra.s32 @!p3 s28, $0x2  }
0x76: {  	s29 =	simm.s32 @!p0 $0x1;
	s30 =	sadd.s32 @!p3 s30, s18  }
0x77: {  	s5 =	simm.s32 @!p3 $0x80;
	s7 =	simm.s32 @!p3 $0x10600;
	s30 =	sadd.s32 @!p3 $0x580, s30  }
0x78: {  	[tilespmem:s7], [sflag:$0x6] =	stream.indirect.gather @!p3 [hbm4b:s4+s5], $0x48, s30, s5, $0xb8;
	[tilespmem:$0x1DBC0] =	vst v63  }
0x79: {  	p2 =	sge.u32 s26, s6;
	_ =	swait.ge @!p0 [sflag:s29], $0x2400  }
0x7a: {  	s3 =	sshra.s32 @!p2 s25, $0x2;
	s5 =	simm.s32 @!p0 $0x80;
	[sflag:s29] =	ssyncset.done @!p0 $0x0  }
0x7b: {  	s7 =	simm.s32 @!p0 $0x5200;
	[sflag:s29] =	ssyncadd.s32 @!p0 $0xFFFFDC00;
	s29 =	simm.s32 @!p0 $0x7  }
0x7c: {  	[spmem:s1] =	stream.indirect.scatter.add.f32 @!p0 [tilespmem:s7], [sflag:$0x7], $0x48, s24, s5, $0xb8;
	[tilespmem:$0x1DBC0] =	vst v63  }
0x7d: {  	s3 =	sadd.s32 @!p2 s3, s20;
	_ =	swait.ge @!p0 [sflag:s29], $0x2400  }
0x7e: {  	s24 =	smov.u32 s3;
	s3 =	rddreg [dreg:$0x3]  }
0x7f: {  	s28 =	smov.u32 s2;
	p3 =	sge.u32 @!p0 s22, s3  }
0x80: {  	s7 =	sadd.s32 $0x1, s22;
	[sflag:s29] =	ssyncset.done @!p0 $0x0;
	p4 =	por p3, p0  }
0x81: {  	[sflag:s29] =	ssyncadd.s32 @!p0 $0xFFFFDC00;
	p3 =	sge.u32 s7, s6;
	s3 =	sshra.s32 @!p4 s28, $0x2  }
0x82: {  	s5 =	simm.s32 @!p4 $0x80;
	s7 =	simm.s32 @!p3 $0x2;
	s3 =	sadd.s32 @!p4 s3, s18  }
0x83: {  	s29 =	sshra.s32 @!p3 s28, $0x2;
	s30 =	simm.s32 @!p4 $0x5200;
	s3 =	sadd.s32 @!p4 $0x300, s3  }
0x84: {  	[tilespmem:s30], [sflag:$0x1] =	stream.indirect.gather @!p4 [hbm4b:s4+s5], $0x48, s3, s5, $0xb8;
	[tilespmem:$0x1DBC0] =	vst v63  }
0x85: {  	s29 =	sadd.s32 @!p3 s29, s20;
	_ =	swait.ge @!p3 [sflag:s7], $0x2400  }
0x86: {  	s3 =	sadd.s32 @!p3 $0x80, s29;
	s5 =	simm.s32 @!p3 $0x80;
	[sflag:s7] =	ssyncset.done @!p3 $0x0  }
0x87: {  	s29 =	simm.s32 @!p3 $0x7;
	[sflag:s7] =	ssyncadd.s32 @!p3 $0xFFFFDC00;
	s7 =	simm.s32 @!p3 $0x7600  }
0x88: {  	[spmem:s1] =	stream.indirect.scatter.add.f32 @!p3 [tilespmem:s7], [sflag:$0x7], $0x48, s3, s5, $0xb8;
	[tilespmem:$0x1DBC0] =	vst v63  }
0x89: {  	_ =	swait.ge @!p3 [sflag:s29], $0x2400  }
0x8a: {  	s3 =	rddreg [dreg:$0x4]  }
0x8b: {  	p0 =	por p2, p2;
	[sflag:s29] =	ssyncset.done @!p3 $0x0;
	p2 =	sge.u32 @!p3 s22, s3  }
0x8c: {  	[sflag:s29] =	ssyncadd.s32 @!p3 $0xFFFFDC00;
	s29 =	sadd.s32 $0x2, s22;
	p3 =	por p2, p3  }
0x8d: {  	p2 =	sge.u32 s29, s6;
	s5 =	sshra.s32 @!p3 s28, $0x2  }
0x8e: {  	s7 =	simm.s32 @!p3 $0x7600;
	s29 =	sshra.s32 @!p2 s28, $0x2;
	s3 =	sadd.s32 @!p3 s5, s18  }
0x8f: {  	s30 =	simm.s32 @!p3 $0x80;
	s5 =	simm.s32 @!p2 $0x3;
	s3 =	sadd.s32 @!p3 $0x380, s3  }
0x90: {  	[tilespmem:s7], [sflag:$0x2] =	stream.indirect.gather @!p3 [hbm4b:s4+s30], $0x48, s3, s30, $0xb8;
	[tilespmem:$0x1DBC0] =	vst v63  }
0x91: {  	s29 =	sadd.s32 @!p2 s29, s20;
	_ =	swait.ge @!p2 [sflag:s5], $0x2400  }
0x92: {  	s3 =	sadd.s32 @!p2 $0x100, s29;
	s7 =	simm.s32 @!p2 $0x80;
	[sflag:s5] =	ssyncset.done @!p2 $0x0  }
0x93: {  	s29 =	simm.s32 @!p2 $0x7;
	[sflag:s5] =	ssyncadd.s32 @!p2 $0xFFFFDC00;
	s5 =	simm.s32 @!p2 $0x9A00  }
0x94: {  	[spmem:s1] =	stream.indirect.scatter.add.f32 @!p2 [tilespmem:s5], [sflag:$0x7], $0x48, s3, s7, $0xb8;
	[tilespmem:$0x1DBC0] =	vst v63  }
0x95: {  	_ =	swait.ge @!p2 [sflag:s29], $0x2400  }
0x96: {  	s3 =	rddreg [dreg:$0x5]  }
0x97: {  	p3 =	sge.u32 @!p2 s22, s3  }
0x98: {  	s30 =	sadd.s32 $0x3, s22;
	[sflag:s29] =	ssyncset.done @!p2 $0x0;
	p3 =	por p3, p2  }
0x99: {  	[sflag:s29] =	ssyncadd.s32 @!p2 $0xFFFFDC00;
	p2 =	sge.u32 s30, s6;
	s5 =	sshra.s32 @!p3 s28, $0x2  }
0x9a: {  	s7 =	simm.s32 @!p3 $0x9A00;
	s29 =	simm.s32 @!p3 $0x80;
	s5 =	sadd.s32 @!p3 s5, s18  }
0x9b: {  	s30 =	sshra.s32 @!p2 s28, $0x2;
	s3 =	sadd.s32 @!p3 $0x400, s5;
	s5 =	simm.s32 @!p2 $0x4  }
0x9c: {  	[tilespmem:s7], [sflag:$0x3] =	stream.indirect.gather @!p3 [hbm4b:s4+s29], $0x48, s3, s29, $0xb8;
	[tilespmem:$0x1DBC0] =	vst v63  }
0x9d: {  	s3 =	sadd.s32 @!p2 s30, s20;
	_ =	swait.ge @!p2 [sflag:s5], $0x2400  }
0x9e: {  	s7 =	simm.s32 @!p2 $0x7;
	s29 =	simm.s32 @!p2 $0xBE00;
	[sflag:s5] =	ssyncset.done @!p2 $0x0  }
0x9f: {  	s3 =	sadd.s32 @!p2 $0x180, s3;
	[sflag:s5] =	ssyncadd.s32 @!p2 $0xFFFFDC00;
	s5 =	simm.s32 @!p2 $0x80  }
0xa0: {  	[spmem:s1] =	stream.indirect.scatter.add.f32 @!p2 [tilespmem:s29], [sflag:$0x7], $0x48, s3, s5, $0xb8;
	[tilespmem:$0x1DBC0] =	vst v63  }
0xa1: {  	_ =	swait.ge @!p2 [sflag:s7], $0x2400  }
0xa2: {  	s3 =	rddreg [dreg:$0x6]  }
0xa3: {  	p3 =	sge.u32 @!p2 s22, s3  }
0xa4: {  	p3 =	por p3, p2  }
0xa5: {  	s30 =	sadd.s32 $0x4, s22;
	[sflag:s7] =	ssyncset.done @!p2 $0x0;
	s3 =	sshra.s32 @!p3 s28, $0x2  }
0xa6: {  	[sflag:s7] =	ssyncadd.s32 @!p2 $0xFFFFDC00;
	p2 =	sge.u32 s30, s6;
	s3 =	sadd.s32 @!p3 s3, s18  }
0xa7: {  	s5 =	simm.s32 @!p3 $0xBE00;
	s29 =	simm.s32 @!p3 $0x80;
	s3 =	sadd.s32 @!p3 $0x480, s3  }
0xa8: {  	[tilespmem:s5], [sflag:$0x4] =	stream.indirect.gather @!p3 [hbm4b:s4+s29], $0x48, s3, s29, $0xb8;
	[tilespmem:$0x1DBC0] =	vst v63  }
0xa9: {  	s3 =	simm.s32 @!p2 $0x5  }
0xaa: {  	s7 =	simm.s32 @!p2 $0xE200;
	s5 =	sshra.s32 @!p2 s28, $0x2;
	_ =	swait.ge @!p2 [sflag:s3], $0x2400  }
0xab: {  	s29 =	simm.s32 @!p2 $0x80;
	s5 =	sadd.s32 @!p2 s5, s20;
	[sflag:s3] =	ssyncset.done @!p2 $0x0  }
0xac: {  	s5 =	sadd.s32 @!p2 $0x200, s5;
	[sflag:s3] =	ssyncadd.s32 @!p2 $0xFFFFDC00;
	s3 =	simm.s32 @!p2 $0x7  }
0xad: {  	[spmem:s1] =	stream.indirect.scatter.add.f32 @!p2 [tilespmem:s7], [sflag:$0x7], $0x48, s5, s29, $0xb8;
	[tilespmem:$0x1DBC0] =	vst v63  }
0xae: {  	_ =	swait.ge @!p2 [sflag:s3], $0x2400  }
0xaf: {  	s5 =	rddreg [dreg:$0x7]  }
0xb0: {  	s2 =	smov.u32 s25;
	p3 =	sge.u32 @!p2 s22, s5  }
0xb1: {  	s25 =	sadd.s32 $0xC00, s25;
	[sflag:s3] =	ssyncset.done @!p2 $0x0;
	p3 =	por p3, p2  }
0xb2: {  	s30 =	sadd.s32 $0x5, s22;
	[sflag:s3] =	ssyncadd.s32 @!p2 $0xFFFFDC00;
	s3 =	sshra.s32 @!p3 s28, $0x2  }
0xb3: {  	p2 =	sge.u32 s30, s6;
	s5 =	simm.s32 @!p3 $0xE200;
	s3 =	sadd.s32 @!p3 s3, s18  }
0xb4: {  	s29 =	simm.s32 @!p3 $0x80;
	s7 =	simm.s32 @!p2 $0x6;
	s3 =	sadd.s32 @!p3 $0x500, s3  }
0xb5: {  	[tilespmem:s5], [sflag:$0x5] =	stream.indirect.gather @!p3 [hbm4b:s4+s29], $0x48, s3, s29, $0xb8;
	[tilespmem:$0x1DBC0] =	vst v63  }
0xb6: {  	p1 =	sne.s32 s25, $0xA800;
	s30 =	sshra.s32 @!p2 s28, $0x2;
	_ =	swait.ge @!p2 [sflag:s7], $0x2400  }
0xb7: {  	s3 =	sadd.s32 @!p2 s30, s20;
	s5 =	simm.s32 @!p2 $0x10600;
	[sflag:s7] =	ssyncset.done @!p2 $0x0  }
0xb8: {  	s29 =	simm.s32 @!p2 $0x80;
	s3 =	sadd.s32 @!p2 $0x280, s3;
	[sflag:s7] =	ssyncadd.s32 @!p2 $0xFFFFDC00  }
0xb9: {  	[spmem:s1] =	stream.indirect.scatter.add.f32 @!p2 [tilespmem:s5], [sflag:$0x7], $0x48, s3, s29, $0xb8;
	[tilespmem:$0x1DBC0] =	vst v63  }
.Ltmp0:
0xba: {  	s7 =	simm.s32 @!p2 $0x7;
	(pc) =	sbr.rel @p1 .LBB2_2-.Ltmp0, $4  }
0xbb: {  	_ =	swait.ge @!p2 [sflag:s7], $0x2400  }
0xbc: {  	[sflag:s7] =	ssyncset.done @!p2 $0x0;
	s3 =	rddreg [dreg:$0x8]  }
0xbd: {  	[sflag:s7] =	ssyncadd.s32 @!p2 $0xFFFFDC00;
	p3 =	sge.u32 @!p2 s22, s3  }
0xbe: {  	s22 =	smov.u32 s26;
	s26 =	sadd.s32 $0x6, s26;
	p3 =	por p3, p2  }
0xbf: {  	s3 =	sshra.s32 @!p3 s28, $0x2  }
0xc0: {  	s5 =	simm.s32 @!p0 $0x1;
	s3 =	sadd.s32 @!p3 s3, s18  }
0xc1: {  	s7 =	simm.s32 @!p3 $0x80;
	s25 =	simm.s32 @!p3 $0x10600;
	s3 =	sadd.s32 @!p3 $0x580, s3  }
0xc2: {  	[tilespmem:s25], [sflag:$0x6] =	stream.indirect.gather @!p3 [hbm4b:s4+s7], $0x48, s3, s7, $0xb8;
	[tilespmem:$0x1DBC0] =	vst v63  }
0xc3: {  	_ =	swait.ge @!p0 [sflag:s5], $0x2400  }
0xc4: {  	s3 =	simm.s32 @!p0 $0x80;
	[sflag:s5] =	ssyncset.done @!p0 $0x0  }
0xc5: {  	s7 =	simm.s32 @!p0 $0x5200;
	[sflag:s5] =	ssyncadd.s32 @!p0 $0xFFFFDC00;
	s5 =	simm.s32 @!p0 $0x7  }
0xc6: {  	[spmem:s1] =	stream.indirect.scatter.add.f32 @!p0 [tilespmem:s7], [sflag:$0x7], $0x48, s24, s3, $0xb8;
	[tilespmem:$0x1DBC0] =	vst v63  }
0xc7: {  	_ =	swait.ge @!p0 [sflag:s5], $0x2400  }
0xc8: {  	s3 =	rddreg [dreg:$0x3]  }
0xc9: {  	p1 =	sge.u32 @!p0 s22, s3  }
0xca: {  	s25 =	sadd.s32 $0x1, s22;
	[sflag:s5] =	ssyncset.done @!p0 $0x0;
	p2 =	por p1, p0  }
0xcb: {  	[sflag:s5] =	ssyncadd.s32 @!p0 $0xFFFFDC00;
	p1 =	sge.u32 s25, s6;
	s3 =	sshra.s32 @!p2 s2, $0x2  }
0xcc: {  	s7 =	simm.s32 @!p2 $0x80;
	s24 =	simm.s32 @!p1 $0x2;
	s3 =	sadd.s32 @!p2 s3, s18  }
0xcd: {  	s5 =	sshra.s32 @!p1 s2, $0x2;
	s25 =	simm.s32 @!p2 $0x5200;
	s3 =	sadd.s32 @!p2 $0x300, s3  }
0xce: {  	[tilespmem:s25], [sflag:$0x1] =	stream.indirect.gather @!p2 [hbm4b:s4+s7], $0x48, s3, s7, $0xb8;
	[tilespmem:$0x1DBC0] =	vst v63  }
0xcf: {  	s3 =	sadd.s32 @!p1 s5, s20;
	_ =	swait.ge @!p1 [sflag:s24], $0x2400  }
0xd0: {  	s5 =	simm.s32 @!p1 $0x80;
	s7 =	simm.s32 @!p1 $0x7;
	[sflag:s24] =	ssyncset.done @!p1 $0x0  }
0xd1: {  	s3 =	sadd.s32 @!p1 $0x80, s3;
	[sflag:s24] =	ssyncadd.s32 @!p1 $0xFFFFDC00;
	s24 =	simm.s32 @!p1 $0x7600  }
0xd2: {  	[spmem:s1] =	stream.indirect.scatter.add.f32 @!p1 [tilespmem:s24], [sflag:$0x7], $0x48, s3, s5, $0xb8;
	[tilespmem:$0x1DBC0] =	vst v63  }
0xd3: {  	_ =	swait.ge @!p1 [sflag:s7], $0x2400  }
0xd4: {  	s3 =	rddreg [dreg:$0x4]  }
0xd5: {  	p0 =	sge.u32 @!p1 s22, s3  }
0xd6: {  	s26 =	sadd.s32 $0x2, s22;
	[sflag:s7] =	ssyncset.done @!p1 $0x0;
	p2 =	por p0, p1  }
0xd7: {  	[sflag:s7] =	ssyncadd.s32 @!p1 $0xFFFFDC00;
	p0 =	sge.u32 s26, s6;
	s5 =	sshra.s32 @!p2 s2, $0x2  }
0xd8: {  	s3 =	simm.s32 @!p2 $0x7600;
	s7 =	simm.s32 @!p0 $0x3;
	s5 =	sadd.s32 @!p2 s5, s18  }
0xd9: {  	s24 =	sshra.s32 @!p0 s2, $0x2;
	s25 =	simm.s32 @!p2 $0x80;
	s5 =	sadd.s32 @!p2 $0x380, s5  }
0xda: {  	[tilespmem:s3], [sflag:$0x2] =	stream.indirect.gather @!p2 [hbm4b:s4+s25], $0x48, s5, s25, $0xb8;
	[tilespmem:$0x1DBC0] =	vst v63  }
0xdb: {  	s3 =	sadd.s32 @!p0 s24, s20;
	_ =	swait.ge @!p0 [sflag:s7], $0x2400  }
0xdc: {  	s5 =	simm.s32 @!p0 $0x80;
	s24 =	simm.s32 @!p0 $0x7;
	[sflag:s7] =	ssyncset.done @!p0 $0x0  }
0xdd: {  	s3 =	sadd.s32 @!p0 $0x100, s3;
	[sflag:s7] =	ssyncadd.s32 @!p0 $0xFFFFDC00;
	s7 =	simm.s32 @!p0 $0x9A00  }
0xde: {  	[spmem:s1] =	stream.indirect.scatter.add.f32 @!p0 [tilespmem:s7], [sflag:$0x7], $0x48, s3, s5, $0xb8;
	[tilespmem:$0x1DBC0] =	vst v63  }
0xdf: {  	_ =	swait.ge @!p0 [sflag:s24], $0x2400  }
0xe0: {  	s3 =	rddreg [dreg:$0x5]  }
0xe1: {  	p1 =	sge.u32 @!p0 s22, s3  }
0xe2: {  	s28 =	sadd.s32 $0x3, s22;
	[sflag:s24] =	ssyncset.done @!p0 $0x0;
	p1 =	por p1, p0  }
0xe3: {  	[sflag:s24] =	ssyncadd.s32 @!p0 $0xFFFFDC00;
	p0 =	sge.u32 s28, s6;
	s5 =	sshra.s32 @!p1 s2, $0x2  }
0xe4: {  	s7 =	simm.s32 @!p1 $0x9A00;
	s24 =	simm.s32 @!p1 $0x80;
	s5 =	sadd.s32 @!p1 s5, s18  }
0xe5: {  	s25 =	sshra.s32 @!p0 s2, $0x2;
	s3 =	sadd.s32 @!p1 $0x400, s5;
	s5 =	simm.s32 @!p0 $0x4  }
0xe6: {  	[tilespmem:s7], [sflag:$0x3] =	stream.indirect.gather @!p1 [hbm4b:s4+s24], $0x48, s3, s24, $0xb8;
	[tilespmem:$0x1DBC0] =	vst v63  }
0xe7: {  	s3 =	sadd.s32 @!p0 s25, s20;
	_ =	swait.ge @!p0 [sflag:s5], $0x2400  }
0xe8: {  	s7 =	simm.s32 @!p0 $0x7;
	s24 =	simm.s32 @!p0 $0xBE00;
	[sflag:s5] =	ssyncset.done @!p0 $0x0  }
0xe9: {  	s3 =	sadd.s32 @!p0 $0x180, s3;
	[sflag:s5] =	ssyncadd.s32 @!p0 $0xFFFFDC00;
	s5 =	simm.s32 @!p0 $0x80  }
0xea: {  	[spmem:s1] =	stream.indirect.scatter.add.f32 @!p0 [tilespmem:s24], [sflag:$0x7], $0x48, s3, s5, $0xb8;
	[tilespmem:$0x1DBC0] =	vst v63  }
0xeb: {  	_ =	swait.ge @!p0 [sflag:s7], $0x2400  }
0xec: {  	s3 =	rddreg [dreg:$0x6]  }
0xed: {  	p1 =	sge.u32 @!p0 s22, s3  }
0xee: {  	p1 =	por p1, p0  }
0xef: {  	s29 =	sadd.s32 $0x4, s22;
	[sflag:s7] =	ssyncset.done @!p0 $0x0;
	s3 =	sshra.s32 @!p1 s2, $0x2  }
0xf0: {  	[sflag:s7] =	ssyncadd.s32 @!p0 $0xFFFFDC00;
	p0 =	sge.u32 s29, s6;
	s3 =	sadd.s32 @!p1 s3, s18  }
0xf1: {  	s5 =	simm.s32 @!p1 $0xBE00;
	s24 =	simm.s32 @!p1 $0x80;
	s3 =	sadd.s32 @!p1 $0x480, s3  }
0xf2: {  	[tilespmem:s5], [sflag:$0x4] =	stream.indirect.gather @!p1 [hbm4b:s4+s24], $0x48, s3, s24, $0xb8;
	[tilespmem:$0x1DBC0] =	vst v63  }
0xf3: {  	s3 =	simm.s32 @!p0 $0x5  }
0xf4: {  	s7 =	simm.s32 @!p0 $0xE200;
	s5 =	sshra.s32 @!p0 s2, $0x2;
	_ =	swait.ge @!p0 [sflag:s3], $0x2400  }
0xf5: {  	s24 =	simm.s32 @!p0 $0x80;
	s5 =	sadd.s32 @!p0 s5, s20;
	[sflag:s3] =	ssyncset.done @!p0 $0x0  }
0xf6: {  	s5 =	sadd.s32 @!p0 $0x200, s5;
	[sflag:s3] =	ssyncadd.s32 @!p0 $0xFFFFDC00;
	s3 =	simm.s32 @!p0 $0x7  }
0xf7: {  	[spmem:s1] =	stream.indirect.scatter.add.f32 @!p0 [tilespmem:s7], [sflag:$0x7], $0x48, s5, s24, $0xb8;
	[tilespmem:$0x1DBC0] =	vst v63  }
0xf8: {  	_ =	swait.ge @!p0 [sflag:s3], $0x2400  }
0xf9: {  	s5 =	rddreg [dreg:$0x7]  }
0xfa: {  	p1 =	sge.u32 @!p0 s22, s5  }
0xfb: {  	s30 =	sadd.s32 $0x5, s22;
	[sflag:s3] =	ssyncset.done @!p0 $0x0;
	p1 =	por p1, p0  }
0xfc: {  	[sflag:s3] =	ssyncadd.s32 @!p0 $0xFFFFDC00;
	p0 =	sge.u32 s30, s6;
	s3 =	sshra.s32 @!p1 s2, $0x2  }
0xfd: {  	s5 =	simm.s32 @!p1 $0xE200;
	s24 =	simm.s32 @!p1 $0x80;
	s3 =	sadd.s32 @!p1 s3, s18  }
0xfe: {  	s7 =	simm.s32 @!p0 $0x6;
	s25 =	sshra.s32 @!p0 s2, $0x2;
	s3 =	sadd.s32 @!p1 $0x500, s3  }
0xff: {  	[tilespmem:s5], [sflag:$0x5] =	stream.indirect.gather @!p1 [hbm4b:s4+s24], $0x48, s3, s24, $0xb8;
	[tilespmem:$0x1DBC0] =	vst v63  }
0x100: {  	s3 =	sadd.s32 @!p0 s25, s20;
	_ =	swait.ge @!p0 [sflag:s7], $0x2400  }
0x101: {  	s5 =	simm.s32 @!p0 $0x10600;
	s24 =	simm.s32 @!p0 $0x80;
	[sflag:s7] =	ssyncset.done @!p0 $0x0  }
0x102: {  	s3 =	sadd.s32 @!p0 $0x280, s3;
	[sflag:s7] =	ssyncadd.s32 @!p0 $0xFFFFDC00;
	s7 =	simm.s32 @!p0 $0x7  }
0x103: {  	[spmem:s1] =	stream.indirect.scatter.add.f32 @!p0 [tilespmem:s5], [sflag:$0x7], $0x48, s3, s24, $0xb8;
	[tilespmem:$0x1DBC0] =	vst v63  }
0x104: {  	_ =	swait.ge @!p0 [sflag:s7], $0x2400  }
0x105: {  	s3 =	rddreg [dreg:$0x8]  }
0x106: {  	p1 =	sge.u32 @!p0 s22, s3  }
0x107: {  	p1 =	por p1, p0  }
0x108: {  	s31 =	sadd.s32 $0x1, s31;
	[sflag:s7] =	ssyncset.done @!p0 $0x0;
	s2 =	sshra.s32 @!p1 s2, $0x2  }
0x109: {  	[sflag:s7] =	ssyncadd.s32 @!p0 $0xFFFFDC00;
	p0 =	sne.s32 s31, s19;
	s2 =	sadd.s32 @!p1 s2, s18  }
0x10a: {  	s3 =	simm.s32 @!p1 $0x80;
	s5 =	simm.s32 @!p1 $0x10600;
	s2 =	sadd.s32 @!p1 $0x580, s2  }
0x10b: {  	[tilespmem:s5], [sflag:$0x6] =	stream.indirect.gather @!p1 [hbm4b:s4+s3], $0x48, s2, s3, $0xb8;
	[tilespmem:$0x1DBC0] =	vst v63  }
.Ltmp1:
0x10c: {  	[bflag:$0x0] =	sbarrier.arrive $0xFFFF;
	(pc) =	sbr.rel @p0 .LBB2_1-.Ltmp1, $4  }
0x10d: {  	[hbm:s17], [sflag:s8] =	dma.local [spmem:s0], $0x1638  }
0x10e: {  	_ =	swait.ge [sflag:s21], $0x1638  }
0x10f: {  	[sflag:s21] =	ssyncset.done $0x0  }
0x110: {  	[sflag:s21] =	ssyncadd.s32 $0xFFFFE9C8  }
0x111: {  	_ =	sfence.sel $0x180000  }
0x112: {  	[bflag:$0x0] =	sbarrier.arrive $0xFFFF  }
0x113: {  	_ =	strace $0x90000047  }
0x114: {  	s0 =	stileid.u32;
	[bflag:$0x2] =	sbarrier.arrive $0xFFFF  }
0x115: {  	p0 =	sne.s32 s0, $0x0;
	s0 =	rddreg [dreg:$0x2]  }
0x116: {  	s0 =	sadd.s32 @!p0 $0x100000, s0  }
0x117: {  	[sflag:s0] =	ssyncadd.tile.s32 @!p0 $0x1;
	_ =	shalt  }
.Lfunc_end2:
_tile_overlayer_lowered:
.L_overlay_start_2:
0x118: {  	(tag) =	ssettag $0x2  }
0x119: {  	s0 =	rddreg [dreg:$0x0];
	s2 =	stileid.u32  }
0x11a: {  	s1 =	rddreg [dreg:$0x1];
	p0 =	sne.s32 s2, $0x0  }
0x11b: {  	s3 =	rddreg [dreg:$0x2];
	[bflag:$0x3] =	sbarrier.arrive $0xFFFF;
	s2 =	simm.s32 @!p0 $0x1C07  }
0x11c: {  	[timem:s3], [sflag:s2] =	dma.local @!p0 [hbm:s0], s1  }
0x11d: {  	s0 =	simm.s32 @!p0 $0x7  }
0x11e: {  	_ =	swait.ge @!p0 [sflag:s0], s1  }
0x11f: {  	s1 =	ssub.s32 @!p0 $0x0, s1;
	[sflag:s0] =	ssyncset.done @!p0 $0x0  }
0x120: {  	[sflag:s0] =	ssyncadd.s32 @!p0 s1  }
0x121: {  	[bflag:$0x3] =	sbarrier.arrive $0xFFFF  }
0x122: {  	_ =	shalt  }

</sc_bundles>
